<compile_context>
chip_gen: v7x
topology: tpu7x:2x2x1
jax: 0.10.2.dev20260603
libtpu: 0.0.44.dev20260713+nightly
codegen_flags: <defaults>
</compile_context>

<pallas_src>
import functools

import jax
import jax.numpy as jnp
from jax import lax
from jax.experimental import pallas as pl
from jax.experimental.pallas import tpu as pltpu
from jax.experimental.pallas import tpu_sc as plsc

B = 4
T = 64
BT = B * T
P_HEMI = 320
P2 = 2 * P_HEMI
V = 153
H = 40962
VT = 2 * H
ROWS_TOTAL = V * P2

NUM_TILES = 32
CHUNK = 128
NCHUNKS = ROWS_TOTAL // CHUNK
LANES = 16

_VB = 9
_V_SPLIT = 72
_CH_SPLIT = _V_SPLIT * P2 // CHUNK

_mesh = plsc.VectorSubcoreMesh(core_axis_name="c", subcore_axis_name="s")


def _make_sc_gather(c0, n_chunks):

    @functools.partial(
        pl.kernel,
        out_type=jax.ShapeDtypeStruct((n_chunks * CHUNK, BT), jnp.float32),
        mesh=_mesh,
        scratch_types=[
            pltpu.VMEM((CHUNK,), jnp.int32),
            pltpu.VMEM((CHUNK,), jnp.int32),
            pltpu.VMEM((CHUNK, BT), jnp.float32),
            pltpu.VMEM((CHUNK, BT), jnp.float32),
            pltpu.SemaphoreType.DMA,
            pltpu.SemaphoreType.DMA,
            pltpu.SemaphoreType.DMA,
            pltpu.SemaphoreType.DMA,
        ],
    )
    def sc_gather(xg_hbm, pi2_hbm, out_hbm, idx0, idx1, buf0, buf1,
                  semg0, semg1, semo0, semo1):
        wid = lax.axis_index("s") * 2 + lax.axis_index("c")
        nchunks_w = jnp.where(wid < n_chunks % NUM_TILES,
                              n_chunks // NUM_TILES + 1,
                              n_chunks // NUM_TILES)
        idxs = (idx0, idx1)
        bufs = (buf0, buf1)
        semgs = (semg0, semg1)
        semos = (semo0, semo1)

        def load_idx(i, idx_v):
            c = wid + i * NUM_TILES
            pltpu.sync_copy(pi2_hbm.at[pl.ds((c0 + c) * CHUNK, CHUNK)], idx_v)

        load_idx(0, idx0)
        pltpu.async_copy(xg_hbm.at[idx0], buf0, semg0)

        def chunk_body(i, carry):
            c = wid + i * NUM_TILES
            for par in range(2):
                @pl.when(i % 2 == par)
                def _():
                    @pl.when(i + 1 < nchunks_w)
                    def _():
                        load_idx(i + 1, idxs[1 - par])

                    @pl.when(i >= 1)
                    def _():
                        pltpu.make_async_copy(
                            bufs[1 - par], out_hbm.at[pl.ds(0, CHUNK)],
                            semos[1 - par]).wait()

                    pltpu.make_async_copy(
                        xg_hbm.at[idxs[par]], bufs[par], semgs[par]).wait()

                    @pl.when(i + 1 < nchunks_w)
                    def _():
                        pltpu.async_copy(
                            xg_hbm.at[idxs[1 - par]], bufs[1 - par],
                            semgs[1 - par])

                    pltpu.async_copy(bufs[par],
                                     out_hbm.at[pl.ds(c * CHUNK, CHUNK)],
                                     semos[par])
            return carry

        lax.fori_loop(0, nchunks_w, chunk_body, 0)

        for par in range(2):
            @pl.when((nchunks_w - 1) % 2 == par)
            def _():
                pltpu.make_async_copy(bufs[par], out_hbm.at[pl.ds(0, CHUNK)],
                                      semos[par]).wait()

    return sc_gather


_sc_gather_a = _make_sc_gather(0, _CH_SPLIT)
_sc_gather_b = _make_sc_gather(_CH_SPLIT, NCHUNKS - _CH_SPLIT)


_HB = 4096


def _repack_body(in_ref, out_ref):
    out_ref[...] = jnp.concatenate([in_ref[b].T for b in range(B)], axis=1)


def _stage_a(xt):
    return pl.pallas_call(
        _repack_body,
        grid=(pl.cdiv(VT, _HB),),
        in_specs=[pl.BlockSpec((B, T, _HB), lambda h: (0, 0, h))],
        out_specs=pl.BlockSpec((_HB, BT), lambda h: (h, 0)),
        out_shape=jax.ShapeDtypeStruct((VT, BT), jnp.float32),
    )(xt)


def _unpack_body(g_ref, out_ref):
    data_t = g_ref[...].T
    for b in range(B):
        for vi in range(_VB):
            out_ref[b, vi] = data_t[b * T:(b + 1) * T,
                                    vi * P2:(vi + 1) * P2]


def _unpack_body2(g_ref, _prev_ref, out_ref):
    _unpack_body(g_ref, out_ref)


def _stage_c(g_a, g_b):
    out_shape = jax.ShapeDtypeStruct((B, V, T, P2), jnp.float32)
    part1 = pl.pallas_call(
        _unpack_body,
        grid=(_V_SPLIT // _VB,),
        in_specs=[pl.BlockSpec((_VB * P2, BT), lambda v: (v, 0))],
        out_specs=pl.BlockSpec((B, _VB, T, P2), lambda v: (0, v, 0, 0)),
        out_shape=out_shape,
    )(g_a)
    return pl.pallas_call(
        _unpack_body2,
        grid=((V - _V_SPLIT) // _VB,),
        in_specs=[
            pl.BlockSpec((_VB * P2, BT), lambda v: (v, 0)),
            pl.BlockSpec(memory_space=pl.ANY),
        ],
        out_specs=pl.BlockSpec((B, _VB, T, P2),
                               lambda v: (0, v + _V_SPLIT // _VB, 0, 0)),
        out_shape=out_shape,
        input_output_aliases={1: 0},
    )(g_b, part1)


def kernel(x, patch_indices):
    xt = jnp.transpose(x, (0, 2, 1))
    piT = patch_indices.T
    pi2 = jnp.concatenate([piT, piT + H], axis=1).reshape(ROWS_TOTAL)
    xg = _stage_a(xt)
    g_a = _sc_gather_a(xg, pi2)
    g_b = _sc_gather_b(xg, pi2)
    out_perm = _stage_c(g_a, g_b)
    return jnp.transpose(out_perm, (0, 2, 3, 1))

# --- scband reference (transcript-rebuilt; emitter-appended) ---
"""Pipeline reference for scband-tokenizer-64183991271921 (READ-ONLY COPY).

The authoritative reference and input builder live on the scoring server;
editing this copy changes nothing except your own understanding.
"""

import jax, jax.numpy as jnp
import numpy as np

B, T = 4, 64
N_PATCHES_PER_HEMI = 320
N_VERTS_PER_PATCH = 153
N_VERTS_HEMI = 40962
N_VERTS_TOTAL = 2 * N_VERTS_HEMI


def setup_inputs(seed: int = 0) -> dict:
    key = jax.random.key(seed)
    k1, k2 = jax.random.split(key)
    x = jax.random.normal(k1, (B, N_VERTS_TOTAL, T), dtype=jnp.float32)
    patch_indices = jax.random.randint(
        k2, (N_PATCHES_PER_HEMI, N_VERTS_PER_PATCH), 0, N_VERTS_HEMI, dtype=jnp.int32
    )
    return {"x": x, "patch_indices": patch_indices}


def _gather_hemi(x_hemi, patch_indices):
    # x_hemi: (B, T, n_verts_hemi); patch_indices: (P, V)
    # Equivalent to torch.gather with broadcast indices along dim=3:
    # result[b, t, p, v] = x_hemi[b, t, patch_indices[p, v]]
    return jnp.take(x_hemi, patch_indices, axis=2)


def reference(x, patch_indices):
    # x: (B, n_vertices_total, T) -> permute to (B, T, n_vertices_total)
    x = jnp.transpose(x, (0, 2, 1))
    n_verts_hemi = x.shape[2] // 2
    left = _gather_hemi(x[:, :, :n_verts_hemi], patch_indices)
    right = _gather_hemi(x[:, :, n_verts_hemi:], patch_indices)
    return jnp.concatenate([left, right], axis=2)

if __name__ == "__main__":
    import jax
    _d = setup_inputs()
    print(jax.jit(kernel)(*tuple(_d.values())))

</pallas_src>

<mosaic_0001>
#map = affine_map<(d0, d1) -> (0, 0)>
#map1 = affine_map<(d0, d1) -> (0)>
module attributes {stable_mosaic.version = 14 : i64} {
  func.func @sc_gather(%arg0: i32, %arg1: i32, %arg2: memref<81924x256xf32, #tpu.memory_space<hbm>>, %arg3: memref<97920xi32, #tpu.memory_space<hbm>>, %arg4: memref<51840x256xf32, #tpu.memory_space<hbm>>, %arg5: memref<128xi32, #tpu.memory_space<vmem>>, %arg6: memref<128xi32, #tpu.memory_space<vmem>>, %arg7: memref<128x256xf32, #tpu.memory_space<vmem>>, %arg8: memref<128x256xf32, #tpu.memory_space<vmem>>, %arg9: memref<!tpu.dma_semaphore, #tpu.memory_space<semaphore_mem>>, %arg10: memref<!tpu.dma_semaphore, #tpu.memory_space<semaphore_mem>>, %arg11: memref<!tpu.dma_semaphore, #tpu.memory_space<semaphore_mem>>, %arg12: memref<!tpu.dma_semaphore, #tpu.memory_space<semaphore_mem>>) attributes {dimension_semantics = [#tpu.dimension_semantics<core_parallel>, #tpu.dimension_semantics<subcore_parallel>], iteration_bounds = array<i64: 2, 16>, scalar_prefetch = 0 : i64, scratch_operands = 8 : i64, tpu.core_type = #tpu.core_type<sc_vector_subcore>, window_params = [{transform_indices = #map}, {transform_indices = #map1}, {transform_indices = #map}]} {
    %mul3A = arith.constant 2 : i32
    %mul3A_0 = arith.muli %arg1, %mul3A : i32
    %add3A = arith.addi %mul3A_0, %arg0 : i32
    %lt3A = arith.constant 21 : i32
    %lt3A_1 = arith.cmpi slt, %add3A, %lt3A : i32
    %jit3A = arith.constant 13 : i32
    %jit3A_2 = arith.constant 12 : i32
    %select_n3A = arith.select %lt3A_1, %jit3A, %jit3A_2 : i32
    %add3A_3 = arith.constant 0 : i32
    %add3A_4 = arith.addi %add3A, %add3A_3 : i32
    %add3A_5 = arith.constant 360 : i32
    %add3A_6 = arith.addi %add3A_5, %add3A_4 : i32
    %mul3A_7 = arith.constant 128 : i32
    %mul3A_8 = arith.muli %add3A_6, %mul3A_7 : i32
    "tpu.region"() ({
      %run_scoped3A = tpu.sem_alloc : memref<!tpu.dma_semaphore, #tpu.memory_space<semaphore_mem>>
      %dma_start3A_59 = tpu.memref_slice %arg3[%mul3A_8] : memref<97920xi32, #tpu.memory_space<hbm>> -> memref<128xi32, #tpu.memory_space<hbm>>
      %dma_start3A_60 = tpu.memref_slice %arg3[%mul3A_8] : memref<97920xi32, #tpu.memory_space<hbm>> -> memref<128xi32, #tpu.memory_space<hbm>>
      tpu.enqueue_dma source(%dma_start3A_60 : memref<128xi32, #tpu.memory_space<hbm>>) target(%arg5 : memref<128xi32, #tpu.memory_space<vmem>>) target_semaphore(%run_scoped3A : memref<!tpu.dma_semaphore, #tpu.memory_space<semaphore_mem>>)
      %dma_wait3A = tpu.memref_slice %arg3[%mul3A_8] : memref<97920xi32, #tpu.memory_space<hbm>> -> memref<128xi32, #tpu.memory_space<hbm>>
      %dma_wait3A_61 = tpu.memref_slice %arg3[%mul3A_8] : memref<97920xi32, #tpu.memory_space<hbm>> -> memref<128xi32, #tpu.memory_space<hbm>>
      tpu.wait_dma2 semaphore(%run_scoped3A : memref<!tpu.dma_semaphore, #tpu.memory_space<semaphore_mem>>) src(%dma_wait3A_61 : memref<128xi32, #tpu.memory_space<hbm>>) dst(%arg5 : memref<128xi32, #tpu.memory_space<vmem>>)
      tpu.yield
    }) : () -> ()
    %dma_start3A = arith.constant 0 : i32
    %dma_start3A_9 = arith.constant 0 : i32
    %dma_start3A_10 = tpu.memref_slice %arg2[%dma_start3A, %dma_start3A_9] : memref<81924x256xf32, #tpu.memory_space<hbm>> -> memref<81924x256xf32, #tpu.memory_space<hbm>>
    tpu.enqueue_indirect_dma source(%dma_start3A_10 : memref<81924x256xf32, #tpu.memory_space<hbm>>) target(%arg7 : memref<128x256xf32, #tpu.memory_space<vmem>>) offsets(%arg5 : memref<128xi32, #tpu.memory_space<vmem>>) semaphore(%arg9 : memref<!tpu.dma_semaphore, #tpu.memory_space<semaphore_mem>>)
    %while3A = arith.constant 0 : i32
    %while3A_11 = arith.constant 0 : i32
    %while3A_12 = arith.subi %select_n3A, %while3A_11 : i32
    %while3A_13 = arith.addi %while3A_11, %while3A_12 : i32
    %while3A_14 = arith.constant 1 : i32
    %while3A_15 = arith.divsi %while3A_12, %while3A_14 : i32
    %while3A_16 = arith.muli %while3A_15, %while3A_14 : i32
    %while3A_17 = arith.addi %while3A_11, %while3A_16 : i32
    %while3A_18 = arith.constant 1 : i32
    scf.for %while3A_59 = %while3A_11 to %while3A_17 step %while3A_18  : i32 {
      %mul3A_60 = arith.constant 32 : i32
      %mul3A_61 = arith.muli %while3A_59, %mul3A_60 : i32
      %add3A_62 = arith.addi %add3A, %mul3A_61 : i32
      %jit3A_63 = arith.constant 2 : i32
      %eq3A_64 = arith.constant 0 : i32
      %eq3A_65 = arith.cmpi eq, %jit3A_63, %eq3A_64 : i32
      %jit3A_66 = arith.constant 1 : i32
      %select_n3A_67 = arith.select %eq3A_65, %jit3A_66, %jit3A_63 : i32
      %rem3A_68 = arith.remsi %while3A_59, %select_n3A_67 : i32
      %ne3A_69 = arith.constant 0 : i32
      %ne3A_70 = arith.cmpi ne, %rem3A_68, %ne3A_69 : i32
      %lt3A_71 = arith.constant 0 : i32
      %lt3A_72 = arith.cmpi slt, %rem3A_68, %lt3A_71 : i32
      %lt3A_73 = arith.constant 0 : i32
      %lt3A_74 = arith.cmpi slt, %select_n3A_67, %lt3A_73 : i32
      %ne3A_75 = arith.xori %lt3A_72, %lt3A_74 : i1
      %and3A_76 = arith.andi %ne3A_75, %ne3A_70 : i1
      %add3A_77 = arith.addi %rem3A_68, %select_n3A_67 : i32
      %select_n3A_78 = arith.select %and3A_76, %add3A_77, %rem3A_68 : i32
      %eq3A_79 = arith.constant 0 : i32
      %eq3A_80 = arith.cmpi eq, %select_n3A_78, %eq3A_79 : i32
      %convert_element_type3A_81 = arith.extui %eq3A_80 : i1 to i32
      %cond3A_82 = arith.constant 0 : i32
      %cond3A_83 = arith.cmpi ne, %convert_element_type3A_81, %cond3A_82 : i32
      scf.if %cond3A_83 {
        %add3A_105 = arith.constant 1 : i32
        %add3A_106 = arith.addi %while3A_59, %add3A_105 : i32
        %lt3A_107 = arith.cmpi slt, %add3A_106, %select_n3A : i32
        %convert_element_type3A_108 = arith.extui %lt3A_107 : i1 to i32
        %cond3A_109 = arith.constant 0 : i32
        %cond3A_110 = arith.cmpi ne, %convert_element_type3A_108, %cond3A_109 : i32
        scf.if %cond3A_110 {
          %add3A_129 = arith.constant 1 : i32
          %add3A_130 = arith.addi %while3A_59, %add3A_129 : i32
          %mul3A_131 = arith.constant 32 : i32
          %mul3A_132 = arith.muli %add3A_130, %mul3A_131 : i32
          %add3A_133 = arith.addi %add3A, %mul3A_132 : i32
          %add3A_134 = arith.constant 360 : i32
          %add3A_135 = arith.addi %add3A_134, %add3A_133 : i32
          %mul3A_136 = arith.constant 128 : i32
          %mul3A_137 = arith.muli %add3A_135, %mul3A_136 : i32
          "tpu.region"() ({
            %run_scoped3A = tpu.sem_alloc : memref<!tpu.dma_semaphore, #tpu.memory_space<semaphore_mem>>
            %dma_start3A_138 = tpu.memref_slice %arg3[%mul3A_137] : memref<97920xi32, #tpu.memory_space<hbm>> -> memref<128xi32, #tpu.memory_space<hbm>>
            %dma_start3A_139 = tpu.memref_slice %arg3[%mul3A_137] : memref<97920xi32, #tpu.memory_space<hbm>> -> memref<128xi32, #tpu.memory_space<hbm>>
            tpu.enqueue_dma source(%dma_start3A_139 : memref<128xi32, #tpu.memory_space<hbm>>) target(%arg6 : memref<128xi32, #tpu.memory_space<vmem>>) target_semaphore(%run_scoped3A : memref<!tpu.dma_semaphore, #tpu.memory_space<semaphore_mem>>)
            %dma_wait3A_140 = tpu.memref_slice %arg3[%mul3A_137] : memref<97920xi32, #tpu.memory_space<hbm>> -> memref<128xi32, #tpu.memory_space<hbm>>
            %dma_wait3A_141 = tpu.memref_slice %arg3[%mul3A_137] : memref<97920xi32, #tpu.memory_space<hbm>> -> memref<128xi32, #tpu.memory_space<hbm>>
            tpu.wait_dma2 semaphore(%run_scoped3A : memref<!tpu.dma_semaphore, #tpu.memory_space<semaphore_mem>>) src(%dma_wait3A_141 : memref<128xi32, #tpu.memory_space<hbm>>) dst(%arg6 : memref<128xi32, #tpu.memory_space<vmem>>)
            tpu.yield
          }) : () -> ()
        } else {
        }
        %ge3A = arith.constant 1 : i32
        %ge3A_111 = arith.cmpi sge, %while3A_59, %ge3A : i32
        %convert_element_type3A_112 = arith.extui %ge3A_111 : i1 to i32
        %cond3A_113 = arith.constant 0 : i32
        %cond3A_114 = arith.cmpi ne, %convert_element_type3A_112, %cond3A_113 : i32
        scf.if %cond3A_114 {
          %dma_wait3A_129 = arith.constant 0 : i32
          %dma_wait3A_130 = arith.constant 0 : i32
          %dma_wait3A_131 = tpu.memref_slice %arg4[%dma_wait3A_129, %dma_wait3A_130] : memref<51840x256xf32, #tpu.memory_space<hbm>> -> memref<128x256xf32, #tpu.memory_space<hbm>>
          %dma_wait3A_132 = arith.constant 0 : i32
          %dma_wait3A_133 = arith.constant 0 : i32
          %dma_wait3A_134 = tpu.memref_slice %arg4[%dma_wait3A_132, %dma_wait3A_133] : memref<51840x256xf32, #tpu.memory_space<hbm>> -> memref<128x256xf32, #tpu.memory_space<hbm>>
          tpu.wait_dma2 semaphore(%arg12 : memref<!tpu.dma_semaphore, #tpu.memory_space<semaphore_mem>>) src(%arg8 : memref<128x256xf32, #tpu.memory_space<vmem>>) dst(%dma_wait3A_134 : memref<128x256xf32, #tpu.memory_space<hbm>>)
        } else {
        }
        %dma_wait3A = arith.constant 0 : i32
        %dma_wait3A_115 = arith.constant 0 : i32
        %dma_wait3A_116 = tpu.memref_slice %arg2[%dma_wait3A, %dma_wait3A_115] : memref<81924x256xf32, #tpu.memory_space<hbm>> -> memref<81924x256xf32, #tpu.memory_space<hbm>>
        tpu.wait_indirect_dma semaphore(%arg9 : memref<!tpu.dma_semaphore, #tpu.memory_space<semaphore_mem>>) src(%dma_wait3A_116 : memref<81924x256xf32, #tpu.memory_space<hbm>>) dst(%arg7 : memref<128x256xf32, #tpu.memory_space<vmem>>)
        %add3A_117 = arith.constant 1 : i32
        %add3A_118 = arith.addi %while3A_59, %add3A_117 : i32
        %lt3A_119 = arith.cmpi slt, %add3A_118, %select_n3A : i32
        %convert_element_type3A_120 = arith.extui %lt3A_119 : i1 to i32
        %cond3A_121 = arith.constant 0 : i32
        %cond3A_122 = arith.cmpi ne, %convert_element_type3A_120, %cond3A_121 : i32
        scf.if %cond3A_122 {
          %dma_start3A_129 = arith.constant 0 : i32
          %dma_start3A_130 = arith.constant 0 : i32
          %dma_start3A_131 = tpu.memref_slice %arg2[%dma_start3A_129, %dma_start3A_130] : memref<81924x256xf32, #tpu.memory_space<hbm>> -> memref<81924x256xf32, #tpu.memory_space<hbm>>
          tpu.enqueue_indirect_dma source(%dma_start3A_131 : memref<81924x256xf32, #tpu.memory_space<hbm>>) target(%arg8 : memref<128x256xf32, #tpu.memory_space<vmem>>) offsets(%arg6 : memref<128xi32, #tpu.memory_space<vmem>>) semaphore(%arg10 : memref<!tpu.dma_semaphore, #tpu.memory_space<semaphore_mem>>)
        } else {
        }
        %mul3A_123 = arith.constant 128 : i32
        %mul3A_124 = arith.muli %add3A_62, %mul3A_123 : i32
        %dma_start3A_125 = arith.constant 0 : i32
        %dma_start3A_126 = tpu.memref_slice %arg4[%mul3A_124, %dma_start3A_125] : memref<51840x256xf32, #tpu.memory_space<hbm>> -> memref<128x256xf32, #tpu.memory_space<hbm>>
        %dma_start3A_127 = arith.constant 0 : i32
        %dma_start3A_128 = tpu.memref_slice %arg4[%mul3A_124, %dma_start3A_127] : memref<51840x256xf32, #tpu.memory_space<hbm>> -> memref<128x256xf32, #tpu.memory_space<hbm>>
        tpu.enqueue_dma source(%arg7 : memref<128x256xf32, #tpu.memory_space<vmem>>) target(%dma_start3A_128 : memref<128x256xf32, #tpu.memory_space<hbm>>) target_semaphore(%arg11 : memref<!tpu.dma_semaphore, #tpu.memory_space<semaphore_mem>>)
      } else {
      }
      %jit3A_84 = arith.constant 2 : i32
      %eq3A_85 = arith.constant 0 : i32
      %eq3A_86 = arith.cmpi eq, %jit3A_84, %eq3A_85 : i32
      %jit3A_87 = arith.constant 1 : i32
      %select_n3A_88 = arith.select %eq3A_86, %jit3A_87, %jit3A_84 : i32
      %rem3A_89 = arith.remsi %while3A_59, %select_n3A_88 : i32
      %ne3A_90 = arith.constant 0 : i32
      %ne3A_91 = arith.cmpi ne, %rem3A_89, %ne3A_90 : i32
      %lt3A_92 = arith.constant 0 : i32
      %lt3A_93 = arith.cmpi slt, %rem3A_89, %lt3A_92 : i32
      %lt3A_94 = arith.constant 0 : i32
      %lt3A_95 = arith.cmpi slt, %select_n3A_88, %lt3A_94 : i32
      %ne3A_96 = arith.xori %lt3A_93, %lt3A_95 : i1
      %and3A_97 = arith.andi %ne3A_96, %ne3A_91 : i1
      %add3A_98 = arith.addi %rem3A_89, %select_n3A_88 : i32
      %select_n3A_99 = arith.select %and3A_97, %add3A_98, %rem3A_89 : i32
      %eq3A_100 = arith.constant 1 : i32
      %eq3A_101 = arith.cmpi eq, %select_n3A_99, %eq3A_100 : i32
      %convert_element_type3A_102 = arith.extui %eq3A_101 : i1 to i32
      %cond3A_103 = arith.constant 0 : i32
      %cond3A_104 = arith.cmpi ne, %convert_element_type3A_102, %cond3A_103 : i32
      scf.if %cond3A_104 {
        %add3A_105 = arith.constant 1 : i32
        %add3A_106 = arith.addi %while3A_59, %add3A_105 : i32
        %lt3A_107 = arith.cmpi slt, %add3A_106, %select_n3A : i32
        %convert_element_type3A_108 = arith.extui %lt3A_107 : i1 to i32
        %cond3A_109 = arith.constant 0 : i32
        %cond3A_110 = arith.cmpi ne, %convert_element_type3A_108, %cond3A_109 : i32
        scf.if %cond3A_110 {
          %add3A_129 = arith.constant 1 : i32
          %add3A_130 = arith.addi %while3A_59, %add3A_129 : i32
          %mul3A_131 = arith.constant 32 : i32
          %mul3A_132 = arith.muli %add3A_130, %mul3A_131 : i32
          %add3A_133 = arith.addi %add3A, %mul3A_132 : i32
          %add3A_134 = arith.constant 360 : i32
          %add3A_135 = arith.addi %add3A_134, %add3A_133 : i32
          %mul3A_136 = arith.constant 128 : i32
          %mul3A_137 = arith.muli %add3A_135, %mul3A_136 : i32
          "tpu.region"() ({
            %run_scoped3A = tpu.sem_alloc : memref<!tpu.dma_semaphore, #tpu.memory_space<semaphore_mem>>
            %dma_start3A_138 = tpu.memref_slice %arg3[%mul3A_137] : memref<97920xi32, #tpu.memory_space<hbm>> -> memref<128xi32, #tpu.memory_space<hbm>>
            %dma_start3A_139 = tpu.memref_slice %arg3[%mul3A_137] : memref<97920xi32, #tpu.memory_space<hbm>> -> memref<128xi32, #tpu.memory_space<hbm>>
            tpu.enqueue_dma source(%dma_start3A_139 : memref<128xi32, #tpu.memory_space<hbm>>) target(%arg5 : memref<128xi32, #tpu.memory_space<vmem>>) target_semaphore(%run_scoped3A : memref<!tpu.dma_semaphore, #tpu.memory_space<semaphore_mem>>)
            %dma_wait3A_140 = tpu.memref_slice %arg3[%mul3A_137] : memref<97920xi32, #tpu.memory_space<hbm>> -> memref<128xi32, #tpu.memory_space<hbm>>
            %dma_wait3A_141 = tpu.memref_slice %arg3[%mul3A_137] : memref<97920xi32, #tpu.memory_space<hbm>> -> memref<128xi32, #tpu.memory_space<hbm>>
            tpu.wait_dma2 semaphore(%run_scoped3A : memref<!tpu.dma_semaphore, #tpu.memory_space<semaphore_mem>>) src(%dma_wait3A_141 : memref<128xi32, #tpu.memory_space<hbm>>) dst(%arg5 : memref<128xi32, #tpu.memory_space<vmem>>)
            tpu.yield
          }) : () -> ()
        } else {
        }
        %ge3A = arith.constant 1 : i32
        %ge3A_111 = arith.cmpi sge, %while3A_59, %ge3A : i32
        %convert_element_type3A_112 = arith.extui %ge3A_111 : i1 to i32
        %cond3A_113 = arith.constant 0 : i32
        %cond3A_114 = arith.cmpi ne, %convert_element_type3A_112, %cond3A_113 : i32
        scf.if %cond3A_114 {
          %dma_wait3A_129 = arith.constant 0 : i32
          %dma_wait3A_130 = arith.constant 0 : i32
          %dma_wait3A_131 = tpu.memref_slice %arg4[%dma_wait3A_129, %dma_wait3A_130] : memref<51840x256xf32, #tpu.memory_space<hbm>> -> memref<128x256xf32, #tpu.memory_space<hbm>>
          %dma_wait3A_132 = arith.constant 0 : i32
          %dma_wait3A_133 = arith.constant 0 : i32
          %dma_wait3A_134 = tpu.memref_slice %arg4[%dma_wait3A_132, %dma_wait3A_133] : memref<51840x256xf32, #tpu.memory_space<hbm>> -> memref<128x256xf32, #tpu.memory_space<hbm>>
          tpu.wait_dma2 semaphore(%arg11 : memref<!tpu.dma_semaphore, #tpu.memory_space<semaphore_mem>>) src(%arg7 : memref<128x256xf32, #tpu.memory_space<vmem>>) dst(%dma_wait3A_134 : memref<128x256xf32, #tpu.memory_space<hbm>>)
        } else {
        }
        %dma_wait3A = arith.constant 0 : i32
        %dma_wait3A_115 = arith.constant 0 : i32
        %dma_wait3A_116 = tpu.memref_slice %arg2[%dma_wait3A, %dma_wait3A_115] : memref<81924x256xf32, #tpu.memory_space<hbm>> -> memref<81924x256xf32, #tpu.memory_space<hbm>>
        tpu.wait_indirect_dma semaphore(%arg10 : memref<!tpu.dma_semaphore, #tpu.memory_space<semaphore_mem>>) src(%dma_wait3A_116 : memref<81924x256xf32, #tpu.memory_space<hbm>>) dst(%arg8 : memref<128x256xf32, #tpu.memory_space<vmem>>)
        %add3A_117 = arith.constant 1 : i32
        %add3A_118 = arith.addi %while3A_59, %add3A_117 : i32
        %lt3A_119 = arith.cmpi slt, %add3A_118, %select_n3A : i32
        %convert_element_type3A_120 = arith.extui %lt3A_119 : i1 to i32
        %cond3A_121 = arith.constant 0 : i32
        %cond3A_122 = arith.cmpi ne, %convert_element_type3A_120, %cond3A_121 : i32
        scf.if %cond3A_122 {
          %dma_start3A_129 = arith.constant 0 : i32
          %dma_start3A_130 = arith.constant 0 : i32
          %dma_start3A_131 = tpu.memref_slice %arg2[%dma_start3A_129, %dma_start3A_130] : memref<81924x256xf32, #tpu.memory_space<hbm>> -> memref<81924x256xf32, #tpu.memory_space<hbm>>
          tpu.enqueue_indirect_dma source(%dma_start3A_131 : memref<81924x256xf32, #tpu.memory_space<hbm>>) target(%arg7 : memref<128x256xf32, #tpu.memory_space<vmem>>) offsets(%arg5 : memref<128xi32, #tpu.memory_space<vmem>>) semaphore(%arg9 : memref<!tpu.dma_semaphore, #tpu.memory_space<semaphore_mem>>)
        } else {
        }
        %mul3A_123 = arith.constant 128 : i32
        %mul3A_124 = arith.muli %add3A_62, %mul3A_123 : i32
        %dma_start3A_125 = arith.constant 0 : i32
        %dma_start3A_126 = tpu.memref_slice %arg4[%mul3A_124, %dma_start3A_125] : memref<51840x256xf32, #tpu.memory_space<hbm>> -> memref<128x256xf32, #tpu.memory_space<hbm>>
        %dma_start3A_127 = arith.constant 0 : i32
        %dma_start3A_128 = tpu.memref_slice %arg4[%mul3A_124, %dma_start3A_127] : memref<51840x256xf32, #tpu.memory_space<hbm>> -> memref<128x256xf32, #tpu.memory_space<hbm>>
        tpu.enqueue_dma source(%arg8 : memref<128x256xf32, #tpu.memory_space<vmem>>) target(%dma_start3A_128 : memref<128x256xf32, #tpu.memory_space<hbm>>) target_semaphore(%arg12 : memref<!tpu.dma_semaphore, #tpu.memory_space<semaphore_mem>>)
      } else {
      }
    }
    %while3A_19 = arith.constant 1 : i32
    scf.for %while3A_59 = %while3A_17 to %while3A_13 step %while3A_19  : i32 {
      %mul3A_60 = arith.constant 32 : i32
      %mul3A_61 = arith.muli %while3A_59, %mul3A_60 : i32
      %add3A_62 = arith.addi %add3A, %mul3A_61 : i32
      %jit3A_63 = arith.constant 2 : i32
      %eq3A_64 = arith.constant 0 : i32
      %eq3A_65 = arith.cmpi eq, %jit3A_63, %eq3A_64 : i32
      %jit3A_66 = arith.constant 1 : i32
      %select_n3A_67 = arith.select %eq3A_65, %jit3A_66, %jit3A_63 : i32
      %rem3A_68 = arith.remsi %while3A_59, %select_n3A_67 : i32
      %ne3A_69 = arith.constant 0 : i32
      %ne3A_70 = arith.cmpi ne, %rem3A_68, %ne3A_69 : i32
      %lt3A_71 = arith.constant 0 : i32
      %lt3A_72 = arith.cmpi slt, %rem3A_68, %lt3A_71 : i32
      %lt3A_73 = arith.constant 0 : i32
      %lt3A_74 = arith.cmpi slt, %select_n3A_67, %lt3A_73 : i32
      %ne3A_75 = arith.xori %lt3A_72, %lt3A_74 : i1
      %and3A_76 = arith.andi %ne3A_75, %ne3A_70 : i1
      %add3A_77 = arith.addi %rem3A_68, %select_n3A_67 : i32
      %select_n3A_78 = arith.select %and3A_76, %add3A_77, %rem3A_68 : i32
      %eq3A_79 = arith.constant 0 : i32
      %eq3A_80 = arith.cmpi eq, %select_n3A_78, %eq3A_79 : i32
      %convert_element_type3A_81 = arith.extui %eq3A_80 : i1 to i32
      %cond3A_82 = arith.constant 0 : i32
      %cond3A_83 = arith.cmpi ne, %convert_element_type3A_81, %cond3A_82 : i32
      scf.if %cond3A_83 {
        %add3A_105 = arith.constant 1 : i32
        %add3A_106 = arith.addi %while3A_59, %add3A_105 : i32
        %lt3A_107 = arith.cmpi slt, %add3A_106, %select_n3A : i32
        %convert_element_type3A_108 = arith.extui %lt3A_107 : i1 to i32
        %cond3A_109 = arith.constant 0 : i32
        %cond3A_110 = arith.cmpi ne, %convert_element_type3A_108, %cond3A_109 : i32
        scf.if %cond3A_110 {
          %add3A_129 = arith.constant 1 : i32
          %add3A_130 = arith.addi %while3A_59, %add3A_129 : i32
          %mul3A_131 = arith.constant 32 : i32
          %mul3A_132 = arith.muli %add3A_130, %mul3A_131 : i32
          %add3A_133 = arith.addi %add3A, %mul3A_132 : i32
          %add3A_134 = arith.constant 360 : i32
          %add3A_135 = arith.addi %add3A_134, %add3A_133 : i32
          %mul3A_136 = arith.constant 128 : i32
          %mul3A_137 = arith.muli %add3A_135, %mul3A_136 : i32
          "tpu.region"() ({
            %run_scoped3A = tpu.sem_alloc : memref<!tpu.dma_semaphore, #tpu.memory_space<semaphore_mem>>
            %dma_start3A_138 = tpu.memref_slice %arg3[%mul3A_137] : memref<97920xi32, #tpu.memory_space<hbm>> -> memref<128xi32, #tpu.memory_space<hbm>>
            %dma_start3A_139 = tpu.memref_slice %arg3[%mul3A_137] : memref<97920xi32, #tpu.memory_space<hbm>> -> memref<128xi32, #tpu.memory_space<hbm>>
            tpu.enqueue_dma source(%dma_start3A_139 : memref<128xi32, #tpu.memory_space<hbm>>) target(%arg6 : memref<128xi32, #tpu.memory_space<vmem>>) target_semaphore(%run_scoped3A : memref<!tpu.dma_semaphore, #tpu.memory_space<semaphore_mem>>)
            %dma_wait3A_140 = tpu.memref_slice %arg3[%mul3A_137] : memref<97920xi32, #tpu.memory_space<hbm>> -> memref<128xi32, #tpu.memory_space<hbm>>
            %dma_wait3A_141 = tpu.memref_slice %arg3[%mul3A_137] : memref<97920xi32, #tpu.memory_space<hbm>> -> memref<128xi32, #tpu.memory_space<hbm>>
            tpu.wait_dma2 semaphore(%run_scoped3A : memref<!tpu.dma_semaphore, #tpu.memory_space<semaphore_mem>>) src(%dma_wait3A_141 : memref<128xi32, #tpu.memory_space<hbm>>) dst(%arg6 : memref<128xi32, #tpu.memory_space<vmem>>)
            tpu.yield
          }) : () -> ()
        } else {
        }
        %ge3A = arith.constant 1 : i32
        %ge3A_111 = arith.cmpi sge, %while3A_59, %ge3A : i32
        %convert_element_type3A_112 = arith.extui %ge3A_111 : i1 to i32
        %cond3A_113 = arith.constant 0 : i32
        %cond3A_114 = arith.cmpi ne, %convert_element_type3A_112, %cond3A_113 : i32
        scf.if %cond3A_114 {
          %dma_wait3A_129 = arith.constant 0 : i32
          %dma_wait3A_130 = arith.constant 0 : i32
          %dma_wait3A_131 = tpu.memref_slice %arg4[%dma_wait3A_129, %dma_wait3A_130] : memref<51840x256xf32, #tpu.memory_space<hbm>> -> memref<128x256xf32, #tpu.memory_space<hbm>>
          %dma_wait3A_132 = arith.constant 0 : i32
          %dma_wait3A_133 = arith.constant 0 : i32
          %dma_wait3A_134 = tpu.memref_slice %arg4[%dma_wait3A_132, %dma_wait3A_133] : memref<51840x256xf32, #tpu.memory_space<hbm>> -> memref<128x256xf32, #tpu.memory_space<hbm>>
          tpu.wait_dma2 semaphore(%arg12 : memref<!tpu.dma_semaphore, #tpu.memory_space<semaphore_mem>>) src(%arg8 : memref<128x256xf32, #tpu.memory_space<vmem>>) dst(%dma_wait3A_134 : memref<128x256xf32, #tpu.memory_space<hbm>>)
        } else {
        }
        %dma_wait3A = arith.constant 0 : i32
        %dma_wait3A_115 = arith.constant 0 : i32
        %dma_wait3A_116 = tpu.memref_slice %arg2[%dma_wait3A, %dma_wait3A_115] : memref<81924x256xf32, #tpu.memory_space<hbm>> -> memref<81924x256xf32, #tpu.memory_space<hbm>>
        tpu.wait_indirect_dma semaphore(%arg9 : memref<!tpu.dma_semaphore, #tpu.memory_space<semaphore_mem>>) src(%dma_wait3A_116 : memref<81924x256xf32, #tpu.memory_space<hbm>>) dst(%arg7 : memref<128x256xf32, #tpu.memory_space<vmem>>)
        %add3A_117 = arith.constant 1 : i32
        %add3A_118 = arith.addi %while3A_59, %add3A_117 : i32
        %lt3A_119 = arith.cmpi slt, %add3A_118, %select_n3A : i32
        %convert_element_type3A_120 = arith.extui %lt3A_119 : i1 to i32
        %cond3A_121 = arith.constant 0 : i32
        %cond3A_122 = arith.cmpi ne, %convert_element_type3A_120, %cond3A_121 : i32
        scf.if %cond3A_122 {
          %dma_start3A_129 = arith.constant 0 : i32
          %dma_start3A_130 = arith.constant 0 : i32
          %dma_start3A_131 = tpu.memref_slice %arg2[%dma_start3A_129, %dma_start3A_130] : memref<81924x256xf32, #tpu.memory_space<hbm>> -> memref<81924x256xf32, #tpu.memory_space<hbm>>
          tpu.enqueue_indirect_dma source(%dma_start3A_131 : memref<81924x256xf32, #tpu.memory_space<hbm>>) target(%arg8 : memref<128x256xf32, #tpu.memory_space<vmem>>) offsets(%arg6 : memref<128xi32, #tpu.memory_space<vmem>>) semaphore(%arg10 : memref<!tpu.dma_semaphore, #tpu.memory_space<semaphore_mem>>)
        } else {
        }
        %mul3A_123 = arith.constant 128 : i32
        %mul3A_124 = arith.muli %add3A_62, %mul3A_123 : i32
        %dma_start3A_125 = arith.constant 0 : i32
        %dma_start3A_126 = tpu.memref_slice %arg4[%mul3A_124, %dma_start3A_125] : memref<51840x256xf32, #tpu.memory_space<hbm>> -> memref<128x256xf32, #tpu.memory_space<hbm>>
        %dma_start3A_127 = arith.constant 0 : i32
        %dma_start3A_128 = tpu.memref_slice %arg4[%mul3A_124, %dma_start3A_127] : memref<51840x256xf32, #tpu.memory_space<hbm>> -> memref<128x256xf32, #tpu.memory_space<hbm>>
        tpu.enqueue_dma source(%arg7 : memref<128x256xf32, #tpu.memory_space<vmem>>) target(%dma_start3A_128 : memref<128x256xf32, #tpu.memory_space<hbm>>) target_semaphore(%arg11 : memref<!tpu.dma_semaphore, #tpu.memory_space<semaphore_mem>>)
      } else {
      }
      %jit3A_84 = arith.constant 2 : i32
      %eq3A_85 = arith.constant 0 : i32
      %eq3A_86 = arith.cmpi eq, %jit3A_84, %eq3A_85 : i32
      %jit3A_87 = arith.constant 1 : i32
      %select_n3A_88 = arith.select %eq3A_86, %jit3A_87, %jit3A_84 : i32
      %rem3A_89 = arith.remsi %while3A_59, %select_n3A_88 : i32
      %ne3A_90 = arith.constant 0 : i32
      %ne3A_91 = arith.cmpi ne, %rem3A_89, %ne3A_90 : i32
      %lt3A_92 = arith.constant 0 : i32
      %lt3A_93 = arith.cmpi slt, %rem3A_89, %lt3A_92 : i32
      %lt3A_94 = arith.constant 0 : i32
      %lt3A_95 = arith.cmpi slt, %select_n3A_88, %lt3A_94 : i32
      %ne3A_96 = arith.xori %lt3A_93, %lt3A_95 : i1
      %and3A_97 = arith.andi %ne3A_96, %ne3A_91 : i1
      %add3A_98 = arith.addi %rem3A_89, %select_n3A_88 : i32
      %select_n3A_99 = arith.select %and3A_97, %add3A_98, %rem3A_89 : i32
      %eq3A_100 = arith.constant 1 : i32
      %eq3A_101 = arith.cmpi eq, %select_n3A_99, %eq3A_100 : i32
      %convert_element_type3A_102 = arith.extui %eq3A_101 : i1 to i32
      %cond3A_103 = arith.constant 0 : i32
      %cond3A_104 = arith.cmpi ne, %convert_element_type3A_102, %cond3A_103 : i32
      scf.if %cond3A_104 {
        %add3A_105 = arith.constant 1 : i32
        %add3A_106 = arith.addi %while3A_59, %add3A_105 : i32
        %lt3A_107 = arith.cmpi slt, %add3A_106, %select_n3A : i32
        %convert_element_type3A_108 = arith.extui %lt3A_107 : i1 to i32
        %cond3A_109 = arith.constant 0 : i32
        %cond3A_110 = arith.cmpi ne, %convert_element_type3A_108, %cond3A_109 : i32
        scf.if %cond3A_110 {
          %add3A_129 = arith.constant 1 : i32
          %add3A_130 = arith.addi %while3A_59, %add3A_129 : i32
          %mul3A_131 = arith.constant 32 : i32
          %mul3A_132 = arith.muli %add3A_130, %mul3A_131 : i32
          %add3A_133 = arith.addi %add3A, %mul3A_132 : i32
          %add3A_134 = arith.constant 360 : i32
          %add3A_135 = arith.addi %add3A_134, %add3A_133 : i32
          %mul3A_136 = arith.constant 128 : i32
          %mul3A_137 = arith.muli %add3A_135, %mul3A_136 : i32
          "tpu.region"() ({
            %run_scoped3A = tpu.sem_alloc : memref<!tpu.dma_semaphore, #tpu.memory_space<semaphore_mem>>
            %dma_start3A_138 = tpu.memref_slice %arg3[%mul3A_137] : memref<97920xi32, #tpu.memory_space<hbm>> -> memref<128xi32, #tpu.memory_space<hbm>>
            %dma_start3A_139 = tpu.memref_slice %arg3[%mul3A_137] : memref<97920xi32, #tpu.memory_space<hbm>> -> memref<128xi32, #tpu.memory_space<hbm>>
            tpu.enqueue_dma source(%dma_start3A_139 : memref<128xi32, #tpu.memory_space<hbm>>) target(%arg5 : memref<128xi32, #tpu.memory_space<vmem>>) target_semaphore(%run_scoped3A : memref<!tpu.dma_semaphore, #tpu.memory_space<semaphore_mem>>)
            %dma_wait3A_140 = tpu.memref_slice %arg3[%mul3A_137] : memref<97920xi32, #tpu.memory_space<hbm>> -> memref<128xi32, #tpu.memory_space<hbm>>
            %dma_wait3A_141 = tpu.memref_slice %arg3[%mul3A_137] : memref<97920xi32, #tpu.memory_space<hbm>> -> memref<128xi32, #tpu.memory_space<hbm>>
            tpu.wait_dma2 semaphore(%run_scoped3A : memref<!tpu.dma_semaphore, #tpu.memory_space<semaphore_mem>>) src(%dma_wait3A_141 : memref<128xi32, #tpu.memory_space<hbm>>) dst(%arg5 : memref<128xi32, #tpu.memory_space<vmem>>)
            tpu.yield
          }) : () -> ()
        } else {
        }
        %ge3A = arith.constant 1 : i32
        %ge3A_111 = arith.cmpi sge, %while3A_59, %ge3A : i32
        %convert_element_type3A_112 = arith.extui %ge3A_111 : i1 to i32
        %cond3A_113 = arith.constant 0 : i32
        %cond3A_114 = arith.cmpi ne, %convert_element_type3A_112, %cond3A_113 : i32
        scf.if %cond3A_114 {
          %dma_wait3A_129 = arith.constant 0 : i32
          %dma_wait3A_130 = arith.constant 0 : i32
          %dma_wait3A_131 = tpu.memref_slice %arg4[%dma_wait3A_129, %dma_wait3A_130] : memref<51840x256xf32, #tpu.memory_space<hbm>> -> memref<128x256xf32, #tpu.memory_space<hbm>>
          %dma_wait3A_132 = arith.constant 0 : i32
          %dma_wait3A_133 = arith.constant 0 : i32
          %dma_wait3A_134 = tpu.memref_slice %arg4[%dma_wait3A_132, %dma_wait3A_133] : memref<51840x256xf32, #tpu.memory_space<hbm>> -> memref<128x256xf32, #tpu.memory_space<hbm>>
          tpu.wait_dma2 semaphore(%arg11 : memref<!tpu.dma_semaphore, #tpu.memory_space<semaphore_mem>>) src(%arg7 : memref<128x256xf32, #tpu.memory_space<vmem>>) dst(%dma_wait3A_134 : memref<128x256xf32, #tpu.memory_space<hbm>>)
        } else {
        }
        %dma_wait3A = arith.constant 0 : i32
        %dma_wait3A_115 = arith.constant 0 : i32
        %dma_wait3A_116 = tpu.memref_slice %arg2[%dma_wait3A, %dma_wait3A_115] : memref<81924x256xf32, #tpu.memory_space<hbm>> -> memref<81924x256xf32, #tpu.memory_space<hbm>>
        tpu.wait_indirect_dma semaphore(%arg10 : memref<!tpu.dma_semaphore, #tpu.memory_space<semaphore_mem>>) src(%dma_wait3A_116 : memref<81924x256xf32, #tpu.memory_space<hbm>>) dst(%arg8 : memref<128x256xf32, #tpu.memory_space<vmem>>)
        %add3A_117 = arith.constant 1 : i32
        %add3A_118 = arith.addi %while3A_59, %add3A_117 : i32
        %lt3A_119 = arith.cmpi slt, %add3A_118, %select_n3A : i32
        %convert_element_type3A_120 = arith.extui %lt3A_119 : i1 to i32
        %cond3A_121 = arith.constant 0 : i32
        %cond3A_122 = arith.cmpi ne, %convert_element_type3A_120, %cond3A_121 : i32
        scf.if %cond3A_122 {
          %dma_start3A_129 = arith.constant 0 : i32
          %dma_start3A_130 = arith.constant 0 : i32
          %dma_start3A_131 = tpu.memref_slice %arg2[%dma_start3A_129, %dma_start3A_130] : memref<81924x256xf32, #tpu.memory_space<hbm>> -> memref<81924x256xf32, #tpu.memory_space<hbm>>
          tpu.enqueue_indirect_dma source(%dma_start3A_131 : memref<81924x256xf32, #tpu.memory_space<hbm>>) target(%arg7 : memref<128x256xf32, #tpu.memory_space<vmem>>) offsets(%arg5 : memref<128xi32, #tpu.memory_space<vmem>>) semaphore(%arg9 : memref<!tpu.dma_semaphore, #tpu.memory_space<semaphore_mem>>)
        } else {
        }
        %mul3A_123 = arith.constant 128 : i32
        %mul3A_124 = arith.muli %add3A_62, %mul3A_123 : i32
        %dma_start3A_125 = arith.constant 0 : i32
        %dma_start3A_126 = tpu.memref_slice %arg4[%mul3A_124, %dma_start3A_125] : memref<51840x256xf32, #tpu.memory_space<hbm>> -> memref<128x256xf32, #tpu.memory_space<hbm>>
        %dma_start3A_127 = arith.constant 0 : i32
        %dma_start3A_128 = tpu.memref_slice %arg4[%mul3A_124, %dma_start3A_127] : memref<51840x256xf32, #tpu.memory_space<hbm>> -> memref<128x256xf32, #tpu.memory_space<hbm>>
        tpu.enqueue_dma source(%arg8 : memref<128x256xf32, #tpu.memory_space<vmem>>) target(%dma_start3A_128 : memref<128x256xf32, #tpu.memory_space<hbm>>) target_semaphore(%arg12 : memref<!tpu.dma_semaphore, #tpu.memory_space<semaphore_mem>>)
      } else {
      }
    }
    %sub3A = arith.constant 1 : i32
    %sub3A_20 = arith.subi %select_n3A, %sub3A : i32
    %jit3A_21 = arith.constant 2 : i32
    %eq3A = arith.constant 0 : i32
    %eq3A_22 = arith.cmpi eq, %jit3A_21, %eq3A : i32
    %jit3A_23 = arith.constant 1 : i32
    %select_n3A_24 = arith.select %eq3A_22, %jit3A_23, %jit3A_21 : i32
    %rem3A = arith.remsi %sub3A_20, %select_n3A_24 : i32
    %ne3A = arith.constant 0 : i32
    %ne3A_25 = arith.cmpi ne, %rem3A, %ne3A : i32
    %lt3A_26 = arith.constant 0 : i32
    %lt3A_27 = arith.cmpi slt, %rem3A, %lt3A_26 : i32
    %lt3A_28 = arith.constant 0 : i32
    %lt3A_29 = arith.cmpi slt, %select_n3A_24, %lt3A_28 : i32
    %ne3A_30 = arith.xori %lt3A_27, %lt3A_29 : i1
    %and3A = arith.andi %ne3A_30, %ne3A_25 : i1
    %add3A_31 = arith.addi %rem3A, %select_n3A_24 : i32
    %select_n3A_32 = arith.select %and3A, %add3A_31, %rem3A : i32
    %eq3A_33 = arith.constant 0 : i32
    %eq3A_34 = arith.cmpi eq, %select_n3A_32, %eq3A_33 : i32
    %convert_element_type3A = arith.extui %eq3A_34 : i1 to i32
    %cond3A = arith.constant 0 : i32
    %cond3A_35 = arith.cmpi ne, %convert_element_type3A, %cond3A : i32
    scf.if %cond3A_35 {
      %dma_wait3A = arith.constant 0 : i32
      %dma_wait3A_59 = arith.constant 0 : i32
      %dma_wait3A_60 = tpu.memref_slice %arg4[%dma_wait3A, %dma_wait3A_59] : memref<51840x256xf32, #tpu.memory_space<hbm>> -> memref<128x256xf32, #tpu.memory_space<hbm>>
      %dma_wait3A_61 = arith.constant 0 : i32
      %dma_wait3A_62 = arith.constant 0 : i32
      %dma_wait3A_63 = tpu.memref_slice %arg4[%dma_wait3A_61, %dma_wait3A_62] : memref<51840x256xf32, #tpu.memory_space<hbm>> -> memref<128x256xf32, #tpu.memory_space<hbm>>
      tpu.wait_dma2 semaphore(%arg11 : memref<!tpu.dma_semaphore, #tpu.memory_space<semaphore_mem>>) src(%arg7 : memref<128x256xf32, #tpu.memory_space<vmem>>) dst(%dma_wait3A_63 : memref<128x256xf32, #tpu.memory_space<hbm>>)
    } else {
    }
    %sub3A_36 = arith.constant 1 : i32
    %sub3A_37 = arith.subi %select_n3A, %sub3A_36 : i32
    %jit3A_38 = arith.constant 2 : i32
    %eq3A_39 = arith.constant 0 : i32
    %eq3A_40 = arith.cmpi eq, %jit3A_38, %eq3A_39 : i32
    %jit3A_41 = arith.constant 1 : i32
    %select_n3A_42 = arith.select %eq3A_40, %jit3A_41, %jit3A_38 : i32
    %rem3A_43 = arith.remsi %sub3A_37, %select_n3A_42 : i32
    %ne3A_44 = arith.constant 0 : i32
    %ne3A_45 = arith.cmpi ne, %rem3A_43, %ne3A_44 : i32
    %lt3A_46 = arith.constant 0 : i32
    %lt3A_47 = arith.cmpi slt, %rem3A_43, %lt3A_46 : i32
    %lt3A_48 = arith.constant 0 : i32
    %lt3A_49 = arith.cmpi slt, %select_n3A_42, %lt3A_48 : i32
    %ne3A_50 = arith.xori %lt3A_47, %lt3A_49 : i1
    %and3A_51 = arith.andi %ne3A_50, %ne3A_45 : i1
    %add3A_52 = arith.addi %rem3A_43, %select_n3A_42 : i32
    %select_n3A_53 = arith.select %and3A_51, %add3A_52, %rem3A_43 : i32
    %eq3A_54 = arith.constant 1 : i32
    %eq3A_55 = arith.cmpi eq, %select_n3A_53, %eq3A_54 : i32
    %convert_element_type3A_56 = arith.extui %eq3A_55 : i1 to i32
    %cond3A_57 = arith.constant 0 : i32
    %cond3A_58 = arith.cmpi ne, %convert_element_type3A_56, %cond3A_57 : i32
    scf.if %cond3A_58 {
      %dma_wait3A = arith.constant 0 : i32
      %dma_wait3A_59 = arith.constant 0 : i32
      %dma_wait3A_60 = tpu.memref_slice %arg4[%dma_wait3A, %dma_wait3A_59] : memref<51840x256xf32, #tpu.memory_space<hbm>> -> memref<128x256xf32, #tpu.memory_space<hbm>>
      %dma_wait3A_61 = arith.constant 0 : i32
      %dma_wait3A_62 = arith.constant 0 : i32
      %dma_wait3A_63 = tpu.memref_slice %arg4[%dma_wait3A_61, %dma_wait3A_62] : memref<51840x256xf32, #tpu.memory_space<hbm>> -> memref<128x256xf32, #tpu.memory_space<hbm>>
      tpu.wait_dma2 semaphore(%arg12 : memref<!tpu.dma_semaphore, #tpu.memory_space<semaphore_mem>>) src(%arg8 : memref<128x256xf32, #tpu.memory_space<vmem>>) dst(%dma_wait3A_63 : memref<128x256xf32, #tpu.memory_space<hbm>>)
    } else {
    }
    return
  }
}

#map = affine_map<(d0, d1) -> (0, 0)>
#map1 = affine_map<(d0, d1) -> (0)>
module attributes {stable_mosaic.version = 14 : i64} {
  func.func @sc_gather(%arg0: i32, %arg1: i32, %arg2: memref<81924x256xf32, #tpu.memory_space<hbm>>, %arg3: memref<97920xi32, #tpu.memory_space<hbm>>, %arg4: memref<46080x256xf32, #tpu.memory_space<hbm>>, %arg5: memref<128xi32, #tpu.memory_space<vmem>>, %arg6: memref<128xi32, #tpu.memory_space<vmem>>, %arg7: memref<128x256xf32, #tpu.memory_space<vmem>>, %arg8: memref<128x256xf32, #tpu.memory_space<vmem>>, %arg9: memref<!tpu.dma_semaphore, #tpu.memory_space<semaphore_mem>>, %arg10: memref<!tpu.dma_semaphore, #tpu.memory_space<semaphore_mem>>, %arg11: memref<!tpu.dma_semaphore, #tpu.memory_space<semaphore_mem>>, %arg12: memref<!tpu.dma_semaphore, #tpu.memory_space<semaphore_mem>>) attributes {dimension_semantics = [#tpu.dimension_semantics<core_parallel>, #tpu.dimension_semantics<subcore_parallel>], iteration_bounds = array<i64: 2, 16>, scalar_prefetch = 0 : i64, scratch_operands = 8 : i64, tpu.core_type = #tpu.core_type<sc_vector_subcore>, window_params = [{transform_indices = #map}, {transform_indices = #map1}, {transform_indices = #map}]} {
    %mul3A = arith.constant 2 : i32
    %mul3A_0 = arith.muli %arg1, %mul3A : i32
    %add3A = arith.addi %mul3A_0, %arg0 : i32
    %lt3A = arith.constant 8 : i32
    %lt3A_1 = arith.cmpi slt, %add3A, %lt3A : i32
    %jit3A = arith.constant 12 : i32
    %jit3A_2 = arith.constant 11 : i32
    %select_n3A = arith.select %lt3A_1, %jit3A, %jit3A_2 : i32
    %add3A_3 = arith.constant 0 : i32
    %add3A_4 = arith.addi %add3A, %add3A_3 : i32
    %add3A_5 = arith.constant 0 : i32
    %add3A_6 = arith.addi %add3A_5, %add3A_4 : i32
    %mul3A_7 = arith.constant 128 : i32
    %mul3A_8 = arith.muli %add3A_6, %mul3A_7 : i32
    "tpu.region"() ({
      %run_scoped3A = tpu.sem_alloc : memref<!tpu.dma_semaphore, #tpu.memory_space<semaphore_mem>>
      %dma_start3A_59 = tpu.memref_slice %arg3[%mul3A_8] : memref<97920xi32, #tpu.memory_space<hbm>> -> memref<128xi32, #tpu.memory_space<hbm>>
      %dma_start3A_60 = tpu.memref_slice %arg3[%mul3A_8] : memref<97920xi32, #tpu.memory_space<hbm>> -> memref<128xi32, #tpu.memory_space<hbm>>
      tpu.enqueue_dma source(%dma_start3A_60 : memref<128xi32, #tpu.memory_space<hbm>>) target(%arg5 : memref<128xi32, #tpu.memory_space<vmem>>) target_semaphore(%run_scoped3A : memref<!tpu.dma_semaphore, #tpu.memory_space<semaphore_mem>>)
      %dma_wait3A = tpu.memref_slice %arg3[%mul3A_8] : memref<97920xi32, #tpu.memory_space<hbm>> -> memref<128xi32, #tpu.memory_space<hbm>>
      %dma_wait3A_61 = tpu.memref_slice %arg3[%mul3A_8] : memref<97920xi32, #tpu.memory_space<hbm>> -> memref<128xi32, #tpu.memory_space<hbm>>
      tpu.wait_dma2 semaphore(%run_scoped3A : memref<!tpu.dma_semaphore, #tpu.memory_space<semaphore_mem>>) src(%dma_wait3A_61 : memref<128xi32, #tpu.memory_space<hbm>>) dst(%arg5 : memref<128xi32, #tpu.memory_space<vmem>>)
      tpu.yield
    }) : () -> ()
    %dma_start3A = arith.constant 0 : i32
    %dma_start3A_9 = arith.constant 0 : i32
    %dma_start3A_10 = tpu.memref_slice %arg2[%dma_start3A, %dma_start3A_9] : memref<81924x256xf32, #tpu.memory_space<hbm>> -> memref<81924x256xf32, #tpu.memory_space<hbm>>
    tpu.enqueue_indirect_dma source(%dma_start3A_10 : memref<81924x256xf32, #tpu.memory_space<hbm>>) target(%arg7 : memref<128x256xf32, #tpu.memory_space<vmem>>) offsets(%arg5 : memref<128xi32, #tpu.memory_space<vmem>>) semaphore(%arg9 : memref<!tpu.dma_semaphore, #tpu.memory_space<semaphore_mem>>)
    %while3A = arith.constant 0 : i32
    %while3A_11 = arith.constant 0 : i32
    %while3A_12 = arith.subi %select_n3A, %while3A_11 : i32
    %while3A_13 = arith.addi %while3A_11, %while3A_12 : i32
    %while3A_14 = arith.constant 1 : i32
    %while3A_15 = arith.divsi %while3A_12, %while3A_14 : i32
    %while3A_16 = arith.muli %while3A_15, %while3A_14 : i32
    %while3A_17 = arith.addi %while3A_11, %while3A_16 : i32
    %while3A_18 = arith.constant 1 : i32
    scf.for %while3A_59 = %while3A_11 to %while3A_17 step %while3A_18  : i32 {
      %mul3A_60 = arith.constant 32 : i32
      %mul3A_61 = arith.muli %while3A_59, %mul3A_60 : i32
      %add3A_62 = arith.addi %add3A, %mul3A_61 : i32
      %jit3A_63 = arith.constant 2 : i32
      %eq3A_64 = arith.constant 0 : i32
      %eq3A_65 = arith.cmpi eq, %jit3A_63, %eq3A_64 : i32
      %jit3A_66 = arith.constant 1 : i32
      %select_n3A_67 = arith.select %eq3A_65, %jit3A_66, %jit3A_63 : i32
      %rem3A_68 = arith.remsi %while3A_59, %select_n3A_67 : i32
      %ne3A_69 = arith.constant 0 : i32
      %ne3A_70 = arith.cmpi ne, %rem3A_68, %ne3A_69 : i32
      %lt3A_71 = arith.constant 0 : i32
      %lt3A_72 = arith.cmpi slt, %rem3A_68, %lt3A_71 : i32
      %lt3A_73 = arith.constant 0 : i32
      %lt3A_74 = arith.cmpi slt, %select_n3A_67, %lt3A_73 : i32
      %ne3A_75 = arith.xori %lt3A_72, %lt3A_74 : i1
      %and3A_76 = arith.andi %ne3A_75, %ne3A_70 : i1
      %add3A_77 = arith.addi %rem3A_68, %select_n3A_67 : i32
      %select_n3A_78 = arith.select %and3A_76, %add3A_77, %rem3A_68 : i32
      %eq3A_79 = arith.constant 0 : i32
      %eq3A_80 = arith.cmpi eq, %select_n3A_78, %eq3A_79 : i32
      %convert_element_type3A_81 = arith.extui %eq3A_80 : i1 to i32
      %cond3A_82 = arith.constant 0 : i32
      %cond3A_83 = arith.cmpi ne, %convert_element_type3A_81, %cond3A_82 : i32
      scf.if %cond3A_83 {
        %add3A_105 = arith.constant 1 : i32
        %add3A_106 = arith.addi %while3A_59, %add3A_105 : i32
        %lt3A_107 = arith.cmpi slt, %add3A_106, %select_n3A : i32
        %convert_element_type3A_108 = arith.extui %lt3A_107 : i1 to i32
        %cond3A_109 = arith.constant 0 : i32
        %cond3A_110 = arith.cmpi ne, %convert_element_type3A_108, %cond3A_109 : i32
        scf.if %cond3A_110 {
          %add3A_129 = arith.constant 1 : i32
          %add3A_130 = arith.addi %while3A_59, %add3A_129 : i32
          %mul3A_131 = arith.constant 32 : i32
          %mul3A_132 = arith.muli %add3A_130, %mul3A_131 : i32
          %add3A_133 = arith.addi %add3A, %mul3A_132 : i32
          %add3A_134 = arith.constant 0 : i32
          %add3A_135 = arith.addi %add3A_134, %add3A_133 : i32
          %mul3A_136 = arith.constant 128 : i32
          %mul3A_137 = arith.muli %add3A_135, %mul3A_136 : i32
          "tpu.region"() ({
            %run_scoped3A = tpu.sem_alloc : memref<!tpu.dma_semaphore, #tpu.memory_space<semaphore_mem>>
            %dma_start3A_138 = tpu.memref_slice %arg3[%mul3A_137] : memref<97920xi32, #tpu.memory_space<hbm>> -> memref<128xi32, #tpu.memory_space<hbm>>
            %dma_start3A_139 = tpu.memref_slice %arg3[%mul3A_137] : memref<97920xi32, #tpu.memory_space<hbm>> -> memref<128xi32, #tpu.memory_space<hbm>>
            tpu.enqueue_dma source(%dma_start3A_139 : memref<128xi32, #tpu.memory_space<hbm>>) target(%arg6 : memref<128xi32, #tpu.memory_space<vmem>>) target_semaphore(%run_scoped3A : memref<!tpu.dma_semaphore, #tpu.memory_space<semaphore_mem>>)
            %dma_wait3A_140 = tpu.memref_slice %arg3[%mul3A_137] : memref<97920xi32, #tpu.memory_space<hbm>> -> memref<128xi32, #tpu.memory_space<hbm>>
            %dma_wait3A_141 = tpu.memref_slice %arg3[%mul3A_137] : memref<97920xi32, #tpu.memory_space<hbm>> -> memref<128xi32, #tpu.memory_space<hbm>>
            tpu.wait_dma2 semaphore(%run_scoped3A : memref<!tpu.dma_semaphore, #tpu.memory_space<semaphore_mem>>) src(%dma_wait3A_141 : memref<128xi32, #tpu.memory_space<hbm>>) dst(%arg6 : memref<128xi32, #tpu.memory_space<vmem>>)
            tpu.yield
          }) : () -> ()
        } else {
        }
        %ge3A = arith.constant 1 : i32
        %ge3A_111 = arith.cmpi sge, %while3A_59, %ge3A : i32
        %convert_element_type3A_112 = arith.extui %ge3A_111 : i1 to i32
        %cond3A_113 = arith.constant 0 : i32
        %cond3A_114 = arith.cmpi ne, %convert_element_type3A_112, %cond3A_113 : i32
        scf.if %cond3A_114 {
          %dma_wait3A_129 = arith.constant 0 : i32
          %dma_wait3A_130 = arith.constant 0 : i32
          %dma_wait3A_131 = tpu.memref_slice %arg4[%dma_wait3A_129, %dma_wait3A_130] : memref<46080x256xf32, #tpu.memory_space<hbm>> -> memref<128x256xf32, #tpu.memory_space<hbm>>
          %dma_wait3A_132 = arith.constant 0 : i32
          %dma_wait3A_133 = arith.constant 0 : i32
          %dma_wait3A_134 = tpu.memref_slice %arg4[%dma_wait3A_132, %dma_wait3A_133] : memref<46080x256xf32, #tpu.memory_space<hbm>> -> memref<128x256xf32, #tpu.memory_space<hbm>>
          tpu.wait_dma2 semaphore(%arg12 : memref<!tpu.dma_semaphore, #tpu.memory_space<semaphore_mem>>) src(%arg8 : memref<128x256xf32, #tpu.memory_space<vmem>>) dst(%dma_wait3A_134 : memref<128x256xf32, #tpu.memory_space<hbm>>)
        } else {
        }
        %dma_wait3A = arith.constant 0 : i32
        %dma_wait3A_115 = arith.constant 0 : i32
        %dma_wait3A_116 = tpu.memref_slice %arg2[%dma_wait3A, %dma_wait3A_115] : memref<81924x256xf32, #tpu.memory_space<hbm>> -> memref<81924x256xf32, #tpu.memory_space<hbm>>
        tpu.wait_indirect_dma semaphore(%arg9 : memref<!tpu.dma_semaphore, #tpu.memory_space<semaphore_mem>>) src(%dma_wait3A_116 : memref<81924x256xf32, #tpu.memory_space<hbm>>) dst(%arg7 : memref<128x256xf32, #tpu.memory_space<vmem>>)
        %add3A_117 = arith.constant 1 : i32
        %add3A_118 = arith.addi %while3A_59, %add3A_117 : i32
        %lt3A_119 = arith.cmpi slt, %add3A_118, %select_n3A : i32
        %convert_element_type3A_120 = arith.extui %lt3A_119 : i1 to i32
        %cond3A_121 = arith.constant 0 : i32
        %cond3A_122 = arith.cmpi ne, %convert_element_type3A_120, %cond3A_121 : i32
        scf.if %cond3A_122 {
          %dma_start3A_129 = arith.constant 0 : i32
          %dma_start3A_130 = arith.constant 0 : i32
          %dma_start3A_131 = tpu.memref_slice %arg2[%dma_start3A_129, %dma_start3A_130] : memref<81924x256xf32, #tpu.memory_space<hbm>> -> memref<81924x256xf32, #tpu.memory_space<hbm>>
          tpu.enqueue_indirect_dma source(%dma_start3A_131 : memref<81924x256xf32, #tpu.memory_space<hbm>>) target(%arg8 : memref<128x256xf32, #tpu.memory_space<vmem>>) offsets(%arg6 : memref<128xi32, #tpu.memory_space<vmem>>) semaphore(%arg10 : memref<!tpu.dma_semaphore, #tpu.memory_space<semaphore_mem>>)
        } else {
        }
        %mul3A_123 = arith.constant 128 : i32
        %mul3A_124 = arith.muli %add3A_62, %mul3A_123 : i32
        %dma_start3A_125 = arith.constant 0 : i32
        %dma_start3A_126 = tpu.memref_slice %arg4[%mul3A_124, %dma_start3A_125] : memref<46080x256xf32, #tpu.memory_space<hbm>> -> memref<128x256xf32, #tpu.memory_space<hbm>>
        %dma_start3A_127 = arith.constant 0 : i32
        %dma_start3A_128 = tpu.memref_slice %arg4[%mul3A_124, %dma_start3A_127] : memref<46080x256xf32, #tpu.memory_space<hbm>> -> memref<128x256xf32, #tpu.memory_space<hbm>>
        tpu.enqueue_dma source(%arg7 : memref<128x256xf32, #tpu.memory_space<vmem>>) target(%dma_start3A_128 : memref<128x256xf32, #tpu.memory_space<hbm>>) target_semaphore(%arg11 : memref<!tpu.dma_semaphore, #tpu.memory_space<semaphore_mem>>)
      } else {
      }
      %jit3A_84 = arith.constant 2 : i32
      %eq3A_85 = arith.constant 0 : i32
      %eq3A_86 = arith.cmpi eq, %jit3A_84, %eq3A_85 : i32
      %jit3A_87 = arith.constant 1 : i32
      %select_n3A_88 = arith.select %eq3A_86, %jit3A_87, %jit3A_84 : i32
      %rem3A_89 = arith.remsi %while3A_59, %select_n3A_88 : i32
      %ne3A_90 = arith.constant 0 : i32
      %ne3A_91 = arith.cmpi ne, %rem3A_89, %ne3A_90 : i32
      %lt3A_92 = arith.constant 0 : i32
      %lt3A_93 = arith.cmpi slt, %rem3A_89, %lt3A_92 : i32
      %lt3A_94 = arith.constant 0 : i32
      %lt3A_95 = arith.cmpi slt, %select_n3A_88, %lt3A_94 : i32
      %ne3A_96 = arith.xori %lt3A_93, %lt3A_95 : i1
      %and3A_97 = arith.andi %ne3A_96, %ne3A_91 : i1
      %add3A_98 = arith.addi %rem3A_89, %select_n3A_88 : i32
      %select_n3A_99 = arith.select %and3A_97, %add3A_98, %rem3A_89 : i32
      %eq3A_100 = arith.constant 1 : i32
      %eq3A_101 = arith.cmpi eq, %select_n3A_99, %eq3A_100 : i32
      %convert_element_type3A_102 = arith.extui %eq3A_101 : i1 to i32
      %cond3A_103 = arith.constant 0 : i32
      %cond3A_104 = arith.cmpi ne, %convert_element_type3A_102, %cond3A_103 : i32
      scf.if %cond3A_104 {
        %add3A_105 = arith.constant 1 : i32
        %add3A_106 = arith.addi %while3A_59, %add3A_105 : i32
        %lt3A_107 = arith.cmpi slt, %add3A_106, %select_n3A : i32
        %convert_element_type3A_108 = arith.extui %lt3A_107 : i1 to i32
        %cond3A_109 = arith.constant 0 : i32
        %cond3A_110 = arith.cmpi ne, %convert_element_type3A_108, %cond3A_109 : i32
        scf.if %cond3A_110 {
          %add3A_129 = arith.constant 1 : i32
          %add3A_130 = arith.addi %while3A_59, %add3A_129 : i32
          %mul3A_131 = arith.constant 32 : i32
          %mul3A_132 = arith.muli %add3A_130, %mul3A_131 : i32
          %add3A_133 = arith.addi %add3A, %mul3A_132 : i32
          %add3A_134 = arith.constant 0 : i32
          %add3A_135 = arith.addi %add3A_134, %add3A_133 : i32
          %mul3A_136 = arith.constant 128 : i32
          %mul3A_137 = arith.muli %add3A_135, %mul3A_136 : i32
          "tpu.region"() ({
            %run_scoped3A = tpu.sem_alloc : memref<!tpu.dma_semaphore, #tpu.memory_space<semaphore_mem>>
            %dma_start3A_138 = tpu.memref_slice %arg3[%mul3A_137] : memref<97920xi32, #tpu.memory_space<hbm>> -> memref<128xi32, #tpu.memory_space<hbm>>
            %dma_start3A_139 = tpu.memref_slice %arg3[%mul3A_137] : memref<97920xi32, #tpu.memory_space<hbm>> -> memref<128xi32, #tpu.memory_space<hbm>>
            tpu.enqueue_dma source(%dma_start3A_139 : memref<128xi32, #tpu.memory_space<hbm>>) target(%arg5 : memref<128xi32, #tpu.memory_space<vmem>>) target_semaphore(%run_scoped3A : memref<!tpu.dma_semaphore, #tpu.memory_space<semaphore_mem>>)
            %dma_wait3A_140 = tpu.memref_slice %arg3[%mul3A_137] : memref<97920xi32, #tpu.memory_space<hbm>> -> memref<128xi32, #tpu.memory_space<hbm>>
            %dma_wait3A_141 = tpu.memref_slice %arg3[%mul3A_137] : memref<97920xi32, #tpu.memory_space<hbm>> -> memref<128xi32, #tpu.memory_space<hbm>>
            tpu.wait_dma2 semaphore(%run_scoped3A : memref<!tpu.dma_semaphore, #tpu.memory_space<semaphore_mem>>) src(%dma_wait3A_141 : memref<128xi32, #tpu.memory_space<hbm>>) dst(%arg5 : memref<128xi32, #tpu.memory_space<vmem>>)
            tpu.yield
          }) : () -> ()
        } else {
        }
        %ge3A = arith.constant 1 : i32
        %ge3A_111 = arith.cmpi sge, %while3A_59, %ge3A : i32
        %convert_element_type3A_112 = arith.extui %ge3A_111 : i1 to i32
        %cond3A_113 = arith.constant 0 : i32
        %cond3A_114 = arith.cmpi ne, %convert_element_type3A_112, %cond3A_113 : i32
        scf.if %cond3A_114 {
          %dma_wait3A_129 = arith.constant 0 : i32
          %dma_wait3A_130 = arith.constant 0 : i32
          %dma_wait3A_131 = tpu.memref_slice %arg4[%dma_wait3A_129, %dma_wait3A_130] : memref<46080x256xf32, #tpu.memory_space<hbm>> -> memref<128x256xf32, #tpu.memory_space<hbm>>
          %dma_wait3A_132 = arith.constant 0 : i32
          %dma_wait3A_133 = arith.constant 0 : i32
          %dma_wait3A_134 = tpu.memref_slice %arg4[%dma_wait3A_132, %dma_wait3A_133] : memref<46080x256xf32, #tpu.memory_space<hbm>> -> memref<128x256xf32, #tpu.memory_space<hbm>>
          tpu.wait_dma2 semaphore(%arg11 : memref<!tpu.dma_semaphore, #tpu.memory_space<semaphore_mem>>) src(%arg7 : memref<128x256xf32, #tpu.memory_space<vmem>>) dst(%dma_wait3A_134 : memref<128x256xf32, #tpu.memory_space<hbm>>)
        } else {
        }
        %dma_wait3A = arith.constant 0 : i32
        %dma_wait3A_115 = arith.constant 0 : i32
        %dma_wait3A_116 = tpu.memref_slice %arg2[%dma_wait3A, %dma_wait3A_115] : memref<81924x256xf32, #tpu.memory_space<hbm>> -> memref<81924x256xf32, #tpu.memory_space<hbm>>
        tpu.wait_indirect_dma semaphore(%arg10 : memref<!tpu.dma_semaphore, #tpu.memory_space<semaphore_mem>>) src(%dma_wait3A_116 : memref<81924x256xf32, #tpu.memory_space<hbm>>) dst(%arg8 : memref<128x256xf32, #tpu.memory_space<vmem>>)
        %add3A_117 = arith.constant 1 : i32
        %add3A_118 = arith.addi %while3A_59, %add3A_117 : i32
        %lt3A_119 = arith.cmpi slt, %add3A_118, %select_n3A : i32
        %convert_element_type3A_120 = arith.extui %lt3A_119 : i1 to i32
        %cond3A_121 = arith.constant 0 : i32
        %cond3A_122 = arith.cmpi ne, %convert_element_type3A_120, %cond3A_121 : i32
        scf.if %cond3A_122 {
          %dma_start3A_129 = arith.constant 0 : i32
          %dma_start3A_130 = arith.constant 0 : i32
          %dma_start3A_131 = tpu.memref_slice %arg2[%dma_start3A_129, %dma_start3A_130] : memref<81924x256xf32, #tpu.memory_space<hbm>> -> memref<81924x256xf32, #tpu.memory_space<hbm>>
          tpu.enqueue_indirect_dma source(%dma_start3A_131 : memref<81924x256xf32, #tpu.memory_space<hbm>>) target(%arg7 : memref<128x256xf32, #tpu.memory_space<vmem>>) offsets(%arg5 : memref<128xi32, #tpu.memory_space<vmem>>) semaphore(%arg9 : memref<!tpu.dma_semaphore, #tpu.memory_space<semaphore_mem>>)
        } else {
        }
        %mul3A_123 = arith.constant 128 : i32
        %mul3A_124 = arith.muli %add3A_62, %mul3A_123 : i32
        %dma_start3A_125 = arith.constant 0 : i32
        %dma_start3A_126 = tpu.memref_slice %arg4[%mul3A_124, %dma_start3A_125] : memref<46080x256xf32, #tpu.memory_space<hbm>> -> memref<128x256xf32, #tpu.memory_space<hbm>>
        %dma_start3A_127 = arith.constant 0 : i32
        %dma_start3A_128 = tpu.memref_slice %arg4[%mul3A_124, %dma_start3A_127] : memref<46080x256xf32, #tpu.memory_space<hbm>> -> memref<128x256xf32, #tpu.memory_space<hbm>>
        tpu.enqueue_dma source(%arg8 : memref<128x256xf32, #tpu.memory_space<vmem>>) target(%dma_start3A_128 : memref<128x256xf32, #tpu.memory_space<hbm>>) target_semaphore(%arg12 : memref<!tpu.dma_semaphore, #tpu.memory_space<semaphore_mem>>)
      } else {
      }
    }
    %while3A_19 = arith.constant 1 : i32
    scf.for %while3A_59 = %while3A_17 to %while3A_13 step %while3A_19  : i32 {
      %mul3A_60 = arith.constant 32 : i32
      %mul3A_61 = arith.muli %while3A_59, %mul3A_60 : i32
      %add3A_62 = arith.addi %add3A, %mul3A_61 : i32
      %jit3A_63 = arith.constant 2 : i32
      %eq3A_64 = arith.constant 0 : i32
      %eq3A_65 = arith.cmpi eq, %jit3A_63, %eq3A_64 : i32
      %jit3A_66 = arith.constant 1 : i32
      %select_n3A_67 = arith.select %eq3A_65, %jit3A_66, %jit3A_63 : i32
      %rem3A_68 = arith.remsi %while3A_59, %select_n3A_67 : i32
      %ne3A_69 = arith.constant 0 : i32
      %ne3A_70 = arith.cmpi ne, %rem3A_68, %ne3A_69 : i32
      %lt3A_71 = arith.constant 0 : i32
      %lt3A_72 = arith.cmpi slt, %rem3A_68, %lt3A_71 : i32
      %lt3A_73 = arith.constant 0 : i32
      %lt3A_74 = arith.cmpi slt, %select_n3A_67, %lt3A_73 : i32
      %ne3A_75 = arith.xori %lt3A_72, %lt3A_74 : i1
      %and3A_76 = arith.andi %ne3A_75, %ne3A_70 : i1
      %add3A_77 = arith.addi %rem3A_68, %select_n3A_67 : i32
      %select_n3A_78 = arith.select %and3A_76, %add3A_77, %rem3A_68 : i32
      %eq3A_79 = arith.constant 0 : i32
      %eq3A_80 = arith.cmpi eq, %select_n3A_78, %eq3A_79 : i32
      %convert_element_type3A_81 = arith.extui %eq3A_80 : i1 to i32
      %cond3A_82 = arith.constant 0 : i32
      %cond3A_83 = arith.cmpi ne, %convert_element_type3A_81, %cond3A_82 : i32
      scf.if %cond3A_83 {
        %add3A_105 = arith.constant 1 : i32
        %add3A_106 = arith.addi %while3A_59, %add3A_105 : i32
        %lt3A_107 = arith.cmpi slt, %add3A_106, %select_n3A : i32
        %convert_element_type3A_108 = arith.extui %lt3A_107 : i1 to i32
        %cond3A_109 = arith.constant 0 : i32
        %cond3A_110 = arith.cmpi ne, %convert_element_type3A_108, %cond3A_109 : i32
        scf.if %cond3A_110 {
          %add3A_129 = arith.constant 1 : i32
          %add3A_130 = arith.addi %while3A_59, %add3A_129 : i32
          %mul3A_131 = arith.constant 32 : i32
          %mul3A_132 = arith.muli %add3A_130, %mul3A_131 : i32
          %add3A_133 = arith.addi %add3A, %mul3A_132 : i32
          %add3A_134 = arith.constant 0 : i32
          %add3A_135 = arith.addi %add3A_134, %add3A_133 : i32
          %mul3A_136 = arith.constant 128 : i32
          %mul3A_137 = arith.muli %add3A_135, %mul3A_136 : i32
          "tpu.region"() ({
            %run_scoped3A = tpu.sem_alloc : memref<!tpu.dma_semaphore, #tpu.memory_space<semaphore_mem>>
            %dma_start3A_138 = tpu.memref_slice %arg3[%mul3A_137] : memref<97920xi32, #tpu.memory_space<hbm>> -> memref<128xi32, #tpu.memory_space<hbm>>
            %dma_start3A_139 = tpu.memref_slice %arg3[%mul3A_137] : memref<97920xi32, #tpu.memory_space<hbm>> -> memref<128xi32, #tpu.memory_space<hbm>>
            tpu.enqueue_dma source(%dma_start3A_139 : memref<128xi32, #tpu.memory_space<hbm>>) target(%arg6 : memref<128xi32, #tpu.memory_space<vmem>>) target_semaphore(%run_scoped3A : memref<!tpu.dma_semaphore, #tpu.memory_space<semaphore_mem>>)
            %dma_wait3A_140 = tpu.memref_slice %arg3[%mul3A_137] : memref<97920xi32, #tpu.memory_space<hbm>> -> memref<128xi32, #tpu.memory_space<hbm>>
            %dma_wait3A_141 = tpu.memref_slice %arg3[%mul3A_137] : memref<97920xi32, #tpu.memory_space<hbm>> -> memref<128xi32, #tpu.memory_space<hbm>>
            tpu.wait_dma2 semaphore(%run_scoped3A : memref<!tpu.dma_semaphore, #tpu.memory_space<semaphore_mem>>) src(%dma_wait3A_141 : memref<128xi32, #tpu.memory_space<hbm>>) dst(%arg6 : memref<128xi32, #tpu.memory_space<vmem>>)
            tpu.yield
          }) : () -> ()
        } else {
        }
        %ge3A = arith.constant 1 : i32
        %ge3A_111 = arith.cmpi sge, %while3A_59, %ge3A : i32
        %convert_element_type3A_112 = arith.extui %ge3A_111 : i1 to i32
        %cond3A_113 = arith.constant 0 : i32
        %cond3A_114 = arith.cmpi ne, %convert_element_type3A_112, %cond3A_113 : i32
        scf.if %cond3A_114 {
          %dma_wait3A_129 = arith.constant 0 : i32
          %dma_wait3A_130 = arith.constant 0 : i32
          %dma_wait3A_131 = tpu.memref_slice %arg4[%dma_wait3A_129, %dma_wait3A_130] : memref<46080x256xf32, #tpu.memory_space<hbm>> -> memref<128x256xf32, #tpu.memory_space<hbm>>
          %dma_wait3A_132 = arith.constant 0 : i32
          %dma_wait3A_133 = arith.constant 0 : i32
          %dma_wait3A_134 = tpu.memref_slice %arg4[%dma_wait3A_132, %dma_wait3A_133] : memref<46080x256xf32, #tpu.memory_space<hbm>> -> memref<128x256xf32, #tpu.memory_space<hbm>>
          tpu.wait_dma2 semaphore(%arg12 : memref<!tpu.dma_semaphore, #tpu.memory_space<semaphore_mem>>) src(%arg8 : memref<128x256xf32, #tpu.memory_space<vmem>>) dst(%dma_wait3A_134 : memref<128x256xf32, #tpu.memory_space<hbm>>)
        } else {
        }
        %dma_wait3A = arith.constant 0 : i32
        %dma_wait3A_115 = arith.constant 0 : i32
        %dma_wait3A_116 = tpu.memref_slice %arg2[%dma_wait3A, %dma_wait3A_115] : memref<81924x256xf32, #tpu.memory_space<hbm>> -> memref<81924x256xf32, #tpu.memory_space<hbm>>
        tpu.wait_indirect_dma semaphore(%arg9 : memref<!tpu.dma_semaphore, #tpu.memory_space<semaphore_mem>>) src(%dma_wait3A_116 : memref<81924x256xf32, #tpu.memory_space<hbm>>) dst(%arg7 : memref<128x256xf32, #tpu.memory_space<vmem>>)
        %add3A_117 = arith.constant 1 : i32
        %add3A_118 = arith.addi %while3A_59, %add3A_117 : i32
        %lt3A_119 = arith.cmpi slt, %add3A_118, %select_n3A : i32
        %convert_element_type3A_120 = arith.extui %lt3A_119 : i1 to i32
        %cond3A_121 = arith.constant 0 : i32
        %cond3A_122 = arith.cmpi ne, %convert_element_type3A_120, %cond3A_121 : i32
        scf.if %cond3A_122 {
          %dma_start3A_129 = arith.constant 0 : i32
          %dma_start3A_130 = arith.constant 0 : i32
          %dma_start3A_131 = tpu.memref_slice %arg2[%dma_start3A_129, %dma_start3A_130] : memref<81924x256xf32, #tpu.memory_space<hbm>> -> memref<81924x256xf32, #tpu.memory_space<hbm>>
          tpu.enqueue_indirect_dma source(%dma_start3A_131 : memref<81924x256xf32, #tpu.memory_space<hbm>>) target(%arg8 : memref<128x256xf32, #tpu.memory_space<vmem>>) offsets(%arg6 : memref<128xi32, #tpu.memory_space<vmem>>) semaphore(%arg10 : memref<!tpu.dma_semaphore, #tpu.memory_space<semaphore_mem>>)
        } else {
        }
        %mul3A_123 = arith.constant 128 : i32
        %mul3A_124 = arith.muli %add3A_62, %mul3A_123 : i32
        %dma_start3A_125 = arith.constant 0 : i32
        %dma_start3A_126 = tpu.memref_slice %arg4[%mul3A_124, %dma_start3A_125] : memref<46080x256xf32, #tpu.memory_space<hbm>> -> memref<128x256xf32, #tpu.memory_space<hbm>>
        %dma_start3A_127 = arith.constant 0 : i32
        %dma_start3A_128 = tpu.memref_slice %arg4[%mul3A_124, %dma_start3A_127] : memref<46080x256xf32, #tpu.memory_space<hbm>> -> memref<128x256xf32, #tpu.memory_space<hbm>>
        tpu.enqueue_dma source(%arg7 : memref<128x256xf32, #tpu.memory_space<vmem>>) target(%dma_start3A_128 : memref<128x256xf32, #tpu.memory_space<hbm>>) target_semaphore(%arg11 : memref<!tpu.dma_semaphore, #tpu.memory_space<semaphore_mem>>)
      } else {
      }
      %jit3A_84 = arith.constant 2 : i32
      %eq3A_85 = arith.constant 0 : i32
      %eq3A_86 = arith.cmpi eq, %jit3A_84, %eq3A_85 : i32
      %jit3A_87 = arith.constant 1 : i32
      %select_n3A_88 = arith.select %eq3A_86, %jit3A_87, %jit3A_84 : i32
      %rem3A_89 = arith.remsi %while3A_59, %select_n3A_88 : i32
      %ne3A_90 = arith.constant 0 : i32
      %ne3A_91 = arith.cmpi ne, %rem3A_89, %ne3A_90 : i32
      %lt3A_92 = arith.constant 0 : i32
      %lt3A_93 = arith.cmpi slt, %rem3A_89, %lt3A_92 : i32
      %lt3A_94 = arith.constant 0 : i32
      %lt3A_95 = arith.cmpi slt, %select_n3A_88, %lt3A_94 : i32
      %ne3A_96 = arith.xori %lt3A_93, %lt3A_95 : i1
      %and3A_97 = arith.andi %ne3A_96, %ne3A_91 : i1
      %add3A_98 = arith.addi %rem3A_89, %select_n3A_88 : i32
      %select_n3A_99 = arith.select %and3A_97, %add3A_98, %rem3A_89 : i32
      %eq3A_100 = arith.constant 1 : i32
      %eq3A_101 = arith.cmpi eq, %select_n3A_99, %eq3A_100 : i32
      %convert_element_type3A_102 = arith.extui %eq3A_101 : i1 to i32
      %cond3A_103 = arith.constant 0 : i32
      %cond3A_104 = arith.cmpi ne, %convert_element_type3A_102, %cond3A_103 : i32
      scf.if %cond3A_104 {
        %add3A_105 = arith.constant 1 : i32
        %add3A_106 = arith.addi %while3A_59, %add3A_105 : i32
        %lt3A_107 = arith.cmpi slt, %add3A_106, %select_n3A : i32
        %convert_element_type3A_108 = arith.extui %lt3A_107 : i1 to i32
        %cond3A_109 = arith.constant 0 : i32
        %cond3A_110 = arith.cmpi ne, %convert_element_type3A_108, %cond3A_109 : i32
        scf.if %cond3A_110 {
          %add3A_129 = arith.constant 1 : i32
          %add3A_130 = arith.addi %while3A_59, %add3A_129 : i32
          %mul3A_131 = arith.constant 32 : i32
          %mul3A_132 = arith.muli %add3A_130, %mul3A_131 : i32
          %add3A_133 = arith.addi %add3A, %mul3A_132 : i32
          %add3A_134 = arith.constant 0 : i32
          %add3A_135 = arith.addi %add3A_134, %add3A_133 : i32
          %mul3A_136 = arith.constant 128 : i32
          %mul3A_137 = arith.muli %add3A_135, %mul3A_136 : i32
          "tpu.region"() ({
            %run_scoped3A = tpu.sem_alloc : memref<!tpu.dma_semaphore, #tpu.memory_space<semaphore_mem>>
            %dma_start3A_138 = tpu.memref_slice %arg3[%mul3A_137] : memref<97920xi32, #tpu.memory_space<hbm>> -> memref<128xi32, #tpu.memory_space<hbm>>
            %dma_start3A_139 = tpu.memref_slice %arg3[%mul3A_137] : memref<97920xi32, #tpu.memory_space<hbm>> -> memref<128xi32, #tpu.memory_space<hbm>>
            tpu.enqueue_dma source(%dma_start3A_139 : memref<128xi32, #tpu.memory_space<hbm>>) target(%arg5 : memref<128xi32, #tpu.memory_space<vmem>>) target_semaphore(%run_scoped3A : memref<!tpu.dma_semaphore, #tpu.memory_space<semaphore_mem>>)
            %dma_wait3A_140 = tpu.memref_slice %arg3[%mul3A_137] : memref<97920xi32, #tpu.memory_space<hbm>> -> memref<128xi32, #tpu.memory_space<hbm>>
            %dma_wait3A_141 = tpu.memref_slice %arg3[%mul3A_137] : memref<97920xi32, #tpu.memory_space<hbm>> -> memref<128xi32, #tpu.memory_space<hbm>>
            tpu.wait_dma2 semaphore(%run_scoped3A : memref<!tpu.dma_semaphore, #tpu.memory_space<semaphore_mem>>) src(%dma_wait3A_141 : memref<128xi32, #tpu.memory_space<hbm>>) dst(%arg5 : memref<128xi32, #tpu.memory_space<vmem>>)
            tpu.yield
          }) : () -> ()
        } else {
        }
        %ge3A = arith.constant 1 : i32
        %ge3A_111 = arith.cmpi sge, %while3A_59, %ge3A : i32
        %convert_element_type3A_112 = arith.extui %ge3A_111 : i1 to i32
        %cond3A_113 = arith.constant 0 : i32
        %cond3A_114 = arith.cmpi ne, %convert_element_type3A_112, %cond3A_113 : i32
        scf.if %cond3A_114 {
          %dma_wait3A_129 = arith.constant 0 : i32
          %dma_wait3A_130 = arith.constant 0 : i32
          %dma_wait3A_131 = tpu.memref_slice %arg4[%dma_wait3A_129, %dma_wait3A_130] : memref<46080x256xf32, #tpu.memory_space<hbm>> -> memref<128x256xf32, #tpu.memory_space<hbm>>
          %dma_wait3A_132 = arith.constant 0 : i32
          %dma_wait3A_133 = arith.constant 0 : i32
          %dma_wait3A_134 = tpu.memref_slice %arg4[%dma_wait3A_132, %dma_wait3A_133] : memref<46080x256xf32, #tpu.memory_space<hbm>> -> memref<128x256xf32, #tpu.memory_space<hbm>>
          tpu.wait_dma2 semaphore(%arg11 : memref<!tpu.dma_semaphore, #tpu.memory_space<semaphore_mem>>) src(%arg7 : memref<128x256xf32, #tpu.memory_space<vmem>>) dst(%dma_wait3A_134 : memref<128x256xf32, #tpu.memory_space<hbm>>)
        } else {
        }
        %dma_wait3A = arith.constant 0 : i32
        %dma_wait3A_115 = arith.constant 0 : i32
        %dma_wait3A_116 = tpu.memref_slice %arg2[%dma_wait3A, %dma_wait3A_115] : memref<81924x256xf32, #tpu.memory_space<hbm>> -> memref<81924x256xf32, #tpu.memory_space<hbm>>
        tpu.wait_indirect_dma semaphore(%arg10 : memref<!tpu.dma_semaphore, #tpu.memory_space<semaphore_mem>>) src(%dma_wait3A_116 : memref<81924x256xf32, #tpu.memory_space<hbm>>) dst(%arg8 : memref<128x256xf32, #tpu.memory_space<vmem>>)
        %add3A_117 = arith.constant 1 : i32
        %add3A_118 = arith.addi %while3A_59, %add3A_117 : i32
        %lt3A_119 = arith.cmpi slt, %add3A_118, %select_n3A : i32
        %convert_element_type3A_120 = arith.extui %lt3A_119 : i1 to i32
        %cond3A_121 = arith.constant 0 : i32
        %cond3A_122 = arith.cmpi ne, %convert_element_type3A_120, %cond3A_121 : i32
        scf.if %cond3A_122 {
          %dma_start3A_129 = arith.constant 0 : i32
          %dma_start3A_130 = arith.constant 0 : i32
          %dma_start3A_131 = tpu.memref_slice %arg2[%dma_start3A_129, %dma_start3A_130] : memref<81924x256xf32, #tpu.memory_space<hbm>> -> memref<81924x256xf32, #tpu.memory_space<hbm>>
          tpu.enqueue_indirect_dma source(%dma_start3A_131 : memref<81924x256xf32, #tpu.memory_space<hbm>>) target(%arg7 : memref<128x256xf32, #tpu.memory_space<vmem>>) offsets(%arg5 : memref<128xi32, #tpu.memory_space<vmem>>) semaphore(%arg9 : memref<!tpu.dma_semaphore, #tpu.memory_space<semaphore_mem>>)
        } else {
        }
        %mul3A_123 = arith.constant 128 : i32
        %mul3A_124 = arith.muli %add3A_62, %mul3A_123 : i32
        %dma_start3A_125 = arith.constant 0 : i32
        %dma_start3A_126 = tpu.memref_slice %arg4[%mul3A_124, %dma_start3A_125] : memref<46080x256xf32, #tpu.memory_space<hbm>> -> memref<128x256xf32, #tpu.memory_space<hbm>>
        %dma_start3A_127 = arith.constant 0 : i32
        %dma_start3A_128 = tpu.memref_slice %arg4[%mul3A_124, %dma_start3A_127] : memref<46080x256xf32, #tpu.memory_space<hbm>> -> memref<128x256xf32, #tpu.memory_space<hbm>>
        tpu.enqueue_dma source(%arg8 : memref<128x256xf32, #tpu.memory_space<vmem>>) target(%dma_start3A_128 : memref<128x256xf32, #tpu.memory_space<hbm>>) target_semaphore(%arg12 : memref<!tpu.dma_semaphore, #tpu.memory_space<semaphore_mem>>)
      } else {
      }
    }
    %sub3A = arith.constant 1 : i32
    %sub3A_20 = arith.subi %select_n3A, %sub3A : i32
    %jit3A_21 = arith.constant 2 : i32
    %eq3A = arith.constant 0 : i32
    %eq3A_22 = arith.cmpi eq, %jit3A_21, %eq3A : i32
    %jit3A_23 = arith.constant 1 : i32
    %select_n3A_24 = arith.select %eq3A_22, %jit3A_23, %jit3A_21 : i32
    %rem3A = arith.remsi %sub3A_20, %select_n3A_24 : i32
    %ne3A = arith.constant 0 : i32
    %ne3A_25 = arith.cmpi ne, %rem3A, %ne3A : i32
    %lt3A_26 = arith.constant 0 : i32
    %lt3A_27 = arith.cmpi slt, %rem3A, %lt3A_26 : i32
    %lt3A_28 = arith.constant 0 : i32
    %lt3A_29 = arith.cmpi slt, %select_n3A_24, %lt3A_28 : i32
    %ne3A_30 = arith.xori %lt3A_27, %lt3A_29 : i1
    %and3A = arith.andi %ne3A_30, %ne3A_25 : i1
    %add3A_31 = arith.addi %rem3A, %select_n3A_24 : i32
    %select_n3A_32 = arith.select %and3A, %add3A_31, %rem3A : i32
    %eq3A_33 = arith.constant 0 : i32
    %eq3A_34 = arith.cmpi eq, %select_n3A_32, %eq3A_33 : i32
    %convert_element_type3A = arith.extui %eq3A_34 : i1 to i32
    %cond3A = arith.constant 0 : i32
    %cond3A_35 = arith.cmpi ne, %convert_element_type3A, %cond3A : i32
    scf.if %cond3A_35 {
      %dma_wait3A = arith.constant 0 : i32
      %dma_wait3A_59 = arith.constant 0 : i32
      %dma_wait3A_60 = tpu.memref_slice %arg4[%dma_wait3A, %dma_wait3A_59] : memref<46080x256xf32, #tpu.memory_space<hbm>> -> memref<128x256xf32, #tpu.memory_space<hbm>>
      %dma_wait3A_61 = arith.constant 0 : i32
      %dma_wait3A_62 = arith.constant 0 : i32
      %dma_wait3A_63 = tpu.memref_slice %arg4[%dma_wait3A_61, %dma_wait3A_62] : memref<46080x256xf32, #tpu.memory_space<hbm>> -> memref<128x256xf32, #tpu.memory_space<hbm>>
      tpu.wait_dma2 semaphore(%arg11 : memref<!tpu.dma_semaphore, #tpu.memory_space<semaphore_mem>>) src(%arg7 : memref<128x256xf32, #tpu.memory_space<vmem>>) dst(%dma_wait3A_63 : memref<128x256xf32, #tpu.memory_space<hbm>>)
    } else {
    }
    %sub3A_36 = arith.constant 1 : i32
    %sub3A_37 = arith.subi %select_n3A, %sub3A_36 : i32
    %jit3A_38 = arith.constant 2 : i32
    %eq3A_39 = arith.constant 0 : i32
    %eq3A_40 = arith.cmpi eq, %jit3A_38, %eq3A_39 : i32
    %jit3A_41 = arith.constant 1 : i32
    %select_n3A_42 = arith.select %eq3A_40, %jit3A_41, %jit3A_38 : i32
    %rem3A_43 = arith.remsi %sub3A_37, %select_n3A_42 : i32
    %ne3A_44 = arith.constant 0 : i32
    %ne3A_45 = arith.cmpi ne, %rem3A_43, %ne3A_44 : i32
    %lt3A_46 = arith.constant 0 : i32
    %lt3A_47 = arith.cmpi slt, %rem3A_43, %lt3A_46 : i32
    %lt3A_48 = arith.constant 0 : i32
    %lt3A_49 = arith.cmpi slt, %select_n3A_42, %lt3A_48 : i32
    %ne3A_50 = arith.xori %lt3A_47, %lt3A_49 : i1
    %and3A_51 = arith.andi %ne3A_50, %ne3A_45 : i1
    %add3A_52 = arith.addi %rem3A_43, %select_n3A_42 : i32
    %select_n3A_53 = arith.select %and3A_51, %add3A_52, %rem3A_43 : i32
    %eq3A_54 = arith.constant 1 : i32
    %eq3A_55 = arith.cmpi eq, %select_n3A_53, %eq3A_54 : i32
    %convert_element_type3A_56 = arith.extui %eq3A_55 : i1 to i32
    %cond3A_57 = arith.constant 0 : i32
    %cond3A_58 = arith.cmpi ne, %convert_element_type3A_56, %cond3A_57 : i32
    scf.if %cond3A_58 {
      %dma_wait3A = arith.constant 0 : i32
      %dma_wait3A_59 = arith.constant 0 : i32
      %dma_wait3A_60 = tpu.memref_slice %arg4[%dma_wait3A, %dma_wait3A_59] : memref<46080x256xf32, #tpu.memory_space<hbm>> -> memref<128x256xf32, #tpu.memory_space<hbm>>
      %dma_wait3A_61 = arith.constant 0 : i32
      %dma_wait3A_62 = arith.constant 0 : i32
      %dma_wait3A_63 = tpu.memref_slice %arg4[%dma_wait3A_61, %dma_wait3A_62] : memref<46080x256xf32, #tpu.memory_space<hbm>> -> memref<128x256xf32, #tpu.memory_space<hbm>>
      tpu.wait_dma2 semaphore(%arg12 : memref<!tpu.dma_semaphore, #tpu.memory_space<semaphore_mem>>) src(%arg8 : memref<128x256xf32, #tpu.memory_space<vmem>>) dst(%dma_wait3A_63 : memref<128x256xf32, #tpu.memory_space<hbm>>)
    } else {
    }
    return
  }
}

module attributes {stable_mosaic.version = 14 : i64} {
  func.func @_repack_body(%arg0: i32, %arg1: memref<4x64x4096xf32, #tpu.memory_space<vmem>>, %arg2: memref<4096x256xf32, #tpu.memory_space<vmem>>) attributes {dimension_semantics = [#tpu.dimension_semantics<arbitrary>], iteration_bounds = array<i64: 21>, scalar_prefetch = 0 : i64, scratch_operands = 0 : i64, tpu.core_type = #tpu.core_type<tc>, window_params = [{transform_indices = @transform_0, window_bounds = array<i64: 4, 64, 4096>}, {transform_indices = @transform_1, window_bounds = array<i64: 4096, 256>}]} {
    %get3A = arith.constant 0 : index
    %get3A_0 = arith.constant 0 : index
    %get3A_1 = arith.constant 0 : index
    %get3A_2 = vector.load %arg1[%get3A, %get3A_0, %get3A_1] : memref<4x64x4096xf32, #tpu.memory_space<vmem>>, vector<1x64x4096xf32>
    %get3A_3 = vector.shape_cast %get3A_2 : vector<1x64x4096xf32> to vector<64x4096xf32>
    %transpose3A = tpu.transpose %get3A_3, [1, 0] : vector<64x4096xf32> -> vector<4096x64xf32>
    %get3A_4 = arith.constant 1 : index
    %get3A_5 = arith.constant 0 : index
    %get3A_6 = arith.constant 0 : index
    %get3A_7 = vector.load %arg1[%get3A_4, %get3A_5, %get3A_6] : memref<4x64x4096xf32, #tpu.memory_space<vmem>>, vector<1x64x4096xf32>
    %get3A_8 = vector.shape_cast %get3A_7 : vector<1x64x4096xf32> to vector<64x4096xf32>
    %transpose3A_9 = tpu.transpose %get3A_8, [1, 0] : vector<64x4096xf32> -> vector<4096x64xf32>
    %get3A_10 = arith.constant 2 : index
    %get3A_11 = arith.constant 0 : index
    %get3A_12 = arith.constant 0 : index
    %get3A_13 = vector.load %arg1[%get3A_10, %get3A_11, %get3A_12] : memref<4x64x4096xf32, #tpu.memory_space<vmem>>, vector<1x64x4096xf32>
    %get3A_14 = vector.shape_cast %get3A_13 : vector<1x64x4096xf32> to vector<64x4096xf32>
    %transpose3A_15 = tpu.transpose %get3A_14, [1, 0] : vector<64x4096xf32> -> vector<4096x64xf32>
    %get3A_16 = arith.constant 3 : index
    %get3A_17 = arith.constant 0 : index
    %get3A_18 = arith.constant 0 : index
    %get3A_19 = vector.load %arg1[%get3A_16, %get3A_17, %get3A_18] : memref<4x64x4096xf32, #tpu.memory_space<vmem>>, vector<1x64x4096xf32>
    %get3A_20 = vector.shape_cast %get3A_19 : vector<1x64x4096xf32> to vector<64x4096xf32>
    %transpose3A_21 = tpu.transpose %get3A_20, [1, 0] : vector<64x4096xf32> -> vector<4096x64xf32>
    %concatenate3A = tpu.concatenate %transpose3A, %transpose3A_9, %transpose3A_15, %transpose3A_21 in 1 : vector<4096x64xf32>, vector<4096x64xf32>, vector<4096x64xf32>, vector<4096x64xf32> -> vector<4096x256xf32>
    %swap3A = arith.constant 0 : index
    %swap3A_22 = arith.constant 0 : index
    %swap3A_23 = vector.load %arg2[%swap3A, %swap3A_22] : memref<4096x256xf32, #tpu.memory_space<vmem>>, vector<4096x256xf32>
    tpu.vector_store %arg2[%swap3A, %swap3A_22], %concatenate3A {strides = array<i32>} : memref<4096x256xf32, #tpu.memory_space<vmem>>, vector<4096x256xf32>,
    return
  }
  func.func @transform_0(%arg0: i32) -> (i32, i32, i32) {
    %c0_i32 = arith.constant 0 : i32
    %c0_i32_0 = arith.constant 0 : i32
    %c0_i32_1 = arith.constant 0 : i32
    return %c0_i32, %c0_i32_0, %arg0 : i32, i32, i32
  }
  func.func @transform_1(%arg0: i32) -> (i32, i32) {
    %c0_i32 = arith.constant 0 : i32
    %c0_i32_0 = arith.constant 0 : i32
    return %arg0, %c0_i32 : i32, i32
  }
}

module attributes {stable_mosaic.version = 14 : i64} {
  func.func @_unpack_body2(%arg0: i32, %arg1: memref<5760x256xf32, #tpu.memory_space<vmem>>, %arg2: memref<4x153x64x640xf32, #tpu.memory_space<any>>, %arg3: memref<4x9x64x640xf32, #tpu.memory_space<vmem>>) attributes {dimension_semantics = [#tpu.dimension_semantics<arbitrary>], iteration_bounds = array<i64: 9>, scalar_prefetch = 0 : i64, scratch_operands = 0 : i64, tpu.core_type = #tpu.core_type<tc>, window_params = [{transform_indices = @transform_0, window_bounds = array<i64: 5760, 256>}, {}, {transform_indices = @transform_2, window_bounds = array<i64: 4, 9, 64, 640>}]} {
    %get3A = arith.constant 0 : index
    %get3A_0 = arith.constant 0 : index
    %get3A_1 = vector.load %arg1[%get3A, %get3A_0] : memref<5760x256xf32, #tpu.memory_space<vmem>>, vector<5760x256xf32>
    %transpose3A = tpu.transpose %get3A_1, [1, 0] : vector<5760x256xf32> -> vector<256x5760xf32>
    %slice3A = vector.extract_strided_slice %transpose3A {offsets = [0, 0], sizes = [64, 640], strides = [1, 1]} : vector<256x5760xf32> to vector<64x640xf32>
    %swap3A = arith.constant 0 : index
    %swap3A_2 = arith.constant 0 : index
    %swap3A_3 = arith.constant 0 : index
    %swap3A_4 = arith.constant 0 : index
    %swap3A_5 = vector.load %arg3[%swap3A, %swap3A_2, %swap3A_3, %swap3A_4] : memref<4x9x64x640xf32, #tpu.memory_space<vmem>>, vector<1x1x64x640xf32>
    %swap3A_6 = vector.shape_cast %swap3A_5 : vector<1x1x64x640xf32> to vector<64x640xf32>
    %swap3A_7 = vector.shape_cast %slice3A : vector<64x640xf32> to vector<1x1x64x640xf32>
    tpu.vector_store %arg3[%swap3A, %swap3A_2, %swap3A_3, %swap3A_4], %swap3A_7 {strides = array<i32>} : memref<4x9x64x640xf32, #tpu.memory_space<vmem>>, vector<1x1x64x640xf32>,
    %slice3A_8 = vector.extract_strided_slice %transpose3A {offsets = [0, 640], sizes = [64, 640], strides = [1, 1]} : vector<256x5760xf32> to vector<64x640xf32>
    %swap3A_9 = arith.constant 0 : index
    %swap3A_10 = arith.constant 1 : index
    %swap3A_11 = arith.constant 0 : index
    %swap3A_12 = arith.constant 0 : index
    %swap3A_13 = vector.load %arg3[%swap3A_9, %swap3A_10, %swap3A_11, %swap3A_12] : memref<4x9x64x640xf32, #tpu.memory_space<vmem>>, vector<1x1x64x640xf32>
    %swap3A_14 = vector.shape_cast %swap3A_13 : vector<1x1x64x640xf32> to vector<64x640xf32>
    %swap3A_15 = vector.shape_cast %slice3A_8 : vector<64x640xf32> to vector<1x1x64x640xf32>
    tpu.vector_store %arg3[%swap3A_9, %swap3A_10, %swap3A_11, %swap3A_12], %swap3A_15 {strides = array<i32>} : memref<4x9x64x640xf32, #tpu.memory_space<vmem>>, vector<1x1x64x640xf32>,
    %slice3A_16 = vector.extract_strided_slice %transpose3A {offsets = [0, 1280], sizes = [64, 640], strides = [1, 1]} : vector<256x5760xf32> to vector<64x640xf32>
    %swap3A_17 = arith.constant 0 : index
    %swap3A_18 = arith.constant 2 : index
    %swap3A_19 = arith.constant 0 : index
    %swap3A_20 = arith.constant 0 : index
    %swap3A_21 = vector.load %arg3[%swap3A_17, %swap3A_18, %swap3A_19, %swap3A_20] : memref<4x9x64x640xf32, #tpu.memory_space<vmem>>, vector<1x1x64x640xf32>
    %swap3A_22 = vector.shape_cast %swap3A_21 : vector<1x1x64x640xf32> to vector<64x640xf32>
    %swap3A_23 = vector.shape_cast %slice3A_16 : vector<64x640xf32> to vector<1x1x64x640xf32>
    tpu.vector_store %arg3[%swap3A_17, %swap3A_18, %swap3A_19, %swap3A_20], %swap3A_23 {strides = array<i32>} : memref<4x9x64x640xf32, #tpu.memory_space<vmem>>, vector<1x1x64x640xf32>,
    %slice3A_24 = vector.extract_strided_slice %transpose3A {offsets = [0, 1920], sizes = [64, 640], strides = [1, 1]} : vector<256x5760xf32> to vector<64x640xf32>
    %swap3A_25 = arith.constant 0 : index
    %swap3A_26 = arith.constant 3 : index
    %swap3A_27 = arith.constant 0 : index
    %swap3A_28 = arith.constant 0 : index
    %swap3A_29 = vector.load %arg3[%swap3A_25, %swap3A_26, %swap3A_27, %swap3A_28] : memref<4x9x64x640xf32, #tpu.memory_space<vmem>>, vector<1x1x64x640xf32>
    %swap3A_30 = vector.shape_cast %swap3A_29 : vector<1x1x64x640xf32> to vector<64x640xf32>
    %swap3A_31 = vector.shape_cast %slice3A_24 : vector<64x640xf32> to vector<1x1x64x640xf32>
    tpu.vector_store %arg3[%swap3A_25, %swap3A_26, %swap3A_27, %swap3A_28], %swap3A_31 {strides = array<i32>} : memref<4x9x64x640xf32, #tpu.memory_space<vmem>>, vector<1x1x64x640xf32>,
    %slice3A_32 = vector.extract_strided_slice %transpose3A {offsets = [0, 2560], sizes = [64, 640], strides = [1, 1]} : vector<256x5760xf32> to vector<64x640xf32>
    %swap3A_33 = arith.constant 0 : index
    %swap3A_34 = arith.constant 4 : index
    %swap3A_35 = arith.constant 0 : index
    %swap3A_36 = arith.constant 0 : index
    %swap3A_37 = vector.load %arg3[%swap3A_33, %swap3A_34, %swap3A_35, %swap3A_36] : memref<4x9x64x640xf32, #tpu.memory_space<vmem>>, vector<1x1x64x640xf32>
    %swap3A_38 = vector.shape_cast %swap3A_37 : vector<1x1x64x640xf32> to vector<64x640xf32>
    %swap3A_39 = vector.shape_cast %slice3A_32 : vector<64x640xf32> to vector<1x1x64x640xf32>
    tpu.vector_store %arg3[%swap3A_33, %swap3A_34, %swap3A_35, %swap3A_36], %swap3A_39 {strides = array<i32>} : memref<4x9x64x640xf32, #tpu.memory_space<vmem>>, vector<1x1x64x640xf32>,
    %slice3A_40 = vector.extract_strided_slice %transpose3A {offsets = [0, 3200], sizes = [64, 640], strides = [1, 1]} : vector<256x5760xf32> to vector<64x640xf32>
    %swap3A_41 = arith.constant 0 : index
    %swap3A_42 = arith.constant 5 : index
    %swap3A_43 = arith.constant 0 : index
    %swap3A_44 = arith.constant 0 : index
    %swap3A_45 = vector.load %arg3[%swap3A_41, %swap3A_42, %swap3A_43, %swap3A_44] : memref<4x9x64x640xf32, #tpu.memory_space<vmem>>, vector<1x1x64x640xf32>
    %swap3A_46 = vector.shape_cast %swap3A_45 : vector<1x1x64x640xf32> to vector<64x640xf32>
    %swap3A_47 = vector.shape_cast %slice3A_40 : vector<64x640xf32> to vector<1x1x64x640xf32>
    tpu.vector_store %arg3[%swap3A_41, %swap3A_42, %swap3A_43, %swap3A_44], %swap3A_47 {strides = array<i32>} : memref<4x9x64x640xf32, #tpu.memory_space<vmem>>, vector<1x1x64x640xf32>,
    %slice3A_48 = vector.extract_strided_slice %transpose3A {offsets = [0, 3840], sizes = [64, 640], strides = [1, 1]} : vector<256x5760xf32> to vector<64x640xf32>
    %swap3A_49 = arith.constant 0 : index
    %swap3A_50 = arith.constant 6 : index
    %swap3A_51 = arith.constant 0 : index
    %swap3A_52 = arith.constant 0 : index
    %swap3A_53 = vector.load %arg3[%swap3A_49, %swap3A_50, %swap3A_51, %swap3A_52] : memref<4x9x64x640xf32, #tpu.memory_space<vmem>>, vector<1x1x64x640xf32>
    %swap3A_54 = vector.shape_cast %swap3A_53 : vector<1x1x64x640xf32> to vector<64x640xf32>
    %swap3A_55 = vector.shape_cast %slice3A_48 : vector<64x640xf32> to vector<1x1x64x640xf32>
    tpu.vector_store %arg3[%swap3A_49, %swap3A_50, %swap3A_51, %swap3A_52], %swap3A_55 {strides = array<i32>} : memref<4x9x64x640xf32, #tpu.memory_space<vmem>>, vector<1x1x64x640xf32>,
    %slice3A_56 = vector.extract_strided_slice %transpose3A {offsets = [0, 4480], sizes = [64, 640], strides = [1, 1]} : vector<256x5760xf32> to vector<64x640xf32>
    %swap3A_57 = arith.constant 0 : index
    %swap3A_58 = arith.constant 7 : index
    %swap3A_59 = arith.constant 0 : index
    %swap3A_60 = arith.constant 0 : index
    %swap3A_61 = vector.load %arg3[%swap3A_57, %swap3A_58, %swap3A_59, %swap3A_60] : memref<4x9x64x640xf32, #tpu.memory_space<vmem>>, vector<1x1x64x640xf32>
    %swap3A_62 = vector.shape_cast %swap3A_61 : vector<1x1x64x640xf32> to vector<64x640xf32>
    %swap3A_63 = vector.shape_cast %slice3A_56 : vector<64x640xf32> to vector<1x1x64x640xf32>
    tpu.vector_store %arg3[%swap3A_57, %swap3A_58, %swap3A_59, %swap3A_60], %swap3A_63 {strides = array<i32>} : memref<4x9x64x640xf32, #tpu.memory_space<vmem>>, vector<1x1x64x640xf32>,
    %slice3A_64 = vector.extract_strided_slice %transpose3A {offsets = [0, 5120], sizes = [64, 640], strides = [1, 1]} : vector<256x5760xf32> to vector<64x640xf32>
    %swap3A_65 = arith.constant 0 : index
    %swap3A_66 = arith.constant 8 : index
    %swap3A_67 = arith.constant 0 : index
    %swap3A_68 = arith.constant 0 : index
    %swap3A_69 = vector.load %arg3[%swap3A_65, %swap3A_66, %swap3A_67, %swap3A_68] : memref<4x9x64x640xf32, #tpu.memory_space<vmem>>, vector<1x1x64x640xf32>
    %swap3A_70 = vector.shape_cast %swap3A_69 : vector<1x1x64x640xf32> to vector<64x640xf32>
    %swap3A_71 = vector.shape_cast %slice3A_64 : vector<64x640xf32> to vector<1x1x64x640xf32>
    tpu.vector_store %arg3[%swap3A_65, %swap3A_66, %swap3A_67, %swap3A_68], %swap3A_71 {strides = array<i32>} : memref<4x9x64x640xf32, #tpu.memory_space<vmem>>, vector<1x1x64x640xf32>,
    %slice3A_72 = vector.extract_strided_slice %transpose3A {offsets = [64, 0], sizes = [64, 640], strides = [1, 1]} : vector<256x5760xf32> to vector<64x640xf32>
    %swap3A_73 = arith.constant 1 : index
    %swap3A_74 = arith.constant 0 : index
    %swap3A_75 = arith.constant 0 : index
    %swap3A_76 = arith.constant 0 : index
    %swap3A_77 = vector.load %arg3[%swap3A_73, %swap3A_74, %swap3A_75, %swap3A_76] : memref<4x9x64x640xf32, #tpu.memory_space<vmem>>, vector<1x1x64x640xf32>
    %swap3A_78 = vector.shape_cast %swap3A_77 : vector<1x1x64x640xf32> to vector<64x640xf32>
    %swap3A_79 = vector.shape_cast %slice3A_72 : vector<64x640xf32> to vector<1x1x64x640xf32>
    tpu.vector_store %arg3[%swap3A_73, %swap3A_74, %swap3A_75, %swap3A_76], %swap3A_79 {strides = array<i32>} : memref<4x9x64x640xf32, #tpu.memory_space<vmem>>, vector<1x1x64x640xf32>,
    %slice3A_80 = vector.extract_strided_slice %transpose3A {offsets = [64, 640], sizes = [64, 640], strides = [1, 1]} : vector<256x5760xf32> to vector<64x640xf32>
    %swap3A_81 = arith.constant 1 : index
    %swap3A_82 = arith.constant 1 : index
    %swap3A_83 = arith.constant 0 : index
    %swap3A_84 = arith.constant 0 : index
    %swap3A_85 = vector.load %arg3[%swap3A_81, %swap3A_82, %swap3A_83, %swap3A_84] : memref<4x9x64x640xf32, #tpu.memory_space<vmem>>, vector<1x1x64x640xf32>
    %swap3A_86 = vector.shape_cast %swap3A_85 : vector<1x1x64x640xf32> to vector<64x640xf32>
    %swap3A_87 = vector.shape_cast %slice3A_80 : vector<64x640xf32> to vector<1x1x64x640xf32>
    tpu.vector_store %arg3[%swap3A_81, %swap3A_82, %swap3A_83, %swap3A_84], %swap3A_87 {strides = array<i32>} : memref<4x9x64x640xf32, #tpu.memory_space<vmem>>, vector<1x1x64x640xf32>,
    %slice3A_88 = vector.extract_strided_slice %transpose3A {offsets = [64, 1280], sizes = [64, 640], strides = [1, 1]} : vector<256x5760xf32> to vector<64x640xf32>
    %swap3A_89 = arith.constant 1 : index
    %swap3A_90 = arith.constant 2 : index
    %swap3A_91 = arith.constant 0 : index
    %swap3A_92 = arith.constant 0 : index
    %swap3A_93 = vector.load %arg3[%swap3A_89, %swap3A_90, %swap3A_91, %swap3A_92] : memref<4x9x64x640xf32, #tpu.memory_space<vmem>>, vector<1x1x64x640xf32>
    %swap3A_94 = vector.shape_cast %swap3A_93 : vector<1x1x64x640xf32> to vector<64x640xf32>
    %swap3A_95 = vector.shape_cast %slice3A_88 : vector<64x640xf32> to vector<1x1x64x640xf32>
    tpu.vector_store %arg3[%swap3A_89, %swap3A_90, %swap3A_91, %swap3A_92], %swap3A_95 {strides = array<i32>} : memref<4x9x64x640xf32, #tpu.memory_space<vmem>>, vector<1x1x64x640xf32>,
    %slice3A_96 = vector.extract_strided_slice %transpose3A {offsets = [64, 1920], sizes = [64, 640], strides = [1, 1]} : vector<256x5760xf32> to vector<64x640xf32>
    %swap3A_97 = arith.constant 1 : index
    %swap3A_98 = arith.constant 3 : index
    %swap3A_99 = arith.constant 0 : index
    %swap3A_100 = arith.constant 0 : index
    %swap3A_101 = vector.load %arg3[%swap3A_97, %swap3A_98, %swap3A_99, %swap3A_100] : memref<4x9x64x640xf32, #tpu.memory_space<vmem>>, vector<1x1x64x640xf32>
    %swap3A_102 = vector.shape_cast %swap3A_101 : vector<1x1x64x640xf32> to vector<64x640xf32>
    %swap3A_103 = vector.shape_cast %slice3A_96 : vector<64x640xf32> to vector<1x1x64x640xf32>
    tpu.vector_store %arg3[%swap3A_97, %swap3A_98, %swap3A_99, %swap3A_100], %swap3A_103 {strides = array<i32>} : memref<4x9x64x640xf32, #tpu.memory_space<vmem>>, vector<1x1x64x640xf32>,
    %slice3A_104 = vector.extract_strided_slice %transpose3A {offsets = [64, 2560], sizes = [64, 640], strides = [1, 1]} : vector<256x5760xf32> to vector<64x640xf32>
    %swap3A_105 = arith.constant 1 : index
    %swap3A_106 = arith.constant 4 : index
    %swap3A_107 = arith.constant 0 : index
    %swap3A_108 = arith.constant 0 : index
    %swap3A_109 = vector.load %arg3[%swap3A_105, %swap3A_106, %swap3A_107, %swap3A_108] : memref<4x9x64x640xf32, #tpu.memory_space<vmem>>, vector<1x1x64x640xf32>
    %swap3A_110 = vector.shape_cast %swap3A_109 : vector<1x1x64x640xf32> to vector<64x640xf32>
    %swap3A_111 = vector.shape_cast %slice3A_104 : vector<64x640xf32> to vector<1x1x64x640xf32>
    tpu.vector_store %arg3[%swap3A_105, %swap3A_106, %swap3A_107, %swap3A_108], %swap3A_111 {strides = array<i32>} : memref<4x9x64x640xf32, #tpu.memory_space<vmem>>, vector<1x1x64x640xf32>,
    %slice3A_112 = vector.extract_strided_slice %transpose3A {offsets = [64, 3200], sizes = [64, 640], strides = [1, 1]} : vector<256x5760xf32> to vector<64x640xf32>
    %swap3A_113 = arith.constant 1 : index
    %swap3A_114 = arith.constant 5 : index
    %swap3A_115 = arith.constant 0 : index
    %swap3A_116 = arith.constant 0 : index
    %swap3A_117 = vector.load %arg3[%swap3A_113, %swap3A_114, %swap3A_115, %swap3A_116] : memref<4x9x64x640xf32, #tpu.memory_space<vmem>>, vector<1x1x64x640xf32>
    %swap3A_118 = vector.shape_cast %swap3A_117 : vector<1x1x64x640xf32> to vector<64x640xf32>
    %swap3A_119 = vector.shape_cast %slice3A_112 : vector<64x640xf32> to vector<1x1x64x640xf32>
    tpu.vector_store %arg3[%swap3A_113, %swap3A_114, %swap3A_115, %swap3A_116], %swap3A_119 {strides = array<i32>} : memref<4x9x64x640xf32, #tpu.memory_space<vmem>>, vector<1x1x64x640xf32>,
    %slice3A_120 = vector.extract_strided_slice %transpose3A {offsets = [64, 3840], sizes = [64, 640], strides = [1, 1]} : vector<256x5760xf32> to vector<64x640xf32>
    %swap3A_121 = arith.constant 1 : index
    %swap3A_122 = arith.constant 6 : index
    %swap3A_123 = arith.constant 0 : index
    %swap3A_124 = arith.constant 0 : index
    %swap3A_125 = vector.load %arg3[%swap3A_121, %swap3A_122, %swap3A_123, %swap3A_124] : memref<4x9x64x640xf32, #tpu.memory_space<vmem>>, vector<1x1x64x640xf32>
    %swap3A_126 = vector.shape_cast %swap3A_125 : vector<1x1x64x640xf32> to vector<64x640xf32>
    %swap3A_127 = vector.shape_cast %slice3A_120 : vector<64x640xf32> to vector<1x1x64x640xf32>
    tpu.vector_store %arg3[%swap3A_121, %swap3A_122, %swap3A_123, %swap3A_124], %swap3A_127 {strides = array<i32>} : memref<4x9x64x640xf32, #tpu.memory_space<vmem>>, vector<1x1x64x640xf32>,
    %slice3A_128 = vector.extract_strided_slice %transpose3A {offsets = [64, 4480], sizes = [64, 640], strides = [1, 1]} : vector<256x5760xf32> to vector<64x640xf32>
    %swap3A_129 = arith.constant 1 : index
    %swap3A_130 = arith.constant 7 : index
    %swap3A_131 = arith.constant 0 : index
    %swap3A_132 = arith.constant 0 : index
    %swap3A_133 = vector.load %arg3[%swap3A_129, %swap3A_130, %swap3A_131, %swap3A_132] : memref<4x9x64x640xf32, #tpu.memory_space<vmem>>, vector<1x1x64x640xf32>
    %swap3A_134 = vector.shape_cast %swap3A_133 : vector<1x1x64x640xf32> to vector<64x640xf32>
    %swap3A_135 = vector.shape_cast %slice3A_128 : vector<64x640xf32> to vector<1x1x64x640xf32>
    tpu.vector_store %arg3[%swap3A_129, %swap3A_130, %swap3A_131, %swap3A_132], %swap3A_135 {strides = array<i32>} : memref<4x9x64x640xf32, #tpu.memory_space<vmem>>, vector<1x1x64x640xf32>,
    %slice3A_136 = vector.extract_strided_slice %transpose3A {offsets = [64, 5120], sizes = [64, 640], strides = [1, 1]} : vector<256x5760xf32> to vector<64x640xf32>
    %swap3A_137 = arith.constant 1 : index
    %swap3A_138 = arith.constant 8 : index
    %swap3A_139 = arith.constant 0 : index
    %swap3A_140 = arith.constant 0 : index
    %swap3A_141 = vector.load %arg3[%swap3A_137, %swap3A_138, %swap3A_139, %swap3A_140] : memref<4x9x64x640xf32, #tpu.memory_space<vmem>>, vector<1x1x64x640xf32>
    %swap3A_142 = vector.shape_cast %swap3A_141 : vector<1x1x64x640xf32> to vector<64x640xf32>
    %swap3A_143 = vector.shape_cast %slice3A_136 : vector<64x640xf32> to vector<1x1x64x640xf32>
    tpu.vector_store %arg3[%swap3A_137, %swap3A_138, %swap3A_139, %swap3A_140], %swap3A_143 {strides = array<i32>} : memref<4x9x64x640xf32, #tpu.memory_space<vmem>>, vector<1x1x64x640xf32>,
    %slice3A_144 = vector.extract_strided_slice %transpose3A {offsets = [128, 0], sizes = [64, 640], strides = [1, 1]} : vector<256x5760xf32> to vector<64x640xf32>
    %swap3A_145 = arith.constant 2 : index
    %swap3A_146 = arith.constant 0 : index
    %swap3A_147 = arith.constant 0 : index
    %swap3A_148 = arith.constant 0 : index
    %swap3A_149 = vector.load %arg3[%swap3A_145, %swap3A_146, %swap3A_147, %swap3A_148] : memref<4x9x64x640xf32, #tpu.memory_space<vmem>>, vector<1x1x64x640xf32>
    %swap3A_150 = vector.shape_cast %swap3A_149 : vector<1x1x64x640xf32> to vector<64x640xf32>
    %swap3A_151 = vector.shape_cast %slice3A_144 : vector<64x640xf32> to vector<1x1x64x640xf32>
    tpu.vector_store %arg3[%swap3A_145, %swap3A_146, %swap3A_147, %swap3A_148], %swap3A_151 {strides = array<i32>} : memref<4x9x64x640xf32, #tpu.memory_space<vmem>>, vector<1x1x64x640xf32>,
    %slice3A_152 = vector.extract_strided_slice %transpose3A {offsets = [128, 640], sizes = [64, 640], strides = [1, 1]} : vector<256x5760xf32> to vector<64x640xf32>
    %swap3A_153 = arith.constant 2 : index
    %swap3A_154 = arith.constant 1 : index
    %swap3A_155 = arith.constant 0 : index
    %swap3A_156 = arith.constant 0 : index
    %swap3A_157 = vector.load %arg3[%swap3A_153, %swap3A_154, %swap3A_155, %swap3A_156] : memref<4x9x64x640xf32, #tpu.memory_space<vmem>>, vector<1x1x64x640xf32>
    %swap3A_158 = vector.shape_cast %swap3A_157 : vector<1x1x64x640xf32> to vector<64x640xf32>
    %swap3A_159 = vector.shape_cast %slice3A_152 : vector<64x640xf32> to vector<1x1x64x640xf32>
    tpu.vector_store %arg3[%swap3A_153, %swap3A_154, %swap3A_155, %swap3A_156], %swap3A_159 {strides = array<i32>} : memref<4x9x64x640xf32, #tpu.memory_space<vmem>>, vector<1x1x64x640xf32>,
    %slice3A_160 = vector.extract_strided_slice %transpose3A {offsets = [128, 1280], sizes = [64, 640], strides = [1, 1]} : vector<256x5760xf32> to vector<64x640xf32>
    %swap3A_161 = arith.constant 2 : index
    %swap3A_162 = arith.constant 2 : index
    %swap3A_163 = arith.constant 0 : index
    %swap3A_164 = arith.constant 0 : index
    %swap3A_165 = vector.load %arg3[%swap3A_161, %swap3A_162, %swap3A_163, %swap3A_164] : memref<4x9x64x640xf32, #tpu.memory_space<vmem>>, vector<1x1x64x640xf32>
    %swap3A_166 = vector.shape_cast %swap3A_165 : vector<1x1x64x640xf32> to vector<64x640xf32>
    %swap3A_167 = vector.shape_cast %slice3A_160 : vector<64x640xf32> to vector<1x1x64x640xf32>
    tpu.vector_store %arg3[%swap3A_161, %swap3A_162, %swap3A_163, %swap3A_164], %swap3A_167 {strides = array<i32>} : memref<4x9x64x640xf32, #tpu.memory_space<vmem>>, vector<1x1x64x640xf32>,
    %slice3A_168 = vector.extract_strided_slice %transpose3A {offsets = [128, 1920], sizes = [64, 640], strides = [1, 1]} : vector<256x5760xf32> to vector<64x640xf32>
    %swap3A_169 = arith.constant 2 : index
    %swap3A_170 = arith.constant 3 : index
    %swap3A_171 = arith.constant 0 : index
    %swap3A_172 = arith.constant 0 : index
    %swap3A_173 = vector.load %arg3[%swap3A_169, %swap3A_170, %swap3A_171, %swap3A_172] : memref<4x9x64x640xf32, #tpu.memory_space<vmem>>, vector<1x1x64x640xf32>
    %swap3A_174 = vector.shape_cast %swap3A_173 : vector<1x1x64x640xf32> to vector<64x640xf32>
    %swap3A_175 = vector.shape_cast %slice3A_168 : vector<64x640xf32> to vector<1x1x64x640xf32>
    tpu.vector_store %arg3[%swap3A_169, %swap3A_170, %swap3A_171, %swap3A_172], %swap3A_175 {strides = array<i32>} : memref<4x9x64x640xf32, #tpu.memory_space<vmem>>, vector<1x1x64x640xf32>,
    %slice3A_176 = vector.extract_strided_slice %transpose3A {offsets = [128, 2560], sizes = [64, 640], strides = [1, 1]} : vector<256x5760xf32> to vector<64x640xf32>
    %swap3A_177 = arith.constant 2 : index
    %swap3A_178 = arith.constant 4 : index
    %swap3A_179 = arith.constant 0 : index
    %swap3A_180 = arith.constant 0 : index
    %swap3A_181 = vector.load %arg3[%swap3A_177, %swap3A_178, %swap3A_179, %swap3A_180] : memref<4x9x64x640xf32, #tpu.memory_space<vmem>>, vector<1x1x64x640xf32>
    %swap3A_182 = vector.shape_cast %swap3A_181 : vector<1x1x64x640xf32> to vector<64x640xf32>
    %swap3A_183 = vector.shape_cast %slice3A_176 : vector<64x640xf32> to vector<1x1x64x640xf32>
    tpu.vector_store %arg3[%swap3A_177, %swap3A_178, %swap3A_179, %swap3A_180], %swap3A_183 {strides = array<i32>} : memref<4x9x64x640xf32, #tpu.memory_space<vmem>>, vector<1x1x64x640xf32>,
    %slice3A_184 = vector.extract_strided_slice %transpose3A {offsets = [128, 3200], sizes = [64, 640], strides = [1, 1]} : vector<256x5760xf32> to vector<64x640xf32>
    %swap3A_185 = arith.constant 2 : index
    %swap3A_186 = arith.constant 5 : index
    %swap3A_187 = arith.constant 0 : index
    %swap3A_188 = arith.constant 0 : index
    %swap3A_189 = vector.load %arg3[%swap3A_185, %swap3A_186, %swap3A_187, %swap3A_188] : memref<4x9x64x640xf32, #tpu.memory_space<vmem>>, vector<1x1x64x640xf32>
    %swap3A_190 = vector.shape_cast %swap3A_189 : vector<1x1x64x640xf32> to vector<64x640xf32>
    %swap3A_191 = vector.shape_cast %slice3A_184 : vector<64x640xf32> to vector<1x1x64x640xf32>
    tpu.vector_store %arg3[%swap3A_185, %swap3A_186, %swap3A_187, %swap3A_188], %swap3A_191 {strides = array<i32>} : memref<4x9x64x640xf32, #tpu.memory_space<vmem>>, vector<1x1x64x640xf32>,
    %slice3A_192 = vector.extract_strided_slice %transpose3A {offsets = [128, 3840], sizes = [64, 640], strides = [1, 1]} : vector<256x5760xf32> to vector<64x640xf32>
    %swap3A_193 = arith.constant 2 : index
    %swap3A_194 = arith.constant 6 : index
    %swap3A_195 = arith.constant 0 : index
    %swap3A_196 = arith.constant 0 : index
    %swap3A_197 = vector.load %arg3[%swap3A_193, %swap3A_194, %swap3A_195, %swap3A_196] : memref<4x9x64x640xf32, #tpu.memory_space<vmem>>, vector<1x1x64x640xf32>
    %swap3A_198 = vector.shape_cast %swap3A_197 : vector<1x1x64x640xf32> to vector<64x640xf32>
    %swap3A_199 = vector.shape_cast %slice3A_192 : vector<64x640xf32> to vector<1x1x64x640xf32>
    tpu.vector_store %arg3[%swap3A_193, %swap3A_194, %swap3A_195, %swap3A_196], %swap3A_199 {strides = array<i32>} : memref<4x9x64x640xf32, #tpu.memory_space<vmem>>, vector<1x1x64x640xf32>,
    %slice3A_200 = vector.extract_strided_slice %transpose3A {offsets = [128, 4480], sizes = [64, 640], strides = [1, 1]} : vector<256x5760xf32> to vector<64x640xf32>
    %swap3A_201 = arith.constant 2 : index
    %swap3A_202 = arith.constant 7 : index
    %swap3A_203 = arith.constant 0 : index
    %swap3A_204 = arith.constant 0 : index
    %swap3A_205 = vector.load %arg3[%swap3A_201, %swap3A_202, %swap3A_203, %swap3A_204] : memref<4x9x64x640xf32, #tpu.memory_space<vmem>>, vector<1x1x64x640xf32>
    %swap3A_206 = vector.shape_cast %swap3A_205 : vector<1x1x64x640xf32> to vector<64x640xf32>
    %swap3A_207 = vector.shape_cast %slice3A_200 : vector<64x640xf32> to vector<1x1x64x640xf32>
    tpu.vector_store %arg3[%swap3A_201, %swap3A_202, %swap3A_203, %swap3A_204], %swap3A_207 {strides = array<i32>} : memref<4x9x64x640xf32, #tpu.memory_space<vmem>>, vector<1x1x64x640xf32>,
    %slice3A_208 = vector.extract_strided_slice %transpose3A {offsets = [128, 5120], sizes = [64, 640], strides = [1, 1]} : vector<256x5760xf32> to vector<64x640xf32>
    %swap3A_209 = arith.constant 2 : index
    %swap3A_210 = arith.constant 8 : index
    %swap3A_211 = arith.constant 0 : index
    %swap3A_212 = arith.constant 0 : index
    %swap3A_213 = vector.load %arg3[%swap3A_209, %swap3A_210, %swap3A_211, %swap3A_212] : memref<4x9x64x640xf32, #tpu.memory_space<vmem>>, vector<1x1x64x640xf32>
    %swap3A_214 = vector.shape_cast %swap3A_213 : vector<1x1x64x640xf32> to vector<64x640xf32>
    %swap3A_215 = vector.shape_cast %slice3A_208 : vector<64x640xf32> to vector<1x1x64x640xf32>
    tpu.vector_store %arg3[%swap3A_209, %swap3A_210, %swap3A_211, %swap3A_212], %swap3A_215 {strides = array<i32>} : memref<4x9x64x640xf32, #tpu.memory_space<vmem>>, vector<1x1x64x640xf32>,
    %slice3A_216 = vector.extract_strided_slice %transpose3A {offsets = [192, 0], sizes = [64, 640], strides = [1, 1]} : vector<256x5760xf32> to vector<64x640xf32>
    %swap3A_217 = arith.constant 3 : index
    %swap3A_218 = arith.constant 0 : index
    %swap3A_219 = arith.constant 0 : index
    %swap3A_220 = arith.constant 0 : index
    %swap3A_221 = vector.load %arg3[%swap3A_217, %swap3A_218, %swap3A_219, %swap3A_220] : memref<4x9x64x640xf32, #tpu.memory_space<vmem>>, vector<1x1x64x640xf32>
    %swap3A_222 = vector.shape_cast %swap3A_221 : vector<1x1x64x640xf32> to vector<64x640xf32>
    %swap3A_223 = vector.shape_cast %slice3A_216 : vector<64x640xf32> to vector<1x1x64x640xf32>
    tpu.vector_store %arg3[%swap3A_217, %swap3A_218, %swap3A_219, %swap3A_220], %swap3A_223 {strides = array<i32>} : memref<4x9x64x640xf32, #tpu.memory_space<vmem>>, vector<1x1x64x640xf32>,
    %slice3A_224 = vector.extract_strided_slice %transpose3A {offsets = [192, 640], sizes = [64, 640], strides = [1, 1]} : vector<256x5760xf32> to vector<64x640xf32>
    %swap3A_225 = arith.constant 3 : index
    %swap3A_226 = arith.constant 1 : index
    %swap3A_227 = arith.constant 0 : index
    %swap3A_228 = arith.constant 0 : index
    %swap3A_229 = vector.load %arg3[%swap3A_225, %swap3A_226, %swap3A_227, %swap3A_228] : memref<4x9x64x640xf32, #tpu.memory_space<vmem>>, vector<1x1x64x640xf32>
    %swap3A_230 = vector.shape_cast %swap3A_229 : vector<1x1x64x640xf32> to vector<64x640xf32>
    %swap3A_231 = vector.shape_cast %slice3A_224 : vector<64x640xf32> to vector<1x1x64x640xf32>
    tpu.vector_store %arg3[%swap3A_225, %swap3A_226, %swap3A_227, %swap3A_228], %swap3A_231 {strides = array<i32>} : memref<4x9x64x640xf32, #tpu.memory_space<vmem>>, vector<1x1x64x640xf32>,
    %slice3A_232 = vector.extract_strided_slice %transpose3A {offsets = [192, 1280], sizes = [64, 640], strides = [1, 1]} : vector<256x5760xf32> to vector<64x640xf32>
    %swap3A_233 = arith.constant 3 : index
    %swap3A_234 = arith.constant 2 : index
    %swap3A_235 = arith.constant 0 : index
    %swap3A_236 = arith.constant 0 : index
    %swap3A_237 = vector.load %arg3[%swap3A_233, %swap3A_234, %swap3A_235, %swap3A_236] : memref<4x9x64x640xf32, #tpu.memory_space<vmem>>, vector<1x1x64x640xf32>
    %swap3A_238 = vector.shape_cast %swap3A_237 : vector<1x1x64x640xf32> to vector<64x640xf32>
    %swap3A_239 = vector.shape_cast %slice3A_232 : vector<64x640xf32> to vector<1x1x64x640xf32>
    tpu.vector_store %arg3[%swap3A_233, %swap3A_234, %swap3A_235, %swap3A_236], %swap3A_239 {strides = array<i32>} : memref<4x9x64x640xf32, #tpu.memory_space<vmem>>, vector<1x1x64x640xf32>,
    %slice3A_240 = vector.extract_strided_slice %transpose3A {offsets = [192, 1920], sizes = [64, 640], strides = [1, 1]} : vector<256x5760xf32> to vector<64x640xf32>
    %swap3A_241 = arith.constant 3 : index
    %swap3A_242 = arith.constant 3 : index
    %swap3A_243 = arith.constant 0 : index
    %swap3A_244 = arith.constant 0 : index
    %swap3A_245 = vector.load %arg3[%swap3A_241, %swap3A_242, %swap3A_243, %swap3A_244] : memref<4x9x64x640xf32, #tpu.memory_space<vmem>>, vector<1x1x64x640xf32>
    %swap3A_246 = vector.shape_cast %swap3A_245 : vector<1x1x64x640xf32> to vector<64x640xf32>
    %swap3A_247 = vector.shape_cast %slice3A_240 : vector<64x640xf32> to vector<1x1x64x640xf32>
    tpu.vector_store %arg3[%swap3A_241, %swap3A_242, %swap3A_243, %swap3A_244], %swap3A_247 {strides = array<i32>} : memref<4x9x64x640xf32, #tpu.memory_space<vmem>>, vector<1x1x64x640xf32>,
    %slice3A_248 = vector.extract_strided_slice %transpose3A {offsets = [192, 2560], sizes = [64, 640], strides = [1, 1]} : vector<256x5760xf32> to vector<64x640xf32>
    %swap3A_249 = arith.constant 3 : index
    %swap3A_250 = arith.constant 4 : index
    %swap3A_251 = arith.constant 0 : index
    %swap3A_252 = arith.constant 0 : index
    %swap3A_253 = vector.load %arg3[%swap3A_249, %swap3A_250, %swap3A_251, %swap3A_252] : memref<4x9x64x640xf32, #tpu.memory_space<vmem>>, vector<1x1x64x640xf32>
    %swap3A_254 = vector.shape_cast %swap3A_253 : vector<1x1x64x640xf32> to vector<64x640xf32>
    %swap3A_255 = vector.shape_cast %slice3A_248 : vector<64x640xf32> to vector<1x1x64x640xf32>
    tpu.vector_store %arg3[%swap3A_249, %swap3A_250, %swap3A_251, %swap3A_252], %swap3A_255 {strides = array<i32>} : memref<4x9x64x640xf32, #tpu.memory_space<vmem>>, vector<1x1x64x640xf32>,
    %slice3A_256 = vector.extract_strided_slice %transpose3A {offsets = [192, 3200], sizes = [64, 640], strides = [1, 1]} : vector<256x5760xf32> to vector<64x640xf32>
    %swap3A_257 = arith.constant 3 : index
    %swap3A_258 = arith.constant 5 : index
    %swap3A_259 = arith.constant 0 : index
    %swap3A_260 = arith.constant 0 : index
    %swap3A_261 = vector.load %arg3[%swap3A_257, %swap3A_258, %swap3A_259, %swap3A_260] : memref<4x9x64x640xf32, #tpu.memory_space<vmem>>, vector<1x1x64x640xf32>
    %swap3A_262 = vector.shape_cast %swap3A_261 : vector<1x1x64x640xf32> to vector<64x640xf32>
    %swap3A_263 = vector.shape_cast %slice3A_256 : vector<64x640xf32> to vector<1x1x64x640xf32>
    tpu.vector_store %arg3[%swap3A_257, %swap3A_258, %swap3A_259, %swap3A_260], %swap3A_263 {strides = array<i32>} : memref<4x9x64x640xf32, #tpu.memory_space<vmem>>, vector<1x1x64x640xf32>,
    %slice3A_264 = vector.extract_strided_slice %transpose3A {offsets = [192, 3840], sizes = [64, 640], strides = [1, 1]} : vector<256x5760xf32> to vector<64x640xf32>
    %swap3A_265 = arith.constant 3 : index
    %swap3A_266 = arith.constant 6 : index
    %swap3A_267 = arith.constant 0 : index
    %swap3A_268 = arith.constant 0 : index
    %swap3A_269 = vector.load %arg3[%swap3A_265, %swap3A_266, %swap3A_267, %swap3A_268] : memref<4x9x64x640xf32, #tpu.memory_space<vmem>>, vector<1x1x64x640xf32>
    %swap3A_270 = vector.shape_cast %swap3A_269 : vector<1x1x64x640xf32> to vector<64x640xf32>
    %swap3A_271 = vector.shape_cast %slice3A_264 : vector<64x640xf32> to vector<1x1x64x640xf32>
    tpu.vector_store %arg3[%swap3A_265, %swap3A_266, %swap3A_267, %swap3A_268], %swap3A_271 {strides = array<i32>} : memref<4x9x64x640xf32, #tpu.memory_space<vmem>>, vector<1x1x64x640xf32>,
    %slice3A_272 = vector.extract_strided_slice %transpose3A {offsets = [192, 4480], sizes = [64, 640], strides = [1, 1]} : vector<256x5760xf32> to vector<64x640xf32>
    %swap3A_273 = arith.constant 3 : index
    %swap3A_274 = arith.constant 7 : index
    %swap3A_275 = arith.constant 0 : index
    %swap3A_276 = arith.constant 0 : index
    %swap3A_277 = vector.load %arg3[%swap3A_273, %swap3A_274, %swap3A_275, %swap3A_276] : memref<4x9x64x640xf32, #tpu.memory_space<vmem>>, vector<1x1x64x640xf32>
    %swap3A_278 = vector.shape_cast %swap3A_277 : vector<1x1x64x640xf32> to vector<64x640xf32>
    %swap3A_279 = vector.shape_cast %slice3A_272 : vector<64x640xf32> to vector<1x1x64x640xf32>
    tpu.vector_store %arg3[%swap3A_273, %swap3A_274, %swap3A_275, %swap3A_276], %swap3A_279 {strides = array<i32>} : memref<4x9x64x640xf32, #tpu.memory_space<vmem>>, vector<1x1x64x640xf32>,
    %slice3A_280 = vector.extract_strided_slice %transpose3A {offsets = [192, 5120], sizes = [64, 640], strides = [1, 1]} : vector<256x5760xf32> to vector<64x640xf32>
    %swap3A_281 = arith.constant 3 : index
    %swap3A_282 = arith.constant 8 : index
    %swap3A_283 = arith.constant 0 : index
    %swap3A_284 = arith.constant 0 : index
    %swap3A_285 = vector.load %arg3[%swap3A_281, %swap3A_282, %swap3A_283, %swap3A_284] : memref<4x9x64x640xf32, #tpu.memory_space<vmem>>, vector<1x1x64x640xf32>
    %swap3A_286 = vector.shape_cast %swap3A_285 : vector<1x1x64x640xf32> to vector<64x640xf32>
    %swap3A_287 = vector.shape_cast %slice3A_280 : vector<64x640xf32> to vector<1x1x64x640xf32>
    tpu.vector_store %arg3[%swap3A_281, %swap3A_282, %swap3A_283, %swap3A_284], %swap3A_287 {strides = array<i32>} : memref<4x9x64x640xf32, #tpu.memory_space<vmem>>, vector<1x1x64x640xf32>,
    return
  }
  func.func @transform_0(%arg0: i32) -> (i32, i32) {
    %c0_i32 = arith.constant 0 : i32
    %c0_i32_0 = arith.constant 0 : i32
    return %arg0, %c0_i32 : i32, i32
  }
  func.func @transform_2(%arg0: i32) -> (i32, i32, i32, i32) {
    %add3A = arith.constant 8 : i32
    %add3A_0 = arith.addi %arg0, %add3A : i32
    %c0_i32 = arith.constant 0 : i32
    %c0_i32_1 = arith.constant 0 : i32
    %c0_i32_2 = arith.constant 0 : i32
    %c0_i32_3 = arith.constant 0 : i32
    return %c0_i32, %add3A_0, %c0_i32_1, %c0_i32_2 : i32, i32, i32, i32
  }
}

module attributes {stable_mosaic.version = 14 : i64} {
  func.func @_unpack_body(%arg0: i32, %arg1: memref<5760x256xf32, #tpu.memory_space<vmem>>, %arg2: memref<4x9x64x640xf32, #tpu.memory_space<vmem>>) attributes {dimension_semantics = [#tpu.dimension_semantics<arbitrary>], iteration_bounds = array<i64: 8>, scalar_prefetch = 0 : i64, scratch_operands = 0 : i64, tpu.core_type = #tpu.core_type<tc>, window_params = [{transform_indices = @transform_0, window_bounds = array<i64: 5760, 256>}, {transform_indices = @transform_1, window_bounds = array<i64: 4, 9, 64, 640>}]} {
    %get3A = arith.constant 0 : index
    %get3A_0 = arith.constant 0 : index
    %get3A_1 = vector.load %arg1[%get3A, %get3A_0] : memref<5760x256xf32, #tpu.memory_space<vmem>>, vector<5760x256xf32>
    %transpose3A = tpu.transpose %get3A_1, [1, 0] : vector<5760x256xf32> -> vector<256x5760xf32>
    %slice3A = vector.extract_strided_slice %transpose3A {offsets = [0, 0], sizes = [64, 640], strides = [1, 1]} : vector<256x5760xf32> to vector<64x640xf32>
    %swap3A = arith.constant 0 : index
    %swap3A_2 = arith.constant 0 : index
    %swap3A_3 = arith.constant 0 : index
    %swap3A_4 = arith.constant 0 : index
    %swap3A_5 = vector.load %arg2[%swap3A, %swap3A_2, %swap3A_3, %swap3A_4] : memref<4x9x64x640xf32, #tpu.memory_space<vmem>>, vector<1x1x64x640xf32>
    %swap3A_6 = vector.shape_cast %swap3A_5 : vector<1x1x64x640xf32> to vector<64x640xf32>
    %swap3A_7 = vector.shape_cast %slice3A : vector<64x640xf32> to vector<1x1x64x640xf32>
    tpu.vector_store %arg2[%swap3A, %swap3A_2, %swap3A_3, %swap3A_4], %swap3A_7 {strides = array<i32>} : memref<4x9x64x640xf32, #tpu.memory_space<vmem>>, vector<1x1x64x640xf32>,
    %slice3A_8 = vector.extract_strided_slice %transpose3A {offsets = [0, 640], sizes = [64, 640], strides = [1, 1]} : vector<256x5760xf32> to vector<64x640xf32>
    %swap3A_9 = arith.constant 0 : index
    %swap3A_10 = arith.constant 1 : index
    %swap3A_11 = arith.constant 0 : index
    %swap3A_12 = arith.constant 0 : index
    %swap3A_13 = vector.load %arg2[%swap3A_9, %swap3A_10, %swap3A_11, %swap3A_12] : memref<4x9x64x640xf32, #tpu.memory_space<vmem>>, vector<1x1x64x640xf32>
    %swap3A_14 = vector.shape_cast %swap3A_13 : vector<1x1x64x640xf32> to vector<64x640xf32>
    %swap3A_15 = vector.shape_cast %slice3A_8 : vector<64x640xf32> to vector<1x1x64x640xf32>
    tpu.vector_store %arg2[%swap3A_9, %swap3A_10, %swap3A_11, %swap3A_12], %swap3A_15 {strides = array<i32>} : memref<4x9x64x640xf32, #tpu.memory_space<vmem>>, vector<1x1x64x640xf32>,
    %slice3A_16 = vector.extract_strided_slice %transpose3A {offsets = [0, 1280], sizes = [64, 640], strides = [1, 1]} : vector<256x5760xf32> to vector<64x640xf32>
    %swap3A_17 = arith.constant 0 : index
    %swap3A_18 = arith.constant 2 : index
    %swap3A_19 = arith.constant 0 : index
    %swap3A_20 = arith.constant 0 : index
    %swap3A_21 = vector.load %arg2[%swap3A_17, %swap3A_18, %swap3A_19, %swap3A_20] : memref<4x9x64x640xf32, #tpu.memory_space<vmem>>, vector<1x1x64x640xf32>
    %swap3A_22 = vector.shape_cast %swap3A_21 : vector<1x1x64x640xf32> to vector<64x640xf32>
    %swap3A_23 = vector.shape_cast %slice3A_16 : vector<64x640xf32> to vector<1x1x64x640xf32>
    tpu.vector_store %arg2[%swap3A_17, %swap3A_18, %swap3A_19, %swap3A_20], %swap3A_23 {strides = array<i32>} : memref<4x9x64x640xf32, #tpu.memory_space<vmem>>, vector<1x1x64x640xf32>,
    %slice3A_24 = vector.extract_strided_slice %transpose3A {offsets = [0, 1920], sizes = [64, 640], strides = [1, 1]} : vector<256x5760xf32> to vector<64x640xf32>
    %swap3A_25 = arith.constant 0 : index
    %swap3A_26 = arith.constant 3 : index
    %swap3A_27 = arith.constant 0 : index
    %swap3A_28 = arith.constant 0 : index
    %swap3A_29 = vector.load %arg2[%swap3A_25, %swap3A_26, %swap3A_27, %swap3A_28] : memref<4x9x64x640xf32, #tpu.memory_space<vmem>>, vector<1x1x64x640xf32>
    %swap3A_30 = vector.shape_cast %swap3A_29 : vector<1x1x64x640xf32> to vector<64x640xf32>
    %swap3A_31 = vector.shape_cast %slice3A_24 : vector<64x640xf32> to vector<1x1x64x640xf32>
    tpu.vector_store %arg2[%swap3A_25, %swap3A_26, %swap3A_27, %swap3A_28], %swap3A_31 {strides = array<i32>} : memref<4x9x64x640xf32, #tpu.memory_space<vmem>>, vector<1x1x64x640xf32>,
    %slice3A_32 = vector.extract_strided_slice %transpose3A {offsets = [0, 2560], sizes = [64, 640], strides = [1, 1]} : vector<256x5760xf32> to vector<64x640xf32>
    %swap3A_33 = arith.constant 0 : index
    %swap3A_34 = arith.constant 4 : index
    %swap3A_35 = arith.constant 0 : index
    %swap3A_36 = arith.constant 0 : index
    %swap3A_37 = vector.load %arg2[%swap3A_33, %swap3A_34, %swap3A_35, %swap3A_36] : memref<4x9x64x640xf32, #tpu.memory_space<vmem>>, vector<1x1x64x640xf32>
    %swap3A_38 = vector.shape_cast %swap3A_37 : vector<1x1x64x640xf32> to vector<64x640xf32>
    %swap3A_39 = vector.shape_cast %slice3A_32 : vector<64x640xf32> to vector<1x1x64x640xf32>
    tpu.vector_store %arg2[%swap3A_33, %swap3A_34, %swap3A_35, %swap3A_36], %swap3A_39 {strides = array<i32>} : memref<4x9x64x640xf32, #tpu.memory_space<vmem>>, vector<1x1x64x640xf32>,
    %slice3A_40 = vector.extract_strided_slice %transpose3A {offsets = [0, 3200], sizes = [64, 640], strides = [1, 1]} : vector<256x5760xf32> to vector<64x640xf32>
    %swap3A_41 = arith.constant 0 : index
    %swap3A_42 = arith.constant 5 : index
    %swap3A_43 = arith.constant 0 : index
    %swap3A_44 = arith.constant 0 : index
    %swap3A_45 = vector.load %arg2[%swap3A_41, %swap3A_42, %swap3A_43, %swap3A_44] : memref<4x9x64x640xf32, #tpu.memory_space<vmem>>, vector<1x1x64x640xf32>
    %swap3A_46 = vector.shape_cast %swap3A_45 : vector<1x1x64x640xf32> to vector<64x640xf32>
    %swap3A_47 = vector.shape_cast %slice3A_40 : vector<64x640xf32> to vector<1x1x64x640xf32>
    tpu.vector_store %arg2[%swap3A_41, %swap3A_42, %swap3A_43, %swap3A_44], %swap3A_47 {strides = array<i32>} : memref<4x9x64x640xf32, #tpu.memory_space<vmem>>, vector<1x1x64x640xf32>,
    %slice3A_48 = vector.extract_strided_slice %transpose3A {offsets = [0, 3840], sizes = [64, 640], strides = [1, 1]} : vector<256x5760xf32> to vector<64x640xf32>
    %swap3A_49 = arith.constant 0 : index
    %swap3A_50 = arith.constant 6 : index
    %swap3A_51 = arith.constant 0 : index
    %swap3A_52 = arith.constant 0 : index
    %swap3A_53 = vector.load %arg2[%swap3A_49, %swap3A_50, %swap3A_51, %swap3A_52] : memref<4x9x64x640xf32, #tpu.memory_space<vmem>>, vector<1x1x64x640xf32>
    %swap3A_54 = vector.shape_cast %swap3A_53 : vector<1x1x64x640xf32> to vector<64x640xf32>
    %swap3A_55 = vector.shape_cast %slice3A_48 : vector<64x640xf32> to vector<1x1x64x640xf32>
    tpu.vector_store %arg2[%swap3A_49, %swap3A_50, %swap3A_51, %swap3A_52], %swap3A_55 {strides = array<i32>} : memref<4x9x64x640xf32, #tpu.memory_space<vmem>>, vector<1x1x64x640xf32>,
    %slice3A_56 = vector.extract_strided_slice %transpose3A {offsets = [0, 4480], sizes = [64, 640], strides = [1, 1]} : vector<256x5760xf32> to vector<64x640xf32>
    %swap3A_57 = arith.constant 0 : index
    %swap3A_58 = arith.constant 7 : index
    %swap3A_59 = arith.constant 0 : index
    %swap3A_60 = arith.constant 0 : index
    %swap3A_61 = vector.load %arg2[%swap3A_57, %swap3A_58, %swap3A_59, %swap3A_60] : memref<4x9x64x640xf32, #tpu.memory_space<vmem>>, vector<1x1x64x640xf32>
    %swap3A_62 = vector.shape_cast %swap3A_61 : vector<1x1x64x640xf32> to vector<64x640xf32>
    %swap3A_63 = vector.shape_cast %slice3A_56 : vector<64x640xf32> to vector<1x1x64x640xf32>
    tpu.vector_store %arg2[%swap3A_57, %swap3A_58, %swap3A_59, %swap3A_60], %swap3A_63 {strides = array<i32>} : memref<4x9x64x640xf32, #tpu.memory_space<vmem>>, vector<1x1x64x640xf32>,
    %slice3A_64 = vector.extract_strided_slice %transpose3A {offsets = [0, 5120], sizes = [64, 640], strides = [1, 1]} : vector<256x5760xf32> to vector<64x640xf32>
    %swap3A_65 = arith.constant 0 : index
    %swap3A_66 = arith.constant 8 : index
    %swap3A_67 = arith.constant 0 : index
    %swap3A_68 = arith.constant 0 : index
    %swap3A_69 = vector.load %arg2[%swap3A_65, %swap3A_66, %swap3A_67, %swap3A_68] : memref<4x9x64x640xf32, #tpu.memory_space<vmem>>, vector<1x1x64x640xf32>
    %swap3A_70 = vector.shape_cast %swap3A_69 : vector<1x1x64x640xf32> to vector<64x640xf32>
    %swap3A_71 = vector.shape_cast %slice3A_64 : vector<64x640xf32> to vector<1x1x64x640xf32>
    tpu.vector_store %arg2[%swap3A_65, %swap3A_66, %swap3A_67, %swap3A_68], %swap3A_71 {strides = array<i32>} : memref<4x9x64x640xf32, #tpu.memory_space<vmem>>, vector<1x1x64x640xf32>,
    %slice3A_72 = vector.extract_strided_slice %transpose3A {offsets = [64, 0], sizes = [64, 640], strides = [1, 1]} : vector<256x5760xf32> to vector<64x640xf32>
    %swap3A_73 = arith.constant 1 : index
    %swap3A_74 = arith.constant 0 : index
    %swap3A_75 = arith.constant 0 : index
    %swap3A_76 = arith.constant 0 : index
    %swap3A_77 = vector.load %arg2[%swap3A_73, %swap3A_74, %swap3A_75, %swap3A_76] : memref<4x9x64x640xf32, #tpu.memory_space<vmem>>, vector<1x1x64x640xf32>
    %swap3A_78 = vector.shape_cast %swap3A_77 : vector<1x1x64x640xf32> to vector<64x640xf32>
    %swap3A_79 = vector.shape_cast %slice3A_72 : vector<64x640xf32> to vector<1x1x64x640xf32>
    tpu.vector_store %arg2[%swap3A_73, %swap3A_74, %swap3A_75, %swap3A_76], %swap3A_79 {strides = array<i32>} : memref<4x9x64x640xf32, #tpu.memory_space<vmem>>, vector<1x1x64x640xf32>,
    %slice3A_80 = vector.extract_strided_slice %transpose3A {offsets = [64, 640], sizes = [64, 640], strides = [1, 1]} : vector<256x5760xf32> to vector<64x640xf32>
    %swap3A_81 = arith.constant 1 : index
    %swap3A_82 = arith.constant 1 : index
    %swap3A_83 = arith.constant 0 : index
    %swap3A_84 = arith.constant 0 : index
    %swap3A_85 = vector.load %arg2[%swap3A_81, %swap3A_82, %swap3A_83, %swap3A_84] : memref<4x9x64x640xf32, #tpu.memory_space<vmem>>, vector<1x1x64x640xf32>
    %swap3A_86 = vector.shape_cast %swap3A_85 : vector<1x1x64x640xf32> to vector<64x640xf32>
    %swap3A_87 = vector.shape_cast %slice3A_80 : vector<64x640xf32> to vector<1x1x64x640xf32>
    tpu.vector_store %arg2[%swap3A_81, %swap3A_82, %swap3A_83, %swap3A_84], %swap3A_87 {strides = array<i32>} : memref<4x9x64x640xf32, #tpu.memory_space<vmem>>, vector<1x1x64x640xf32>,
    %slice3A_88 = vector.extract_strided_slice %transpose3A {offsets = [64, 1280], sizes = [64, 640], strides = [1, 1]} : vector<256x5760xf32> to vector<64x640xf32>
    %swap3A_89 = arith.constant 1 : index
    %swap3A_90 = arith.constant 2 : index
    %swap3A_91 = arith.constant 0 : index
    %swap3A_92 = arith.constant 0 : index
    %swap3A_93 = vector.load %arg2[%swap3A_89, %swap3A_90, %swap3A_91, %swap3A_92] : memref<4x9x64x640xf32, #tpu.memory_space<vmem>>, vector<1x1x64x640xf32>
    %swap3A_94 = vector.shape_cast %swap3A_93 : vector<1x1x64x640xf32> to vector<64x640xf32>
    %swap3A_95 = vector.shape_cast %slice3A_88 : vector<64x640xf32> to vector<1x1x64x640xf32>
    tpu.vector_store %arg2[%swap3A_89, %swap3A_90, %swap3A_91, %swap3A_92], %swap3A_95 {strides = array<i32>} : memref<4x9x64x640xf32, #tpu.memory_space<vmem>>, vector<1x1x64x640xf32>,
    %slice3A_96 = vector.extract_strided_slice %transpose3A {offsets = [64, 1920], sizes = [64, 640], strides = [1, 1]} : vector<256x5760xf32> to vector<64x640xf32>
    %swap3A_97 = arith.constant 1 : index
    %swap3A_98 = arith.constant 3 : index
    %swap3A_99 = arith.constant 0 : index
    %swap3A_100 = arith.constant 0 : index
    %swap3A_101 = vector.load %arg2[%swap3A_97, %swap3A_98, %swap3A_99, %swap3A_100] : memref<4x9x64x640xf32, #tpu.memory_space<vmem>>, vector<1x1x64x640xf32>
    %swap3A_102 = vector.shape_cast %swap3A_101 : vector<1x1x64x640xf32> to vector<64x640xf32>
    %swap3A_103 = vector.shape_cast %slice3A_96 : vector<64x640xf32> to vector<1x1x64x640xf32>
    tpu.vector_store %arg2[%swap3A_97, %swap3A_98, %swap3A_99, %swap3A_100], %swap3A_103 {strides = array<i32>} : memref<4x9x64x640xf32, #tpu.memory_space<vmem>>, vector<1x1x64x640xf32>,
    %slice3A_104 = vector.extract_strided_slice %transpose3A {offsets = [64, 2560], sizes = [64, 640], strides = [1, 1]} : vector<256x5760xf32> to vector<64x640xf32>
    %swap3A_105 = arith.constant 1 : index
    %swap3A_106 = arith.constant 4 : index
    %swap3A_107 = arith.constant 0 : index
    %swap3A_108 = arith.constant 0 : index
    %swap3A_109 = vector.load %arg2[%swap3A_105, %swap3A_106, %swap3A_107, %swap3A_108] : memref<4x9x64x640xf32, #tpu.memory_space<vmem>>, vector<1x1x64x640xf32>
    %swap3A_110 = vector.shape_cast %swap3A_109 : vector<1x1x64x640xf32> to vector<64x640xf32>
    %swap3A_111 = vector.shape_cast %slice3A_104 : vector<64x640xf32> to vector<1x1x64x640xf32>
    tpu.vector_store %arg2[%swap3A_105, %swap3A_106, %swap3A_107, %swap3A_108], %swap3A_111 {strides = array<i32>} : memref<4x9x64x640xf32, #tpu.memory_space<vmem>>, vector<1x1x64x640xf32>,
    %slice3A_112 = vector.extract_strided_slice %transpose3A {offsets = [64, 3200], sizes = [64, 640], strides = [1, 1]} : vector<256x5760xf32> to vector<64x640xf32>
    %swap3A_113 = arith.constant 1 : index
    %swap3A_114 = arith.constant 5 : index
    %swap3A_115 = arith.constant 0 : index
    %swap3A_116 = arith.constant 0 : index
    %swap3A_117 = vector.load %arg2[%swap3A_113, %swap3A_114, %swap3A_115, %swap3A_116] : memref<4x9x64x640xf32, #tpu.memory_space<vmem>>, vector<1x1x64x640xf32>
    %swap3A_118 = vector.shape_cast %swap3A_117 : vector<1x1x64x640xf32> to vector<64x640xf32>
    %swap3A_119 = vector.shape_cast %slice3A_112 : vector<64x640xf32> to vector<1x1x64x640xf32>
    tpu.vector_store %arg2[%swap3A_113, %swap3A_114, %swap3A_115, %swap3A_116], %swap3A_119 {strides = array<i32>} : memref<4x9x64x640xf32, #tpu.memory_space<vmem>>, vector<1x1x64x640xf32>,
    %slice3A_120 = vector.extract_strided_slice %transpose3A {offsets = [64, 3840], sizes = [64, 640], strides = [1, 1]} : vector<256x5760xf32> to vector<64x640xf32>
    %swap3A_121 = arith.constant 1 : index
    %swap3A_122 = arith.constant 6 : index
    %swap3A_123 = arith.constant 0 : index
    %swap3A_124 = arith.constant 0 : index
    %swap3A_125 = vector.load %arg2[%swap3A_121, %swap3A_122, %swap3A_123, %swap3A_124] : memref<4x9x64x640xf32, #tpu.memory_space<vmem>>, vector<1x1x64x640xf32>
    %swap3A_126 = vector.shape_cast %swap3A_125 : vector<1x1x64x640xf32> to vector<64x640xf32>
    %swap3A_127 = vector.shape_cast %slice3A_120 : vector<64x640xf32> to vector<1x1x64x640xf32>
    tpu.vector_store %arg2[%swap3A_121, %swap3A_122, %swap3A_123, %swap3A_124], %swap3A_127 {strides = array<i32>} : memref<4x9x64x640xf32, #tpu.memory_space<vmem>>, vector<1x1x64x640xf32>,
    %slice3A_128 = vector.extract_strided_slice %transpose3A {offsets = [64, 4480], sizes = [64, 640], strides = [1, 1]} : vector<256x5760xf32> to vector<64x640xf32>
    %swap3A_129 = arith.constant 1 : index
    %swap3A_130 = arith.constant 7 : index
    %swap3A_131 = arith.constant 0 : index
    %swap3A_132 = arith.constant 0 : index
    %swap3A_133 = vector.load %arg2[%swap3A_129, %swap3A_130, %swap3A_131, %swap3A_132] : memref<4x9x64x640xf32, #tpu.memory_space<vmem>>, vector<1x1x64x640xf32>
    %swap3A_134 = vector.shape_cast %swap3A_133 : vector<1x1x64x640xf32> to vector<64x640xf32>
    %swap3A_135 = vector.shape_cast %slice3A_128 : vector<64x640xf32> to vector<1x1x64x640xf32>
    tpu.vector_store %arg2[%swap3A_129, %swap3A_130, %swap3A_131, %swap3A_132], %swap3A_135 {strides = array<i32>} : memref<4x9x64x640xf32, #tpu.memory_space<vmem>>, vector<1x1x64x640xf32>,
    %slice3A_136 = vector.extract_strided_slice %transpose3A {offsets = [64, 5120], sizes = [64, 640], strides = [1, 1]} : vector<256x5760xf32> to vector<64x640xf32>
    %swap3A_137 = arith.constant 1 : index
    %swap3A_138 = arith.constant 8 : index
    %swap3A_139 = arith.constant 0 : index
    %swap3A_140 = arith.constant 0 : index
    %swap3A_141 = vector.load %arg2[%swap3A_137, %swap3A_138, %swap3A_139, %swap3A_140] : memref<4x9x64x640xf32, #tpu.memory_space<vmem>>, vector<1x1x64x640xf32>
    %swap3A_142 = vector.shape_cast %swap3A_141 : vector<1x1x64x640xf32> to vector<64x640xf32>
    %swap3A_143 = vector.shape_cast %slice3A_136 : vector<64x640xf32> to vector<1x1x64x640xf32>
    tpu.vector_store %arg2[%swap3A_137, %swap3A_138, %swap3A_139, %swap3A_140], %swap3A_143 {strides = array<i32>} : memref<4x9x64x640xf32, #tpu.memory_space<vmem>>, vector<1x1x64x640xf32>,
    %slice3A_144 = vector.extract_strided_slice %transpose3A {offsets = [128, 0], sizes = [64, 640], strides = [1, 1]} : vector<256x5760xf32> to vector<64x640xf32>
    %swap3A_145 = arith.constant 2 : index
    %swap3A_146 = arith.constant 0 : index
    %swap3A_147 = arith.constant 0 : index
    %swap3A_148 = arith.constant 0 : index
    %swap3A_149 = vector.load %arg2[%swap3A_145, %swap3A_146, %swap3A_147, %swap3A_148] : memref<4x9x64x640xf32, #tpu.memory_space<vmem>>, vector<1x1x64x640xf32>
    %swap3A_150 = vector.shape_cast %swap3A_149 : vector<1x1x64x640xf32> to vector<64x640xf32>
    %swap3A_151 = vector.shape_cast %slice3A_144 : vector<64x640xf32> to vector<1x1x64x640xf32>
    tpu.vector_store %arg2[%swap3A_145, %swap3A_146, %swap3A_147, %swap3A_148], %swap3A_151 {strides = array<i32>} : memref<4x9x64x640xf32, #tpu.memory_space<vmem>>, vector<1x1x64x640xf32>,
    %slice3A_152 = vector.extract_strided_slice %transpose3A {offsets = [128, 640], sizes = [64, 640], strides = [1, 1]} : vector<256x5760xf32> to vector<64x640xf32>
    %swap3A_153 = arith.constant 2 : index
    %swap3A_154 = arith.constant 1 : index
    %swap3A_155 = arith.constant 0 : index
    %swap3A_156 = arith.constant 0 : index
    %swap3A_157 = vector.load %arg2[%swap3A_153, %swap3A_154, %swap3A_155, %swap3A_156] : memref<4x9x64x640xf32, #tpu.memory_space<vmem>>, vector<1x1x64x640xf32>
    %swap3A_158 = vector.shape_cast %swap3A_157 : vector<1x1x64x640xf32> to vector<64x640xf32>
    %swap3A_159 = vector.shape_cast %slice3A_152 : vector<64x640xf32> to vector<1x1x64x640xf32>
    tpu.vector_store %arg2[%swap3A_153, %swap3A_154, %swap3A_155, %swap3A_156], %swap3A_159 {strides = array<i32>} : memref<4x9x64x640xf32, #tpu.memory_space<vmem>>, vector<1x1x64x640xf32>,
    %slice3A_160 = vector.extract_strided_slice %transpose3A {offsets = [128, 1280], sizes = [64, 640], strides = [1, 1]} : vector<256x5760xf32> to vector<64x640xf32>
    %swap3A_161 = arith.constant 2 : index
    %swap3A_162 = arith.constant 2 : index
    %swap3A_163 = arith.constant 0 : index
    %swap3A_164 = arith.constant 0 : index
    %swap3A_165 = vector.load %arg2[%swap3A_161, %swap3A_162, %swap3A_163, %swap3A_164] : memref<4x9x64x640xf32, #tpu.memory_space<vmem>>, vector<1x1x64x640xf32>
    %swap3A_166 = vector.shape_cast %swap3A_165 : vector<1x1x64x640xf32> to vector<64x640xf32>
    %swap3A_167 = vector.shape_cast %slice3A_160 : vector<64x640xf32> to vector<1x1x64x640xf32>
    tpu.vector_store %arg2[%swap3A_161, %swap3A_162, %swap3A_163, %swap3A_164], %swap3A_167 {strides = array<i32>} : memref<4x9x64x640xf32, #tpu.memory_space<vmem>>, vector<1x1x64x640xf32>,
    %slice3A_168 = vector.extract_strided_slice %transpose3A {offsets = [128, 1920], sizes = [64, 640], strides = [1, 1]} : vector<256x5760xf32> to vector<64x640xf32>
    %swap3A_169 = arith.constant 2 : index
    %swap3A_170 = arith.constant 3 : index
    %swap3A_171 = arith.constant 0 : index
    %swap3A_172 = arith.constant 0 : index
    %swap3A_173 = vector.load %arg2[%swap3A_169, %swap3A_170, %swap3A_171, %swap3A_172] : memref<4x9x64x640xf32, #tpu.memory_space<vmem>>, vector<1x1x64x640xf32>
    %swap3A_174 = vector.shape_cast %swap3A_173 : vector<1x1x64x640xf32> to vector<64x640xf32>
    %swap3A_175 = vector.shape_cast %slice3A_168 : vector<64x640xf32> to vector<1x1x64x640xf32>
    tpu.vector_store %arg2[%swap3A_169, %swap3A_170, %swap3A_171, %swap3A_172], %swap3A_175 {strides = array<i32>} : memref<4x9x64x640xf32, #tpu.memory_space<vmem>>, vector<1x1x64x640xf32>,
    %slice3A_176 = vector.extract_strided_slice %transpose3A {offsets = [128, 2560], sizes = [64, 640], strides = [1, 1]} : vector<256x5760xf32> to vector<64x640xf32>
    %swap3A_177 = arith.constant 2 : index
    %swap3A_178 = arith.constant 4 : index
    %swap3A_179 = arith.constant 0 : index
    %swap3A_180 = arith.constant 0 : index
    %swap3A_181 = vector.load %arg2[%swap3A_177, %swap3A_178, %swap3A_179, %swap3A_180] : memref<4x9x64x640xf32, #tpu.memory_space<vmem>>, vector<1x1x64x640xf32>
    %swap3A_182 = vector.shape_cast %swap3A_181 : vector<1x1x64x640xf32> to vector<64x640xf32>
    %swap3A_183 = vector.shape_cast %slice3A_176 : vector<64x640xf32> to vector<1x1x64x640xf32>
    tpu.vector_store %arg2[%swap3A_177, %swap3A_178, %swap3A_179, %swap3A_180], %swap3A_183 {strides = array<i32>} : memref<4x9x64x640xf32, #tpu.memory_space<vmem>>, vector<1x1x64x640xf32>,
    %slice3A_184 = vector.extract_strided_slice %transpose3A {offsets = [128, 3200], sizes = [64, 640], strides = [1, 1]} : vector<256x5760xf32> to vector<64x640xf32>
    %swap3A_185 = arith.constant 2 : index
    %swap3A_186 = arith.constant 5 : index
    %swap3A_187 = arith.constant 0 : index
    %swap3A_188 = arith.constant 0 : index
    %swap3A_189 = vector.load %arg2[%swap3A_185, %swap3A_186, %swap3A_187, %swap3A_188] : memref<4x9x64x640xf32, #tpu.memory_space<vmem>>, vector<1x1x64x640xf32>
    %swap3A_190 = vector.shape_cast %swap3A_189 : vector<1x1x64x640xf32> to vector<64x640xf32>
    %swap3A_191 = vector.shape_cast %slice3A_184 : vector<64x640xf32> to vector<1x1x64x640xf32>
    tpu.vector_store %arg2[%swap3A_185, %swap3A_186, %swap3A_187, %swap3A_188], %swap3A_191 {strides = array<i32>} : memref<4x9x64x640xf32, #tpu.memory_space<vmem>>, vector<1x1x64x640xf32>,
    %slice3A_192 = vector.extract_strided_slice %transpose3A {offsets = [128, 3840], sizes = [64, 640], strides = [1, 1]} : vector<256x5760xf32> to vector<64x640xf32>
    %swap3A_193 = arith.constant 2 : index
    %swap3A_194 = arith.constant 6 : index
    %swap3A_195 = arith.constant 0 : index
    %swap3A_196 = arith.constant 0 : index
    %swap3A_197 = vector.load %arg2[%swap3A_193, %swap3A_194, %swap3A_195, %swap3A_196] : memref<4x9x64x640xf32, #tpu.memory_space<vmem>>, vector<1x1x64x640xf32>
    %swap3A_198 = vector.shape_cast %swap3A_197 : vector<1x1x64x640xf32> to vector<64x640xf32>
    %swap3A_199 = vector.shape_cast %slice3A_192 : vector<64x640xf32> to vector<1x1x64x640xf32>
    tpu.vector_store %arg2[%swap3A_193, %swap3A_194, %swap3A_195, %swap3A_196], %swap3A_199 {strides = array<i32>} : memref<4x9x64x640xf32, #tpu.memory_space<vmem>>, vector<1x1x64x640xf32>,
    %slice3A_200 = vector.extract_strided_slice %transpose3A {offsets = [128, 4480], sizes = [64, 640], strides = [1, 1]} : vector<256x5760xf32> to vector<64x640xf32>
    %swap3A_201 = arith.constant 2 : index
    %swap3A_202 = arith.constant 7 : index
    %swap3A_203 = arith.constant 0 : index
    %swap3A_204 = arith.constant 0 : index
    %swap3A_205 = vector.load %arg2[%swap3A_201, %swap3A_202, %swap3A_203, %swap3A_204] : memref<4x9x64x640xf32, #tpu.memory_space<vmem>>, vector<1x1x64x640xf32>
    %swap3A_206 = vector.shape_cast %swap3A_205 : vector<1x1x64x640xf32> to vector<64x640xf32>
    %swap3A_207 = vector.shape_cast %slice3A_200 : vector<64x640xf32> to vector<1x1x64x640xf32>
    tpu.vector_store %arg2[%swap3A_201, %swap3A_202, %swap3A_203, %swap3A_204], %swap3A_207 {strides = array<i32>} : memref<4x9x64x640xf32, #tpu.memory_space<vmem>>, vector<1x1x64x640xf32>,
    %slice3A_208 = vector.extract_strided_slice %transpose3A {offsets = [128, 5120], sizes = [64, 640], strides = [1, 1]} : vector<256x5760xf32> to vector<64x640xf32>
    %swap3A_209 = arith.constant 2 : index
    %swap3A_210 = arith.constant 8 : index
    %swap3A_211 = arith.constant 0 : index
    %swap3A_212 = arith.constant 0 : index
    %swap3A_213 = vector.load %arg2[%swap3A_209, %swap3A_210, %swap3A_211, %swap3A_212] : memref<4x9x64x640xf32, #tpu.memory_space<vmem>>, vector<1x1x64x640xf32>
    %swap3A_214 = vector.shape_cast %swap3A_213 : vector<1x1x64x640xf32> to vector<64x640xf32>
    %swap3A_215 = vector.shape_cast %slice3A_208 : vector<64x640xf32> to vector<1x1x64x640xf32>
    tpu.vector_store %arg2[%swap3A_209, %swap3A_210, %swap3A_211, %swap3A_212], %swap3A_215 {strides = array<i32>} : memref<4x9x64x640xf32, #tpu.memory_space<vmem>>, vector<1x1x64x640xf32>,
    %slice3A_216 = vector.extract_strided_slice %transpose3A {offsets = [192, 0], sizes = [64, 640], strides = [1, 1]} : vector<256x5760xf32> to vector<64x640xf32>
    %swap3A_217 = arith.constant 3 : index
    %swap3A_218 = arith.constant 0 : index
    %swap3A_219 = arith.constant 0 : index
    %swap3A_220 = arith.constant 0 : index
    %swap3A_221 = vector.load %arg2[%swap3A_217, %swap3A_218, %swap3A_219, %swap3A_220] : memref<4x9x64x640xf32, #tpu.memory_space<vmem>>, vector<1x1x64x640xf32>
    %swap3A_222 = vector.shape_cast %swap3A_221 : vector<1x1x64x640xf32> to vector<64x640xf32>
    %swap3A_223 = vector.shape_cast %slice3A_216 : vector<64x640xf32> to vector<1x1x64x640xf32>
    tpu.vector_store %arg2[%swap3A_217, %swap3A_218, %swap3A_219, %swap3A_220], %swap3A_223 {strides = array<i32>} : memref<4x9x64x640xf32, #tpu.memory_space<vmem>>, vector<1x1x64x640xf32>,
    %slice3A_224 = vector.extract_strided_slice %transpose3A {offsets = [192, 640], sizes = [64, 640], strides = [1, 1]} : vector<256x5760xf32> to vector<64x640xf32>
    %swap3A_225 = arith.constant 3 : index
    %swap3A_226 = arith.constant 1 : index
    %swap3A_227 = arith.constant 0 : index
    %swap3A_228 = arith.constant 0 : index
    %swap3A_229 = vector.load %arg2[%swap3A_225, %swap3A_226, %swap3A_227, %swap3A_228] : memref<4x9x64x640xf32, #tpu.memory_space<vmem>>, vector<1x1x64x640xf32>
    %swap3A_230 = vector.shape_cast %swap3A_229 : vector<1x1x64x640xf32> to vector<64x640xf32>
    %swap3A_231 = vector.shape_cast %slice3A_224 : vector<64x640xf32> to vector<1x1x64x640xf32>
    tpu.vector_store %arg2[%swap3A_225, %swap3A_226, %swap3A_227, %swap3A_228], %swap3A_231 {strides = array<i32>} : memref<4x9x64x640xf32, #tpu.memory_space<vmem>>, vector<1x1x64x640xf32>,
    %slice3A_232 = vector.extract_strided_slice %transpose3A {offsets = [192, 1280], sizes = [64, 640], strides = [1, 1]} : vector<256x5760xf32> to vector<64x640xf32>
    %swap3A_233 = arith.constant 3 : index
    %swap3A_234 = arith.constant 2 : index
    %swap3A_235 = arith.constant 0 : index
    %swap3A_236 = arith.constant 0 : index
    %swap3A_237 = vector.load %arg2[%swap3A_233, %swap3A_234, %swap3A_235, %swap3A_236] : memref<4x9x64x640xf32, #tpu.memory_space<vmem>>, vector<1x1x64x640xf32>
    %swap3A_238 = vector.shape_cast %swap3A_237 : vector<1x1x64x640xf32> to vector<64x640xf32>
    %swap3A_239 = vector.shape_cast %slice3A_232 : vector<64x640xf32> to vector<1x1x64x640xf32>
    tpu.vector_store %arg2[%swap3A_233, %swap3A_234, %swap3A_235, %swap3A_236], %swap3A_239 {strides = array<i32>} : memref<4x9x64x640xf32, #tpu.memory_space<vmem>>, vector<1x1x64x640xf32>,
    %slice3A_240 = vector.extract_strided_slice %transpose3A {offsets = [192, 1920], sizes = [64, 640], strides = [1, 1]} : vector<256x5760xf32> to vector<64x640xf32>
    %swap3A_241 = arith.constant 3 : index
    %swap3A_242 = arith.constant 3 : index
    %swap3A_243 = arith.constant 0 : index
    %swap3A_244 = arith.constant 0 : index
    %swap3A_245 = vector.load %arg2[%swap3A_241, %swap3A_242, %swap3A_243, %swap3A_244] : memref<4x9x64x640xf32, #tpu.memory_space<vmem>>, vector<1x1x64x640xf32>
    %swap3A_246 = vector.shape_cast %swap3A_245 : vector<1x1x64x640xf32> to vector<64x640xf32>
    %swap3A_247 = vector.shape_cast %slice3A_240 : vector<64x640xf32> to vector<1x1x64x640xf32>
    tpu.vector_store %arg2[%swap3A_241, %swap3A_242, %swap3A_243, %swap3A_244], %swap3A_247 {strides = array<i32>} : memref<4x9x64x640xf32, #tpu.memory_space<vmem>>, vector<1x1x64x640xf32>,
    %slice3A_248 = vector.extract_strided_slice %transpose3A {offsets = [192, 2560], sizes = [64, 640], strides = [1, 1]} : vector<256x5760xf32> to vector<64x640xf32>
    %swap3A_249 = arith.constant 3 : index
    %swap3A_250 = arith.constant 4 : index
    %swap3A_251 = arith.constant 0 : index
    %swap3A_252 = arith.constant 0 : index
    %swap3A_253 = vector.load %arg2[%swap3A_249, %swap3A_250, %swap3A_251, %swap3A_252] : memref<4x9x64x640xf32, #tpu.memory_space<vmem>>, vector<1x1x64x640xf32>
    %swap3A_254 = vector.shape_cast %swap3A_253 : vector<1x1x64x640xf32> to vector<64x640xf32>
    %swap3A_255 = vector.shape_cast %slice3A_248 : vector<64x640xf32> to vector<1x1x64x640xf32>
    tpu.vector_store %arg2[%swap3A_249, %swap3A_250, %swap3A_251, %swap3A_252], %swap3A_255 {strides = array<i32>} : memref<4x9x64x640xf32, #tpu.memory_space<vmem>>, vector<1x1x64x640xf32>,
    %slice3A_256 = vector.extract_strided_slice %transpose3A {offsets = [192, 3200], sizes = [64, 640], strides = [1, 1]} : vector<256x5760xf32> to vector<64x640xf32>
    %swap3A_257 = arith.constant 3 : index
    %swap3A_258 = arith.constant 5 : index
    %swap3A_259 = arith.constant 0 : index
    %swap3A_260 = arith.constant 0 : index
    %swap3A_261 = vector.load %arg2[%swap3A_257, %swap3A_258, %swap3A_259, %swap3A_260] : memref<4x9x64x640xf32, #tpu.memory_space<vmem>>, vector<1x1x64x640xf32>
    %swap3A_262 = vector.shape_cast %swap3A_261 : vector<1x1x64x640xf32> to vector<64x640xf32>
    %swap3A_263 = vector.shape_cast %slice3A_256 : vector<64x640xf32> to vector<1x1x64x640xf32>
    tpu.vector_store %arg2[%swap3A_257, %swap3A_258, %swap3A_259, %swap3A_260], %swap3A_263 {strides = array<i32>} : memref<4x9x64x640xf32, #tpu.memory_space<vmem>>, vector<1x1x64x640xf32>,
    %slice3A_264 = vector.extract_strided_slice %transpose3A {offsets = [192, 3840], sizes = [64, 640], strides = [1, 1]} : vector<256x5760xf32> to vector<64x640xf32>
    %swap3A_265 = arith.constant 3 : index
    %swap3A_266 = arith.constant 6 : index
    %swap3A_267 = arith.constant 0 : index
    %swap3A_268 = arith.constant 0 : index
    %swap3A_269 = vector.load %arg2[%swap3A_265, %swap3A_266, %swap3A_267, %swap3A_268] : memref<4x9x64x640xf32, #tpu.memory_space<vmem>>, vector<1x1x64x640xf32>
    %swap3A_270 = vector.shape_cast %swap3A_269 : vector<1x1x64x640xf32> to vector<64x640xf32>
    %swap3A_271 = vector.shape_cast %slice3A_264 : vector<64x640xf32> to vector<1x1x64x640xf32>
    tpu.vector_store %arg2[%swap3A_265, %swap3A_266, %swap3A_267, %swap3A_268], %swap3A_271 {strides = array<i32>} : memref<4x9x64x640xf32, #tpu.memory_space<vmem>>, vector<1x1x64x640xf32>,
    %slice3A_272 = vector.extract_strided_slice %transpose3A {offsets = [192, 4480], sizes = [64, 640], strides = [1, 1]} : vector<256x5760xf32> to vector<64x640xf32>
    %swap3A_273 = arith.constant 3 : index
    %swap3A_274 = arith.constant 7 : index
    %swap3A_275 = arith.constant 0 : index
    %swap3A_276 = arith.constant 0 : index
    %swap3A_277 = vector.load %arg2[%swap3A_273, %swap3A_274, %swap3A_275, %swap3A_276] : memref<4x9x64x640xf32, #tpu.memory_space<vmem>>, vector<1x1x64x640xf32>
    %swap3A_278 = vector.shape_cast %swap3A_277 : vector<1x1x64x640xf32> to vector<64x640xf32>
    %swap3A_279 = vector.shape_cast %slice3A_272 : vector<64x640xf32> to vector<1x1x64x640xf32>
    tpu.vector_store %arg2[%swap3A_273, %swap3A_274, %swap3A_275, %swap3A_276], %swap3A_279 {strides = array<i32>} : memref<4x9x64x640xf32, #tpu.memory_space<vmem>>, vector<1x1x64x640xf32>,
    %slice3A_280 = vector.extract_strided_slice %transpose3A {offsets = [192, 5120], sizes = [64, 640], strides = [1, 1]} : vector<256x5760xf32> to vector<64x640xf32>
    %swap3A_281 = arith.constant 3 : index
    %swap3A_282 = arith.constant 8 : index
    %swap3A_283 = arith.constant 0 : index
    %swap3A_284 = arith.constant 0 : index
    %swap3A_285 = vector.load %arg2[%swap3A_281, %swap3A_282, %swap3A_283, %swap3A_284] : memref<4x9x64x640xf32, #tpu.memory_space<vmem>>, vector<1x1x64x640xf32>
    %swap3A_286 = vector.shape_cast %swap3A_285 : vector<1x1x64x640xf32> to vector<64x640xf32>
    %swap3A_287 = vector.shape_cast %slice3A_280 : vector<64x640xf32> to vector<1x1x64x640xf32>
    tpu.vector_store %arg2[%swap3A_281, %swap3A_282, %swap3A_283, %swap3A_284], %swap3A_287 {strides = array<i32>} : memref<4x9x64x640xf32, #tpu.memory_space<vmem>>, vector<1x1x64x640xf32>,
    return
  }
  func.func @transform_0(%arg0: i32) -> (i32, i32) {
    %c0_i32 = arith.constant 0 : i32
    %c0_i32_0 = arith.constant 0 : i32
    return %arg0, %c0_i32 : i32, i32
  }
  func.func @transform_1(%arg0: i32) -> (i32, i32, i32, i32) {
    %c0_i32 = arith.constant 0 : i32
    %c0_i32_0 = arith.constant 0 : i32
    %c0_i32_1 = arith.constant 0 : i32
    %c0_i32_2 = arith.constant 0 : i32
    return %c0_i32, %arg0, %c0_i32_0, %c0_i32_1 : i32, i32, i32, i32
  }
}

</mosaic_0001>

<sc_bundles>
// kernel: kernel.10.cloned.1.call-start
scs
__scs_entry_jumppad:
0x0: {  	(pc) =	sbr.rel $0x88, $3  }
0x1: {  	(tag) =	ssettag $0x0;
	lr =	simm.s32 $0x1  }
0x2: {  	[smem:$0x3F9F] =	sst lr;
	_ =	strace $0xD0000000  }
0x3: {  	_ = 	snop  }
0x4: {  	_ = 	snop  }
0x5: {  	_ = 	snop  }
0x6: {  	_ = 	snop  }
0x7: {  	_ = 	snop  }
__scs_overlays_trampoline_lowered:
0x8: {  	[smem:$0x3FAE] =	sst s0  }
0x9: {  	[smem:$0x3FAF] =	sst s1  }
0xa: {  	[smem:$0x3FB0] =	sst s2  }
0xb: {  	[smem:$0x3FB1] =	sst s3  }
0xc: {  	[smem:$0x3FB2] =	sst s4  }
0xd: {  	[smem:$0x3FB3] =	sst s5  }
0xe: {  	[smem:$0x3FB4] =	sst s6  }
0xf: {  	[smem:$0x3FB5] =	sst s7  }
0x10: {  	[smem:$0x3FB6] =	sst s8  }
0x11: {  	[smem:$0x3FB7] =	sst s9;
	s0 =	simm.s32 @!p0 $0x0  }
0x12: {  	s1 =	sld [smem:$0x3F9D];
	s0 =	simm.s32 @p0 $0x1  }
0x13: {  	[smem:$0x3FB8] =	sst s0;
	s0 =	simm.s32 @!p1 $0x0  }
0x14: {  	s2 =	sld [smem:$0x3F9C];
	s0 =	simm.s32 @p1 $0x1  }
0x15: {  	[smem:$0x3FB9] =	sst s0;
	s0 =	simm.s32 @!p2 $0x0  }
0x16: {  	s3 =	sld [smem:$0x3FDB];
	s0 =	simm.s32 @p2 $0x1  }
0x17: {  	s4 =	simm.s32 $0x1BF5;
	[smem:$0x3FBB] =	sst s0  }
0x18: {  	s0 =	sld [smem:$0x3F9E];
	_ =	swait.ge [sflag:s4], $0x0  }
0x19: {  	s7 =	sld [smem:$0x3F9F]  }
0x1a: {  	s8 =	sadd.s32 $0xFFFFE003, lr  }
0x1b: {  	s9 =	sadd.s32 $0xFFFFFEF7, lr;
	s5 =	simm.s32 $0xFFFFFFFF;
	p2 =	slt.u32 s8, $0xFFFFF086  }
0x1c: {  	p1 =	slt.u32 s9, $0xF7A;
	s5 =	simm.s32 @!p2 $0x0  }
0x1d: {  	s5 =	simm.s32 @p1 $0x1;
	p0 =	seq.s32 s7, s2  }
0x1e: {  	s7 =	smul.u32 @!p0 $0xF7A, s2;
	p2 =	seq.s32 @!p0 s5, $0x0  }
0x1f: {  	s9 =	smul.u32 $0xF7A, s1;
	s8 =	simm.s32 @!p0 $0x1BF5;
	p2 =	por !p2, p0  }
0x20: {  	[sflag:s8] =	ssyncset.s32 @!p0 $0xFFFFF086;
	s6 =	sadd.s32 @!p0 s3, s7;
	s7 =	simm.s32 @!p0 $0x108  }
0x21: {  	s3 =	sadd.s32 s3, s9;
	s6 =	sadd.s32 @!p0 $0x88, s6;
	s7 =	simm.s32 @p2 $0x1082  }
0x22: {  	[simem:s7], [sflag:s8] =	dma.local @!p0 [hbm:s6], $0xF7A  }
0x23: {  	s9 =	sor.u32 $0xD0000000, s2;
	s6 =	simm.s32 $0x108;
	_ =	swait.ge @!p0 [sflag:s8], $0x0  }
0x24: {  	s3 =	sadd.s32 $0x88, s3;
	s6 =	simm.s32 @!p1 $0x1082;
	[sflag:s4] =	ssyncset.s32 $0xFFFFF086  }
0x25: {  	[simem:s6], [sflag:s4] =	dma.local [hbm:s3], $0xF7A  }
0x26: {  	[smem:$0x3F9F] =	sst s1;
	(tag) =	ssettag s2;
	_ =	strace s9  }
0x27: {  	s1 =	sld [smem:$0x3FAF]  }
0x28: {  	s2 =	sld [smem:$0x3FB0]  }
0x29: {  	s4 =	sld [smem:$0x3FB2]  }
0x2a: {  	p0 =	seq.s32 s5, $0x0;
	s5 =	sld [smem:$0x3FB3]  }
0x2b: {  	s6 =	sld [smem:$0x3FB4]  }
0x2c: {  	s7 =	sld [smem:$0x3FB5]  }
0x2d: {  	s3 =	simm.s32 $0x108;
	s8 =	sld [smem:$0x3FB6]  }
0x2e: {  	s3 =	simm.s32 @!p0 $0x1082;
	s9 =	sld [smem:$0x3FB7]  }
0x2f: {  	lr =	sadd.s32 s0, s3;
	s0 =	sld [smem:$0x3FAE]  }
0x30: {  	s3 =	sld [smem:$0x3FB1]  }
0x31: {  	[smem:$0x3FBA] =	sst s10  }
0x32: {  	s10 =	sld [smem:$0x3FB8];
	_ =	sdelay $0x3  }
0x33: {  	p0 =	seq.s32 s10, $0x1;
	s10 =	sld [smem:$0x3FBA];
	_ =	sdelay $0x3  }
0x34: {  	[smem:$0x3FBA] =	sst s10  }
0x35: {  	s10 =	sld [smem:$0x3FB9];
	_ =	sdelay $0x3  }
0x36: {  	p1 =	seq.s32 s10, $0x1;
	s10 =	sld [smem:$0x3FBA];
	_ =	sdelay $0x3  }
0x37: {  	[smem:$0x3FBA] =	sst s10  }
0x38: {  	s10 =	sld [smem:$0x3FBB]  }
0x39: {  	_ = 	snop;
	(pc) =	sbr.ind lr, $3  }
0x3a: {  	_ = 	snop  }
0x3b: {  	_ = 	snop  }
0x3c: {  	p2 =	seq.s32 s10, $0x1;
	s10 =	sld [smem:$0x3FBA]  }
0x3d: {  	_ =	shalt  }
0x3e: {  	_ =	shalt  }
0x3f: {  	_ =	shalt  }
0x40: {  	_ =	shalt  }
0x41: {  	_ =	shalt  }
0x42: {  	_ =	shalt  }
0x43: {  	_ =	shalt  }
0x44: {  	_ =	shalt  }
0x45: {  	_ =	shalt  }
0x46: {  	_ =	shalt  }
0x47: {  	_ =	shalt  }
0x48: {  	_ =	shalt  }
0x49: {  	_ =	shalt  }
0x4a: {  	_ =	shalt  }
0x4b: {  	_ =	shalt  }
0x4c: {  	_ =	shalt  }
0x4d: {  	_ =	shalt  }
0x4e: {  	_ =	shalt  }
0x4f: {  	_ =	shalt  }
0x50: {  	_ =	shalt  }
0x51: {  	_ =	shalt  }
0x52: {  	_ =	shalt  }
0x53: {  	_ =	shalt  }
0x54: {  	_ =	shalt  }
0x55: {  	_ =	shalt  }
0x56: {  	_ =	shalt  }
0x57: {  	_ =	shalt  }
0x58: {  	_ =	shalt  }
0x59: {  	_ =	shalt  }
0x5a: {  	_ =	shalt  }
0x5b: {  	_ =	shalt  }
0x5c: {  	_ =	shalt  }
0x5d: {  	_ =	shalt  }
0x5e: {  	_ =	shalt  }
0x5f: {  	_ =	shalt  }
0x60: {  	_ =	shalt  }
0x61: {  	_ =	shalt  }
0x62: {  	_ =	shalt  }
0x63: {  	_ =	shalt  }
0x64: {  	_ =	shalt  }
0x65: {  	_ =	shalt  }
0x66: {  	_ =	shalt  }
0x67: {  	_ =	shalt  }
0x68: {  	_ =	shalt  }
0x69: {  	_ =	shalt  }
0x6a: {  	_ =	shalt  }
0x6b: {  	_ =	shalt  }
0x6c: {  	_ =	shalt  }
0x6d: {  	_ =	shalt  }
0x6e: {  	_ =	shalt  }
0x6f: {  	_ =	shalt  }
0x70: {  	_ =	shalt  }
0x71: {  	_ =	shalt  }
0x72: {  	_ =	shalt  }
0x73: {  	_ =	shalt  }
0x74: {  	_ =	shalt  }
0x75: {  	_ =	shalt  }
0x76: {  	_ =	shalt  }
0x77: {  	_ =	shalt  }
0x78: {  	_ =	shalt  }
0x79: {  	_ =	shalt  }
0x7a: {  	_ =	shalt  }
0x7b: {  	_ =	shalt  }
0x7c: {  	_ =	shalt  }
0x7d: {  	_ =	shalt  }
0x7e: {  	_ =	shalt  }
0x7f: {  	_ =	shalt  }
0x80: {  	_ =	shalt  }
0x81: {  	_ =	shalt  }
0x82: {  	_ =	shalt  }
0x83: {  	_ =	shalt  }
0x84: {  	_ =	shalt  }
0x85: {  	_ =	shalt  }
0x86: {  	_ =	shalt  }
0x87: {  	_ =	shalt  }
.Lfunc_end0:
.L_simem_size_0:
called_computation.1_lowered:
.L_overlay_start_0:
0x88: {  	s2 =	sld [smem:$0x3FD9]  }
0x89: {  	s3 =	sld [smem:$0x3FFE];
	_ =	sdelay $0x1  }
0x8a: {  	s1 =	srdreg.scid  }
0x8b: {  	s0 =	sand.u32 $0x1, s1  }
0x8c: {  	s17 =	sshll.u32 s0, $0xA;
	s2 =	sadd.s32 s3, s2  }
0x8d: {  	s2 =	sadd.s32 s2, s17  }
0x8e: {  	[smem:$0x3FC6] =	sst s2  }
0x8f: {  	_ = 	snop  }
0x90: {  	(tm) =	ssettm $0x1  }
0x91: {  	s18 =	sld [smem:$0x3FFB];
	_ =	sdelay $0x3  }
0x92: {  	_ =	strace s18  }
0x93: {  	s2 =	sld [smem:$0x3FFC];
	_ =	sdelay $0x3  }
0x94: {  	_ =	strace s2  }
0x95: {  	s2 =	sld [smem:$0x3FFD];
	_ =	sdelay $0x3  }
0x96: {  	_ =	strace s2  }
0x97: {  	_ =	strace $0x8FFFFFFF  }
0x98: {  	s19 =	sld [smem:$0x3FDB];
	_ =	sdelay $0x1  }
0x99: {  	s20 =	simm.s32 $_scs_section_size  }
0x9a: {  	s4 =	simm.s32 $_size__tile_overlayer_lowered;
	s5 =	simm.s32 $_tile_overlayer_lowered  }
0x9b: {  	s6 =	simm.s32 $0x1BFF;
	s21 =	sshll.u32 s5, $0x1;
	s3 =	sadd.s32 s20, s19  }
0x9c: {  	s22 =	simm.s32 $0x0;
	s4 =	sshll.u32 s4, $0x1;
	s5 =	sadd.s32 s21, s3  }
0x9d: {  	[timem:s22], [sflag:s6] =	dma.local [hbm:s5], s4  }
0x9e: {  	_ =	swait.ge [sflag:s6], s4  }
0x9f: {  	s4 =	ssub.s32 $0x0, s4;
	[sflag:s6] =	ssyncset.done $0x0  }
0xa0: {  	[sflag:s6] =	ssyncadd.s32 s4;
	_ =	sdelay $0x1  }
0xa1: {  	s23 =	simm.s32 $0x1B8B  }
0xa2: {  	_ =	swait.ge [sflag:s23], $0x1  }
0xa3: {  	[sflag:s23] =	ssyncset.done $0x0  }
0xa4: {  	[sflag:s23] =	ssyncadd.s32 $0xFFFFFFFF  }
0xa5: {  	s4 =	sld [smem:$0x0]  }
0xa6: {  	s5 =	sand.u32 $0xFFFFFFFE, s1  }
0xa7: {  	p0 =	sne.s32 s1, s5  }
0xa8: {  	s5 =	sshll.u32 @p0 s5, $0xE  }
0xa9: {  	s5 =	sadd.s32 @p0 $0x11B8D, s5;
	s6 =	sshll.u32 @p0 s4, $0x11  }
0xaa: {  	s5 =	sor.u32 @p0 s6, s5  }
0xab: {  	[sflag:s5] =	ssyncadd.remote.s32 @p0 $0x1;
	_ =	sdelay $0x1  }
0xac: {  	s5 =	simm.s32 @p0 $0x1B8D  }
0xad: {  	_ =	swait.eq @p0 [sflag:s5], $0x1  }
0xae: {  	[sflag:s5] =	ssyncadd.s32 @p0 $0xFFFFFFFF  }
0xaf: {  	s6 =	sshll.u32 @!p0 s1, $0xE  }
0xb0: {  	s6 =	sor.u32 @!p0 $0x4000, s6;
	s5 =	simm.s32 @!p0 $0x1B8D  }
0xb1: {  	s4 =	sshll.u32 @!p0 s4, $0x11;
	s6 =	sadd.s32 @!p0 $0x11B8D, s6;
	_ =	swait.eq @!p0 [sflag:s5], $0x1  }
0xb2: {  	s4 =	sor.u32 @!p0 s4, s6;
	[sflag:s5] =	ssyncadd.s32 @!p0 $0xFFFFFFFF  }
0xb3: {  	s25 =	simm.s32 $0x1B8E;
	s24 =	sld [smem:$0x3FFE];
	[sflag:s4] =	ssyncadd.remote.s32 @!p0 $0x1  }
0xb4: {  	s26 =	simm.s32 $execute0_lowered;
	[smem:$0x3FD2] =	sst s25  }
0xb5: {  	s5 =	sshll.u32 s26, $0x1;
	_ =	strace $0x80000049;
	[dreg:$0x1] =	wrdreg $0xFFFFFFFF  }
0xb6: {  	s28 =	simm.s32 $_size_execute0_lowered;
	s3 =	sadd.s32 s3, s5;
	[dreg:$0x0] =	wrdreg $0x0  }
0xb7: {  	s5 =	sshll.u32 s28, $0x1;
	[dreg:$0x2] =	wrdreg s3  }
0xb8: {  	[dreg:$0x3] =	wrdreg s5  }
0xb9: {  	[dreg:$0x4] =	wrdreg $0xC0  }
0xba: {  	_ =	task [dreg:s22], $0x5FFFF  }
0xbb: {  	[dreg:$0x1] =	wrdreg $0xFFFFFFFF  }
0xbc: {  	[dreg:$0x0] =	wrdreg $0x60  }
0xbd: {  	[dreg:$0x2] =	wrdreg s24  }
0xbe: {  	[dreg:$0x3] =	wrdreg $0xA  }
0xbf: {  	_ =	task.clear_ibuf [dreg:s22], $0x4FFFF;
	_ =	strace $0x90000049  }
0xc0: {  	s29 =	simm.s32 $0xA;
	_ =	strace $0x8000004B  }
0xc1: {  	_ =	swait.ge [sflag:s29], $0x1  }
0xc2: {  	[sflag:s29] =	ssyncadd.s32 $0xFFFFFFFF  }
0xc3: {  	_ =	strace $0x9000004B  }
0xc4: {  	_ =	sfence  }
0xc5: {  	s30 =	sld [smem:$0x0];
	_ =	sdelay $0x2  }
0xc6: {  	s31 =	sshll.u32 s1, $0xD;
	s1 =	sshrl.u32 s1, $0x2  }
0xc7: {  	s4 =	sand.u32 $0x4000, s31;
	s1 =	sadd.s32 s1, s30  }
0xc8: {  	s0 =	sor.u32 s4, s0;
	s1 =	sshll.u32 s1, $0x11  }
0xc9: {  	s0 =	sor.u32 s1, s0  }
0xca: {  	s0 =	sadd.s32 $0x8F2B, s0  }
0xcb: {  	[sflag:s0] =	ssyncadd.remote.s32 $0x1  }
0xcc: {  	_ =	sfence.sel $0xFFFF  }
0xcd: {  	[dreg:$0x0] =	wrdreg $0xFFFFFFFF;
	(pc) =	sbr.abs _section_cstart, $3  }
0xce: {  	[dreg:$0x1] =	wrdreg $0xFFFFFFFF  }
0xcf: {  	_ =	task.clear_ibuf [dreg:s22], $0x2FFFF;
	_ =	strace $0x9FFFFFFF  }
0xd0: {  	(tm) =	ssettm $0x7FFFFFFF  }
0xd1: {  	_ =	shalt  }
tec
execute0_lowered:
.L_overlay_start_1:
0x0: {  	(tag) =	ssettag $0x1  }
0x1: {  	s0 =	rddreg [dreg:$0x0];
	s1 =	simm.s32 $0x0;
	s2 =	srdreg.scid  }
0x2: {  	s5 =	stileid.u32;
	s7 =	simm.s32 $0xD;
	s12 =	simm.s32 $0x3  }
0x3: {  	s13 =	simm.s32 $0x5;
	s14 =	simm.s32 $0x100;
	s20 =	simm.s32 $0x3100  }
0x4: {  	s21 =	simm.s32 $0x3900;
	s22 =	simm.s32 $0x4100;
	s23 =	simm.s32 $0x4900  }
0x5: {  	s24 =	simm.s32 $0x5100;
	s28 =	simm.s32 $0x6900;
	s29 =	simm.s32 $0x7100  }
0x6: {  	s30 =	simm.s32 $0x7900;
	s31 =	simm.s32 $0x2;
	[smem:$0x7FF] =	sst s1  }
0x7: {  	s3 =	sadd.s32 $0x3800, s0;
	s2 =	sand.u32 $0x1, s2;
	s6 =	sshll.u32 s5, $0x1  }
0x8: {  	s4 =	sadd.s32 $0x800, s0;
	s5 =	sadd.s32 $0x3EBA00, s0;
	s6 =	sor.u32 s2, s6  }
0x9: {  	_ =	strace $0x8000004A;
	s25 =	ssub.s32 $0x2, s2;
	p0 =	slt.u32 s6, $0x15  }
0xa: {  	s2 =	sshll.u32 s6, $0x7;
	s9 =	sshrl.u32 s25, $0x1;
	s7 =	simm.s32 @!p0 $0xC  }
0xb: {  	s8 =	sadd.s32 $0xB400, s2;
	s0 =	ssub.s32 s25, s9;
	s25 =	simm.s32 $0x5900  }
.Ltmp0:
0xc: {  	s9 =	simm.s32 $0x0;
	s2 =	sshrl.u32 s8, $0x3;
	(pc) =	sbr.rel .LBB2_1-.Ltmp0, $4  }
0xd: {  	s26 =	sand.u32 $0x1, s7;
	s0 =	smax.u32 s0, $0x1;
	s2 =	sadd.s32 s4, s2  }
0xe: {  	v2 =	vlaneseq.u32;
	p0 =	seq.s32 s26, $0x1;
	[dreg:$0x2] =	wrdreg s2;
	s2 =	simm.s32 $0x3  }
0xf: {  	vm0 =	vmmov $0xffff;
	v1 =	vshrl.u32 v2, $0x3;
	[dreg:$0x4] =	wrdreg s0;
	s26 =	simm.s32 $0x6100;
	s2 =	simm.s32 @!p0 $0x4  }
0x10: {  	v0 =	vand.u32 $0x7, v2;
	v2 =	vor.u32 $0x8, v2;
	v1 =	vmul.u32 $0x8, v1;
	s0 =	simm.s32 $0x8100;
	[dreg:$0x3] =	wrdreg s2;
	s2 =	simm.s32 $0x1  }
.LBB2_11:
0x11: {  	s10 =	rddreg [dreg:$0x3]  }
0x12: {  	_ =	swait.ge [sflag:s10], $0x8000  }
0x13: {  	s9 =	sadd.s32 $0x1, s9;
	s11 =	rddreg [dreg:$0x4]  }
0x14: {  	p0 =	sne.s32 s9, s11  }
.Ltmp1:
0x15: {  	_ = 	snop;
	(pc) =	sbr.rel @!p0 .LBB2_12-.Ltmp1, $3  }
0x16: {  	_ =	sdelay $0x1  }
0x17: {  	[sflag:s10] =	ssyncset.done $0x0  }
0x18: {  	[sflag:s10] =	ssyncadd.s32 $0xFFFF8000  }
.LBB2_1:
0x19: {  	s10 =	rddreg [dreg:$0x2]  }
0x1a: {  	[tilespmem:s1], [sflag:$0x5] =	stream.linear.gather [hbm4b:s10+s1], $0x80, $0x38;
	[tilespmem:$0x10100] =	vst v63  }
0x1b: {  	_ =	swait.ge [sflag:s13], $0x80  }
0x1c: {  	[sflag:s13] =	ssyncset.done $0x0  }
0x1d: {  	[sflag:s13] =	ssyncadd.s32 $0xFFFFFF80  }
0x1e: {  	v3 =	vld [tilespmem:$0x0];
	_ =	sdelay $0x4  }
0x1f: {  	v4 =	vshll.u32 v3, $0x1  }
0x20: {  	v3 =	vand.u32 $0x7, v3;
	v4 =	vand.u32 $0xFFFFFFF0, v4  }
0x21: {  	v3 =	vor.u32 v3, v4  }
0x22: {  	v4 =	vperm.xlane v3, v0;
	_ =	sdelay $0x1  }
0x23: {  	v3 =	vperm.xlane v3, v2;
	v4 =	vadd.s32 v1, v4;
	_ =	sdelay $0x1  }
0x24: {  	v3 =	vadd.s32 v1, v3;
	_ =	sdelay $0x2  }
0x25: {  	[tilespmem:s14], [sflag:$0x1] =	stream.indirect_vreg.gather [hbm4b:s3+s1], $0x80, v4, vm0, $0xb8;
	[tilespmem:$0x10100] =	vst v63  }
0x26: {  	s15 =	simm.s32 $0x900  }
0x27: {  	[tilespmem:s15], [sflag:$0x1] =	stream.indirect_vreg.gather [hbm4b:s3+s1], $0x80, v3, vm0, $0xb8;
	[tilespmem:$0x10100] =	vst v63  }
0x28: {  	v3 =	vld [tilespmem:$0x10];
	_ =	sdelay $0x4  }
0x29: {  	v57 =	vshll.u32 v3, $0x1  }
0x2a: {  	v3 =	vand.u32 $0x7, v3;
	v4 =	vand.u32 $0xFFFFFFF0, v57  }
0x2b: {  	v3 =	vor.u32 v3, v4  }
0x2c: {  	v4 =	vperm.xlane v3, v0;
	_ =	sdelay $0x1  }
0x2d: {  	v3 =	vperm.xlane v3, v2;
	v4 =	vadd.s32 v1, v4;
	_ =	sdelay $0x1  }
0x2e: {  	v3 =	vadd.s32 v1, v3;
	_ =	sdelay $0x1  }
0x2f: {  	s16 =	simm.s32 $0x1100  }
0x30: {  	[tilespmem:s16], [sflag:$0x1] =	stream.indirect_vreg.gather [hbm4b:s3+s1], $0x80, v4, vm0, $0xb8;
	[tilespmem:$0x10100] =	vst v63  }
0x31: {  	s17 =	simm.s32 $0x1900  }
0x32: {  	[tilespmem:s17], [sflag:$0x1] =	stream.indirect_vreg.gather [hbm4b:s3+s1], $0x80, v3, vm0, $0xb8;
	[tilespmem:$0x10100] =	vst v63  }
0x33: {  	v3 =	vld [tilespmem:$0x20];
	_ =	sdelay $0x4  }
0x34: {  	v58 =	vshll.u32 v3, $0x1  }
0x35: {  	v3 =	vand.u32 $0x7, v3;
	v4 =	vand.u32 $0xFFFFFFF0, v58  }
0x36: {  	v3 =	vor.u32 v3, v4  }
0x37: {  	v4 =	vperm.xlane v3, v0;
	_ =	sdelay $0x1  }
0x38: {  	v3 =	vperm.xlane v3, v2;
	v4 =	vadd.s32 v1, v4;
	_ =	sdelay $0x1  }
0x39: {  	v3 =	vadd.s32 v1, v3;
	_ =	sdelay $0x1  }
0x3a: {  	s18 =	simm.s32 $0x2100  }
0x3b: {  	[tilespmem:s18], [sflag:$0x1] =	stream.indirect_vreg.gather [hbm4b:s3+s1], $0x80, v4, vm0, $0xb8;
	[tilespmem:$0x10100] =	vst v63  }
0x3c: {  	s19 =	simm.s32 $0x2900  }
0x3d: {  	[tilespmem:s19], [sflag:$0x1] =	stream.indirect_vreg.gather [hbm4b:s3+s1], $0x80, v3, vm0, $0xb8;
	[tilespmem:$0x10100] =	vst v63  }
0x3e: {  	v3 =	vld [tilespmem:$0x30];
	_ =	sdelay $0x4  }
0x3f: {  	v59 =	vshll.u32 v3, $0x1  }
0x40: {  	v3 =	vand.u32 $0x7, v3;
	v4 =	vand.u32 $0xFFFFFFF0, v59  }
0x41: {  	v3 =	vor.u32 v3, v4  }
0x42: {  	v4 =	vperm.xlane v3, v0;
	_ =	sdelay $0x1  }
0x43: {  	v3 =	vperm.xlane v3, v2;
	v4 =	vadd.s32 v1, v4;
	_ =	sdelay $0x1  }
0x44: {  	v3 =	vadd.s32 v1, v3;
	_ =	sdelay $0x2  }
0x45: {  	[tilespmem:s20], [sflag:$0x1] =	stream.indirect_vreg.gather [hbm4b:s3+s1], $0x80, v4, vm0, $0xb8;
	[tilespmem:$0x10100] =	vst v63  }
0x46: {  	_ = 	snop  }
0x47: {  	[tilespmem:s21], [sflag:$0x1] =	stream.indirect_vreg.gather [hbm4b:s3+s1], $0x80, v3, vm0, $0xb8;
	[tilespmem:$0x10100] =	vst v63  }
0x48: {  	v3 =	vld [tilespmem:$0x40];
	_ =	sdelay $0x4  }
0x49: {  	v60 =	vshll.u32 v3, $0x1  }
0x4a: {  	v3 =	vand.u32 $0x7, v3;
	v4 =	vand.u32 $0xFFFFFFF0, v60  }
0x4b: {  	v3 =	vor.u32 v3, v4  }
0x4c: {  	v4 =	vperm.xlane v3, v0;
	_ =	sdelay $0x1  }
0x4d: {  	v3 =	vperm.xlane v3, v2;
	v4 =	vadd.s32 v1, v4;
	_ =	sdelay $0x1  }
0x4e: {  	v3 =	vadd.s32 v1, v3;
	_ =	sdelay $0x2  }
0x4f: {  	[tilespmem:s22], [sflag:$0x1] =	stream.indirect_vreg.gather [hbm4b:s3+s1], $0x80, v4, vm0, $0xb8;
	[tilespmem:$0x10100] =	vst v63  }
0x50: {  	_ = 	snop  }
0x51: {  	[tilespmem:s23], [sflag:$0x1] =	stream.indirect_vreg.gather [hbm4b:s3+s1], $0x80, v3, vm0, $0xb8;
	[tilespmem:$0x10100] =	vst v63  }
0x52: {  	v3 =	vld [tilespmem:$0x50];
	_ =	sdelay $0x4  }
0x53: {  	v61 =	vshll.u32 v3, $0x1  }
0x54: {  	v3 =	vand.u32 $0x7, v3;
	v4 =	vand.u32 $0xFFFFFFF0, v61  }
0x55: {  	v3 =	vor.u32 v3, v4  }
0x56: {  	v4 =	vperm.xlane v3, v0;
	_ =	sdelay $0x1  }
0x57: {  	v3 =	vperm.xlane v3, v2;
	v4 =	vadd.s32 v1, v4;
	_ =	sdelay $0x1  }
0x58: {  	v3 =	vadd.s32 v1, v3;
	_ =	sdelay $0x2  }
0x59: {  	[tilespmem:s24], [sflag:$0x1] =	stream.indirect_vreg.gather [hbm4b:s3+s1], $0x80, v4, vm0, $0xb8;
	[tilespmem:$0x10100] =	vst v63  }
0x5a: {  	_ = 	snop  }
0x5b: {  	[tilespmem:s25], [sflag:$0x1] =	stream.indirect_vreg.gather [hbm4b:s3+s1], $0x80, v3, vm0, $0xb8;
	[tilespmem:$0x10100] =	vst v63  }
0x5c: {  	v3 =	vld [tilespmem:$0x60];
	_ =	sdelay $0x4  }
0x5d: {  	v62 =	vshll.u32 v3, $0x1  }
0x5e: {  	v3 =	vand.u32 $0x7, v3;
	v4 =	vand.u32 $0xFFFFFFF0, v62  }
0x5f: {  	v3 =	vor.u32 v3, v4  }
0x60: {  	v4 =	vperm.xlane v3, v0;
	_ =	sdelay $0x1  }
0x61: {  	v3 =	vperm.xlane v3, v2;
	v4 =	vadd.s32 v1, v4;
	_ =	sdelay $0x1  }
0x62: {  	v3 =	vadd.s32 v1, v3;
	_ =	sdelay $0x2  }
0x63: {  	[tilespmem:s26], [sflag:$0x1] =	stream.indirect_vreg.gather [hbm4b:s3+s1], $0x80, v4, vm0, $0xb8;
	[tilespmem:$0x10100] =	vst v63  }
0x64: {  	_ = 	snop  }
0x65: {  	[tilespmem:s28], [sflag:$0x1] =	stream.indirect_vreg.gather [hbm4b:s3+s1], $0x80, v3, vm0, $0xb8;
	[tilespmem:$0x10100] =	vst v63  }
0x66: {  	v3 =	vld [tilespmem:$0x70];
	_ =	sdelay $0x4  }
0x67: {  	v63 =	vshll.u32 v3, $0x1  }
0x68: {  	v3 =	vand.u32 $0x7, v3;
	v4 =	vand.u32 $0xFFFFFFF0, v63  }
0x69: {  	v3 =	vor.u32 v3, v4  }
0x6a: {  	v4 =	vperm.xlane v3, v0;
	_ =	sdelay $0x1  }
0x6b: {  	v3 =	vperm.xlane v3, v2;
	v4 =	vadd.s32 v1, v4;
	_ =	sdelay $0x1  }
0x6c: {  	v3 =	vadd.s32 v1, v3  }
.Ltmp2:
0x6d: {  	_ = 	snop;
	(pc) =	sbr.rel .LBB2_2-.Ltmp2, $4  }
0x6e: {  	_ = 	snop  }
0x6f: {  	[tilespmem:s29], [sflag:$0x1] =	stream.indirect_vreg.gather [hbm4b:s3+s1], $0x80, v4, vm0, $0xb8;
	[tilespmem:$0x10100] =	vst v63  }
0x70: {  	s10 =	simm.s32 $0x0  }
0x71: {  	[tilespmem:s30], [sflag:$0x1] =	stream.indirect_vreg.gather [hbm4b:s3+s1], $0x80, v3, vm0, $0xb8;
	[tilespmem:$0x10100] =	vst v63  }
.LBB2_8:
0x72: {  	_ =	swait.ge [sflag:s12], $0x8000  }
0x73: {  	[sflag:s12] =	ssyncset.done $0x0  }
0x74: {  	[sflag:s12] =	ssyncadd.s32 $0xFFFF8000  }
0x75: {  	_ =	swait.ge [sflag:s31], $0x8000  }
0x76: {  	[sflag:s31] =	ssyncset.done $0x0  }
0x77: {  	[sflag:s31] =	ssyncadd.s32 $0xFFFF8000  }
.LBB2_9:
0x78: {  	s10 =	sshll.u32 s11, $0xC  }
0x79: {  	s10 =	sadd.s32 s5, s10  }
0x7a: {  	[hbm4b:s10+s1] =	stream.linear.scatter [tilespmem:s0], [sflag:$0x4], $0x8000, $0x38;
	[tilespmem:$0x10100] =	vst v63  }
.LBB2_10:
0x7b: {  	p0 =	sne.s32 s15, s7  }
.Ltmp3:
0x7c: {  	_ = 	snop;
	(pc) =	sbr.rel @!p0 .LBB2_11-.Ltmp3, $2  }
0x7d: {  	_ =	sdelay $0x2  }
0x7e: {  	s10 =	smov.u32 s15  }
.LBB2_2:
0x7f: {  	s16 =	sand.u32 $0x1, s10  }
0x80: {  	p0 =	seq.s32 s16, $0x1  }
.Ltmp4:
0x81: {  	_ = 	snop;
	(pc) =	sbr.rel @p0 .LBB2_6-.Ltmp4, $3  }
0x82: {  	_ =	sdelay $0x1  }
0x83: {  	s11 =	sshll.u32 s10, $0x5  }
0x84: {  	s11 =	sor.u32 s6, s11  }
0x85: {  	s15 =	sor.u32 $0x1, s10  }
0x86: {  	p0 =	sge.u32 s15, s7  }
0x87: {  	s17 =	sshll.u32 @!p0 s15, $0xC  }
0x88: {  	s17 =	sadd.s32 @!p0 s17, s8  }
0x89: {  	s17 =	sshrl.u32 @!p0 s17, $0x3  }
0x8a: {  	s18 =	simm.s32 @!p0 $0x0;
	s19 =	simm.s32 @!p0 $0x80;
	s17 =	sadd.s32 @!p0 s4, s17  }
0x8b: {  	[tilespmem:s19], [sflag:$0x5] =	stream.linear.gather @!p0 [hbm4b:s17+s18], $0x80, $0x38;
	[tilespmem:$0x10100] =	vst v63  }
0x8c: {  	s17 =	simm.s32 @!p0 $0x5  }
0x8d: {  	_ =	swait.ge @!p0 [sflag:s17], $0x80  }
0x8e: {  	p1 =	seq.s32 s10, $0x0;
	[sflag:s17] =	ssyncset.done @!p0 $0x0  }
0x8f: {  	[sflag:s17] =	ssyncadd.s32 @!p0 $0xFFFFFF80;
	s17 =	simm.s32 @!p1 $0x4  }
0x90: {  	_ =	swait.ge @!p1 [sflag:s17], $0x8000  }
.Ltmp5:
0x91: {  	[sflag:s17] =	ssyncset.done @!p1 $0x0;
	(pc) =	sbr.rel @p0 .LBB2_5-.Ltmp5, $4  }
0x92: {  	[sflag:s17] =	ssyncadd.s32 @!p1 $0xFFFF8000  }
0x93: {  	_ =	swait.ge [sflag:s2], $0x8000  }
0x94: {  	[sflag:s2] =	ssyncset.done $0x0  }
0x95: {  	[sflag:s2] =	ssyncadd.s32 $0xFFFF8000  }
0x96: {  	v3 =	vld [tilespmem:$0x80];
	_ =	sdelay $0x4  }
0x97: {  	v4 =	vshll.u32 v3, $0x1  }
0x98: {  	v3 =	vand.u32 $0x7, v3;
	v4 =	vand.u32 $0xFFFFFFF0, v4  }
0x99: {  	v3 =	vor.u32 v3, v4  }
0x9a: {  	v4 =	vperm.xlane v3, v0;
	_ =	sdelay $0x1  }
0x9b: {  	v3 =	vperm.xlane v3, v2;
	v4 =	vadd.s32 v1, v4;
	_ =	sdelay $0x1  }
0x9c: {  	v3 =	vadd.s32 v1, v3;
	_ =	sdelay $0x2  }
0x9d: {  	[tilespmem:s0], [sflag:$0x2] =	stream.indirect_vreg.gather [hbm4b:s3+s1], $0x80, v4, vm0, $0xb8;
	[tilespmem:$0x10100] =	vst v63  }
0x9e: {  	s17 =	simm.s32 $0x8900  }
0x9f: {  	[tilespmem:s17], [sflag:$0x2] =	stream.indirect_vreg.gather [hbm4b:s3+s1], $0x80, v3, vm0, $0xb8;
	[tilespmem:$0x10100] =	vst v63  }
0xa0: {  	v3 =	vld [tilespmem:$0x90];
	_ =	sdelay $0x4  }
0xa1: {  	v57 =	vshll.u32 v3, $0x1  }
0xa2: {  	v3 =	vand.u32 $0x7, v3;
	v4 =	vand.u32 $0xFFFFFFF0, v57  }
0xa3: {  	v3 =	vor.u32 v3, v4  }
0xa4: {  	v4 =	vperm.xlane v3, v0;
	_ =	sdelay $0x1  }
0xa5: {  	v3 =	vperm.xlane v3, v2;
	v4 =	vadd.s32 v1, v4;
	_ =	sdelay $0x1  }
0xa6: {  	v3 =	vadd.s32 v1, v3;
	_ =	sdelay $0x1  }
0xa7: {  	s18 =	simm.s32 $0x9100  }
0xa8: {  	[tilespmem:s18], [sflag:$0x2] =	stream.indirect_vreg.gather [hbm4b:s3+s1], $0x80, v4, vm0, $0xb8;
	[tilespmem:$0x10100] =	vst v63  }
0xa9: {  	s19 =	simm.s32 $0x9900  }
0xaa: {  	[tilespmem:s19], [sflag:$0x2] =	stream.indirect_vreg.gather [hbm4b:s3+s1], $0x80, v3, vm0, $0xb8;
	[tilespmem:$0x10100] =	vst v63  }
0xab: {  	v3 =	vld [tilespmem:$0xA0];
	_ =	sdelay $0x4  }
0xac: {  	v58 =	vshll.u32 v3, $0x1  }
0xad: {  	v3 =	vand.u32 $0x7, v3;
	v4 =	vand.u32 $0xFFFFFFF0, v58  }
0xae: {  	v3 =	vor.u32 v3, v4  }
0xaf: {  	v4 =	vperm.xlane v3, v0;
	_ =	sdelay $0x1  }
0xb0: {  	v3 =	vperm.xlane v3, v2;
	v4 =	vadd.s32 v1, v4;
	_ =	sdelay $0x1  }
0xb1: {  	v3 =	vadd.s32 v1, v3;
	_ =	sdelay $0x1  }
0xb2: {  	s18 =	simm.s32 $0xA100  }
0xb3: {  	[tilespmem:s18], [sflag:$0x2] =	stream.indirect_vreg.gather [hbm4b:s3+s1], $0x80, v4, vm0, $0xb8;
	[tilespmem:$0x10100] =	vst v63  }
0xb4: {  	s19 =	simm.s32 $0xA900  }
0xb5: {  	[tilespmem:s19], [sflag:$0x2] =	stream.indirect_vreg.gather [hbm4b:s3+s1], $0x80, v3, vm0, $0xb8;
	[tilespmem:$0x10100] =	vst v63  }
0xb6: {  	v3 =	vld [tilespmem:$0xB0];
	_ =	sdelay $0x4  }
0xb7: {  	v59 =	vshll.u32 v3, $0x1  }
0xb8: {  	v3 =	vand.u32 $0x7, v3;
	v4 =	vand.u32 $0xFFFFFFF0, v59  }
0xb9: {  	v3 =	vor.u32 v3, v4  }
0xba: {  	v4 =	vperm.xlane v3, v0;
	_ =	sdelay $0x1  }
0xbb: {  	v3 =	vperm.xlane v3, v2;
	v4 =	vadd.s32 v1, v4;
	_ =	sdelay $0x1  }
0xbc: {  	v3 =	vadd.s32 v1, v3;
	_ =	sdelay $0x1  }
0xbd: {  	s18 =	simm.s32 $0xB100  }
0xbe: {  	[tilespmem:s18], [sflag:$0x2] =	stream.indirect_vreg.gather [hbm4b:s3+s1], $0x80, v4, vm0, $0xb8;
	[tilespmem:$0x10100] =	vst v63  }
0xbf: {  	s19 =	simm.s32 $0xB900  }
0xc0: {  	[tilespmem:s19], [sflag:$0x2] =	stream.indirect_vreg.gather [hbm4b:s3+s1], $0x80, v3, vm0, $0xb8;
	[tilespmem:$0x10100] =	vst v63  }
0xc1: {  	v3 =	vld [tilespmem:$0xC0];
	_ =	sdelay $0x4  }
0xc2: {  	v60 =	vshll.u32 v3, $0x1  }
0xc3: {  	v3 =	vand.u32 $0x7, v3;
	v4 =	vand.u32 $0xFFFFFFF0, v60  }
0xc4: {  	v3 =	vor.u32 v3, v4  }
0xc5: {  	v4 =	vperm.xlane v3, v0;
	_ =	sdelay $0x1  }
0xc6: {  	v3 =	vperm.xlane v3, v2;
	v4 =	vadd.s32 v1, v4;
	_ =	sdelay $0x1  }
0xc7: {  	v3 =	vadd.s32 v1, v3;
	_ =	sdelay $0x1  }
0xc8: {  	s18 =	simm.s32 $0xC100  }
0xc9: {  	[tilespmem:s18], [sflag:$0x2] =	stream.indirect_vreg.gather [hbm4b:s3+s1], $0x80, v4, vm0, $0xb8;
	[tilespmem:$0x10100] =	vst v63  }
0xca: {  	s19 =	simm.s32 $0xC900  }
0xcb: {  	[tilespmem:s19], [sflag:$0x2] =	stream.indirect_vreg.gather [hbm4b:s3+s1], $0x80, v3, vm0, $0xb8;
	[tilespmem:$0x10100] =	vst v63  }
0xcc: {  	v3 =	vld [tilespmem:$0xD0];
	_ =	sdelay $0x4  }
0xcd: {  	v61 =	vshll.u32 v3, $0x1  }
0xce: {  	v3 =	vand.u32 $0x7, v3;
	v4 =	vand.u32 $0xFFFFFFF0, v61  }
0xcf: {  	v3 =	vor.u32 v3, v4  }
0xd0: {  	v4 =	vperm.xlane v3, v0;
	_ =	sdelay $0x1  }
0xd1: {  	v3 =	vperm.xlane v3, v2;
	v4 =	vadd.s32 v1, v4;
	_ =	sdelay $0x1  }
0xd2: {  	v3 =	vadd.s32 v1, v3;
	_ =	sdelay $0x1  }
0xd3: {  	s18 =	simm.s32 $0xD100  }
0xd4: {  	[tilespmem:s18], [sflag:$0x2] =	stream.indirect_vreg.gather [hbm4b:s3+s1], $0x80, v4, vm0, $0xb8;
	[tilespmem:$0x10100] =	vst v63  }
0xd5: {  	s19 =	simm.s32 $0xD900  }
0xd6: {  	[tilespmem:s19], [sflag:$0x2] =	stream.indirect_vreg.gather [hbm4b:s3+s1], $0x80, v3, vm0, $0xb8;
	[tilespmem:$0x10100] =	vst v63  }
0xd7: {  	v3 =	vld [tilespmem:$0xE0];
	_ =	sdelay $0x4  }
0xd8: {  	v62 =	vshll.u32 v3, $0x1  }
0xd9: {  	v3 =	vand.u32 $0x7, v3;
	v4 =	vand.u32 $0xFFFFFFF0, v62  }
0xda: {  	v3 =	vor.u32 v3, v4  }
0xdb: {  	v4 =	vperm.xlane v3, v0;
	_ =	sdelay $0x1  }
0xdc: {  	v3 =	vperm.xlane v3, v2;
	v4 =	vadd.s32 v1, v4;
	_ =	sdelay $0x1  }
0xdd: {  	v3 =	vadd.s32 v1, v3;
	_ =	sdelay $0x1  }
0xde: {  	s18 =	simm.s32 $0xE100  }
0xdf: {  	[tilespmem:s18], [sflag:$0x2] =	stream.indirect_vreg.gather [hbm4b:s3+s1], $0x80, v4, vm0, $0xb8;
	[tilespmem:$0x10100] =	vst v63  }
0xe0: {  	s19 =	simm.s32 $0xE900  }
0xe1: {  	[tilespmem:s19], [sflag:$0x2] =	stream.indirect_vreg.gather [hbm4b:s3+s1], $0x80, v3, vm0, $0xb8;
	[tilespmem:$0x10100] =	vst v63  }
0xe2: {  	v3 =	vld [tilespmem:$0xF0];
	_ =	sdelay $0x4  }
0xe3: {  	v63 =	vshll.u32 v3, $0x1  }
0xe4: {  	v3 =	vand.u32 $0x7, v3;
	v4 =	vand.u32 $0xFFFFFFF0, v63  }
0xe5: {  	v3 =	vor.u32 v3, v4  }
0xe6: {  	v4 =	vperm.xlane v3, v0;
	_ =	sdelay $0x1  }
0xe7: {  	v3 =	vperm.xlane v3, v2;
	v4 =	vadd.s32 v1, v4;
	_ =	sdelay $0x1  }
0xe8: {  	v3 =	vadd.s32 v1, v3;
	_ =	sdelay $0x1  }
0xe9: {  	s18 =	simm.s32 $0xF100  }
0xea: {  	[tilespmem:s18], [sflag:$0x2] =	stream.indirect_vreg.gather [hbm4b:s3+s1], $0x80, v4, vm0, $0xb8;
	[tilespmem:$0x10100] =	vst v63  }
0xeb: {  	s19 =	simm.s32 $0xF900  }
0xec: {  	[tilespmem:s19], [sflag:$0x2] =	stream.indirect_vreg.gather [hbm4b:s3+s1], $0x80, v3, vm0, $0xb8;
	[tilespmem:$0x10100] =	vst v63  }
.LBB2_5:
0xed: {  	p0 =	seq.s32 s16, $0x0  }
.Ltmp6:
0xee: {  	_ = 	snop;
	(pc) =	sbr.rel @p0 .LBB2_10-.Ltmp6, $4  }
0xef: {  	s17 =	sshll.u32 s11, $0xC  }
0xf0: {  	s17 =	sand.u32 $0x1FFDF000, s17  }
0xf1: {  	s17 =	sadd.s32 s5, s17  }
0xf2: {  	[hbm4b:s17+s1] =	stream.linear.scatter [tilespmem:s14], [sflag:$0x3], $0x8000, $0x38;
	[tilespmem:$0x10100] =	vst v63  }
.LBB2_6:
0xf3: {  	s15 =	sadd.s32 $0x1, s10  }
0xf4: {  	p0 =	sge.u32 s15, s7  }
.Ltmp7:
0xf5: {  	_ = 	snop;
	(pc) =	sbr.rel @p0 .LBB2_8-.Ltmp7, $1  }
0xf6: {  	_ =	sdelay $0x3  }
0xf7: {  	s10 =	sshll.u32 s15, $0xC  }
0xf8: {  	s10 =	sadd.s32 s10, s8  }
0xf9: {  	s10 =	sshrl.u32 s10, $0x3  }
0xfa: {  	s10 =	sadd.s32 s4, s10  }
0xfb: {  	[tilespmem:s1], [sflag:$0x5] =	stream.linear.gather [hbm4b:s10+s1], $0x80, $0x38;
	[tilespmem:$0x10100] =	vst v63  }
0xfc: {  	_ =	swait.ge [sflag:s13], $0x80  }
0xfd: {  	[sflag:s13] =	ssyncset.done $0x0  }
0xfe: {  	[sflag:s13] =	ssyncadd.s32 $0xFFFFFF80  }
0xff: {  	_ =	swait.ge [sflag:s12], $0x8000  }
0x100: {  	[sflag:s12] =	ssyncset.done $0x0  }
0x101: {  	[sflag:s12] =	ssyncadd.s32 $0xFFFF8000  }
0x102: {  	_ =	swait.ge [sflag:s31], $0x8000  }
0x103: {  	[sflag:s31] =	ssyncset.done $0x0  }
0x104: {  	[sflag:s31] =	ssyncadd.s32 $0xFFFF8000  }
0x105: {  	v3 =	vld [tilespmem:$0x0];
	_ =	sdelay $0x4  }
0x106: {  	v4 =	vshll.u32 v3, $0x1  }
0x107: {  	v3 =	vand.u32 $0x7, v3;
	v4 =	vand.u32 $0xFFFFFFF0, v4  }
0x108: {  	v3 =	vor.u32 v3, v4  }
0x109: {  	v4 =	vperm.xlane v3, v0;
	_ =	sdelay $0x1  }
0x10a: {  	v3 =	vperm.xlane v3, v2;
	v4 =	vadd.s32 v1, v4;
	_ =	sdelay $0x1  }
0x10b: {  	v3 =	vadd.s32 v1, v3;
	_ =	sdelay $0x2  }
0x10c: {  	[tilespmem:s14], [sflag:$0x1] =	stream.indirect_vreg.gather [hbm4b:s3+s1], $0x80, v4, vm0, $0xb8;
	[tilespmem:$0x10100] =	vst v63  }
0x10d: {  	s19 =	simm.s32 $0x900  }
0x10e: {  	[tilespmem:s19], [sflag:$0x1] =	stream.indirect_vreg.gather [hbm4b:s3+s1], $0x80, v3, vm0, $0xb8;
	[tilespmem:$0x10100] =	vst v63  }
0x10f: {  	v3 =	vld [tilespmem:$0x10];
	_ =	sdelay $0x4  }
0x110: {  	v57 =	vshll.u32 v3, $0x1  }
0x111: {  	v3 =	vand.u32 $0x7, v3;
	v4 =	vand.u32 $0xFFFFFFF0, v57  }
0x112: {  	v3 =	vor.u32 v3, v4  }
0x113: {  	v4 =	vperm.xlane v3, v0;
	_ =	sdelay $0x1  }
0x114: {  	v3 =	vperm.xlane v3, v2;
	v4 =	vadd.s32 v1, v4;
	_ =	sdelay $0x1  }
0x115: {  	v3 =	vadd.s32 v1, v3;
	_ =	sdelay $0x1  }
0x116: {  	s16 =	simm.s32 $0x1100  }
0x117: {  	[tilespmem:s16], [sflag:$0x1] =	stream.indirect_vreg.gather [hbm4b:s3+s1], $0x80, v4, vm0, $0xb8;
	[tilespmem:$0x10100] =	vst v63  }
0x118: {  	s17 =	simm.s32 $0x1900  }
0x119: {  	[tilespmem:s17], [sflag:$0x1] =	stream.indirect_vreg.gather [hbm4b:s3+s1], $0x80, v3, vm0, $0xb8;
	[tilespmem:$0x10100] =	vst v63  }
0x11a: {  	v3 =	vld [tilespmem:$0x20];
	_ =	sdelay $0x4  }
0x11b: {  	v58 =	vshll.u32 v3, $0x1  }
0x11c: {  	v3 =	vand.u32 $0x7, v3;
	v4 =	vand.u32 $0xFFFFFFF0, v58  }
0x11d: {  	v3 =	vor.u32 v3, v4  }
0x11e: {  	v4 =	vperm.xlane v3, v0;
	_ =	sdelay $0x1  }
0x11f: {  	v3 =	vperm.xlane v3, v2;
	v4 =	vadd.s32 v1, v4;
	_ =	sdelay $0x1  }
0x120: {  	v3 =	vadd.s32 v1, v3;
	_ =	sdelay $0x1  }
0x121: {  	s18 =	simm.s32 $0x2100  }
0x122: {  	[tilespmem:s18], [sflag:$0x1] =	stream.indirect_vreg.gather [hbm4b:s3+s1], $0x80, v4, vm0, $0xb8;
	[tilespmem:$0x10100] =	vst v63  }
0x123: {  	s19 =	simm.s32 $0x2900  }
0x124: {  	[tilespmem:s19], [sflag:$0x1] =	stream.indirect_vreg.gather [hbm4b:s3+s1], $0x80, v3, vm0, $0xb8;
	[tilespmem:$0x10100] =	vst v63  }
0x125: {  	v3 =	vld [tilespmem:$0x30];
	_ =	sdelay $0x4  }
0x126: {  	v59 =	vshll.u32 v3, $0x1  }
0x127: {  	v3 =	vand.u32 $0x7, v3;
	v4 =	vand.u32 $0xFFFFFFF0, v59  }
0x128: {  	v3 =	vor.u32 v3, v4  }
0x129: {  	v4 =	vperm.xlane v3, v0;
	_ =	sdelay $0x1  }
0x12a: {  	v3 =	vperm.xlane v3, v2;
	v4 =	vadd.s32 v1, v4;
	_ =	sdelay $0x1  }
0x12b: {  	v3 =	vadd.s32 v1, v3;
	_ =	sdelay $0x2  }
0x12c: {  	[tilespmem:s20], [sflag:$0x1] =	stream.indirect_vreg.gather [hbm4b:s3+s1], $0x80, v4, vm0, $0xb8;
	[tilespmem:$0x10100] =	vst v63  }
0x12d: {  	_ = 	snop  }
0x12e: {  	[tilespmem:s21], [sflag:$0x1] =	stream.indirect_vreg.gather [hbm4b:s3+s1], $0x80, v3, vm0, $0xb8;
	[tilespmem:$0x10100] =	vst v63  }
0x12f: {  	v3 =	vld [tilespmem:$0x40];
	_ =	sdelay $0x4  }
0x130: {  	v60 =	vshll.u32 v3, $0x1  }
0x131: {  	v3 =	vand.u32 $0x7, v3;
	v4 =	vand.u32 $0xFFFFFFF0, v60  }
0x132: {  	v3 =	vor.u32 v3, v4  }
0x133: {  	v4 =	vperm.xlane v3, v0;
	_ =	sdelay $0x1  }
0x134: {  	v3 =	vperm.xlane v3, v2;
	v4 =	vadd.s32 v1, v4;
	_ =	sdelay $0x1  }
0x135: {  	v3 =	vadd.s32 v1, v3;
	_ =	sdelay $0x2  }
0x136: {  	[tilespmem:s22], [sflag:$0x1] =	stream.indirect_vreg.gather [hbm4b:s3+s1], $0x80, v4, vm0, $0xb8;
	[tilespmem:$0x10100] =	vst v63  }
0x137: {  	_ = 	snop  }
0x138: {  	[tilespmem:s23], [sflag:$0x1] =	stream.indirect_vreg.gather [hbm4b:s3+s1], $0x80, v3, vm0, $0xb8;
	[tilespmem:$0x10100] =	vst v63  }
0x139: {  	v3 =	vld [tilespmem:$0x50];
	_ =	sdelay $0x4  }
0x13a: {  	v61 =	vshll.u32 v3, $0x1  }
0x13b: {  	v3 =	vand.u32 $0x7, v3;
	v4 =	vand.u32 $0xFFFFFFF0, v61  }
0x13c: {  	v3 =	vor.u32 v3, v4  }
0x13d: {  	v4 =	vperm.xlane v3, v0;
	_ =	sdelay $0x1  }
0x13e: {  	v3 =	vperm.xlane v3, v2;
	v4 =	vadd.s32 v1, v4;
	_ =	sdelay $0x1  }
0x13f: {  	v3 =	vadd.s32 v1, v3;
	_ =	sdelay $0x2  }
0x140: {  	[tilespmem:s24], [sflag:$0x1] =	stream.indirect_vreg.gather [hbm4b:s3+s1], $0x80, v4, vm0, $0xb8;
	[tilespmem:$0x10100] =	vst v63  }
0x141: {  	_ = 	snop  }
0x142: {  	[tilespmem:s25], [sflag:$0x1] =	stream.indirect_vreg.gather [hbm4b:s3+s1], $0x80, v3, vm0, $0xb8;
	[tilespmem:$0x10100] =	vst v63  }
0x143: {  	v3 =	vld [tilespmem:$0x60];
	_ =	sdelay $0x4  }
0x144: {  	v62 =	vshll.u32 v3, $0x1  }
0x145: {  	v3 =	vand.u32 $0x7, v3;
	v4 =	vand.u32 $0xFFFFFFF0, v62  }
0x146: {  	v3 =	vor.u32 v3, v4  }
0x147: {  	v4 =	vperm.xlane v3, v0;
	_ =	sdelay $0x1  }
0x148: {  	v3 =	vperm.xlane v3, v2;
	v4 =	vadd.s32 v1, v4;
	_ =	sdelay $0x1  }
0x149: {  	v3 =	vadd.s32 v1, v3;
	_ =	sdelay $0x2  }
0x14a: {  	[tilespmem:s26], [sflag:$0x1] =	stream.indirect_vreg.gather [hbm4b:s3+s1], $0x80, v4, vm0, $0xb8;
	[tilespmem:$0x10100] =	vst v63  }
0x14b: {  	_ = 	snop  }
0x14c: {  	[tilespmem:s28], [sflag:$0x1] =	stream.indirect_vreg.gather [hbm4b:s3+s1], $0x80, v3, vm0, $0xb8;
	[tilespmem:$0x10100] =	vst v63  }
0x14d: {  	v3 =	vld [tilespmem:$0x70];
	_ =	sdelay $0x4  }
0x14e: {  	v63 =	vshll.u32 v3, $0x1  }
0x14f: {  	v3 =	vand.u32 $0x7, v3;
	v4 =	vand.u32 $0xFFFFFFF0, v63  }
0x150: {  	v3 =	vor.u32 v3, v4  }
0x151: {  	v4 =	vperm.xlane v3, v0;
	_ =	sdelay $0x1  }
0x152: {  	v3 =	vperm.xlane v3, v2;
	v4 =	vadd.s32 v1, v4;
	_ =	sdelay $0x1  }
0x153: {  	v3 =	vadd.s32 v1, v3  }
.Ltmp8:
0x154: {  	_ = 	snop;
	(pc) =	sbr.rel .LBB2_9-.Ltmp8, $4  }
0x155: {  	_ = 	snop  }
0x156: {  	[tilespmem:s29], [sflag:$0x1] =	stream.indirect_vreg.gather [hbm4b:s3+s1], $0x80, v4, vm0, $0xb8;
	[tilespmem:$0x10100] =	vst v63  }
0x157: {  	_ = 	snop  }
0x158: {  	[tilespmem:s30], [sflag:$0x1] =	stream.indirect_vreg.gather [hbm4b:s3+s1], $0x80, v3, vm0, $0xb8;
	[tilespmem:$0x10100] =	vst v63  }
.LBB2_12:
0x159: {  	_ =	sfence.sel $0x180000  }
0x15a: {  	[bflag:$0x0] =	sbarrier.arrive $0xFFFF  }
0x15b: {  	_ =	strace $0x9000004A  }
0x15c: {  	s0 =	stileid.u32;
	[bflag:$0x2] =	sbarrier.arrive $0xFFFF  }
0x15d: {  	p0 =	sne.s32 s0, $0x0;
	s0 =	rddreg [dreg:$0x1]  }
0x15e: {  	s0 =	sadd.s32 @!p0 $0x100000, s0  }
0x15f: {  	[sflag:s0] =	ssyncadd.tile.s32 @!p0 $0x1;
	_ =	shalt  }
.Lfunc_end2:
_tile_overlayer_lowered:
.L_overlay_start_2:
0x160: {  	(tag) =	ssettag $0x2  }
0x161: {  	s0 =	rddreg [dreg:$0x0];
	s2 =	stileid.u32  }
0x162: {  	s1 =	rddreg [dreg:$0x1];
	p0 =	sne.s32 s2, $0x0  }
0x163: {  	s3 =	rddreg [dreg:$0x2];
	[bflag:$0x3] =	sbarrier.arrive $0xFFFF;
	s2 =	simm.s32 @!p0 $0x1C05  }
0x164: {  	[timem:s3], [sflag:s2] =	dma.local @!p0 [hbm:s0], s1  }
0x165: {  	s0 =	simm.s32 @!p0 $0x5  }
0x166: {  	_ =	swait.ge @!p0 [sflag:s0], s1  }
0x167: {  	s1 =	ssub.s32 @!p0 $0x0, s1;
	[sflag:s0] =	ssyncset.done @!p0 $0x0  }
0x168: {  	[sflag:s0] =	ssyncadd.s32 @!p0 s1  }
0x169: {  	[bflag:$0x3] =	sbarrier.arrive $0xFFFF  }
0x16a: {  	_ =	shalt  }

// kernel: kernel.7.cloned.1.call-start
scs
__scs_entry_jumppad:
0x0: {  	(pc) =	sbr.rel $0x88, $3  }
0x1: {  	(tag) =	ssettag $0x0;
	lr =	simm.s32 $0x1  }
0x2: {  	[smem:$0x3F9F] =	sst lr;
	_ =	strace $0xD0000000  }
0x3: {  	_ = 	snop  }
0x4: {  	_ = 	snop  }
0x5: {  	_ = 	snop  }
0x6: {  	_ = 	snop  }
0x7: {  	_ = 	snop  }
__scs_overlays_trampoline_lowered:
0x8: {  	[smem:$0x3FAE] =	sst s0  }
0x9: {  	[smem:$0x3FAF] =	sst s1  }
0xa: {  	[smem:$0x3FB0] =	sst s2  }
0xb: {  	[smem:$0x3FB1] =	sst s3  }
0xc: {  	[smem:$0x3FB2] =	sst s4  }
0xd: {  	[smem:$0x3FB3] =	sst s5  }
0xe: {  	[smem:$0x3FB4] =	sst s6  }
0xf: {  	[smem:$0x3FB5] =	sst s7  }
0x10: {  	[smem:$0x3FB6] =	sst s8  }
0x11: {  	[smem:$0x3FB7] =	sst s9;
	s0 =	simm.s32 @!p0 $0x0  }
0x12: {  	s1 =	sld [smem:$0x3F9D];
	s0 =	simm.s32 @p0 $0x1  }
0x13: {  	[smem:$0x3FB8] =	sst s0;
	s0 =	simm.s32 @!p1 $0x0  }
0x14: {  	s2 =	sld [smem:$0x3F9C];
	s0 =	simm.s32 @p1 $0x1  }
0x15: {  	[smem:$0x3FB9] =	sst s0;
	s0 =	simm.s32 @!p2 $0x0  }
0x16: {  	s3 =	sld [smem:$0x3FDB];
	s0 =	simm.s32 @p2 $0x1  }
0x17: {  	s4 =	simm.s32 $0x1BF5;
	[smem:$0x3FBB] =	sst s0  }
0x18: {  	s0 =	sld [smem:$0x3F9E];
	_ =	swait.ge [sflag:s4], $0x0  }
0x19: {  	s7 =	sld [smem:$0x3F9F]  }
0x1a: {  	s8 =	sadd.s32 $0xFFFFE003, lr  }
0x1b: {  	s9 =	sadd.s32 $0xFFFFFEF7, lr;
	s5 =	simm.s32 $0xFFFFFFFF;
	p2 =	slt.u32 s8, $0xFFFFF086  }
0x1c: {  	p1 =	slt.u32 s9, $0xF7A;
	s5 =	simm.s32 @!p2 $0x0  }
0x1d: {  	s5 =	simm.s32 @p1 $0x1;
	p0 =	seq.s32 s7, s2  }
0x1e: {  	s7 =	smul.u32 @!p0 $0xF7A, s2;
	p2 =	seq.s32 @!p0 s5, $0x0  }
0x1f: {  	s9 =	smul.u32 $0xF7A, s1;
	s8 =	simm.s32 @!p0 $0x1BF5;
	p2 =	por !p2, p0  }
0x20: {  	[sflag:s8] =	ssyncset.s32 @!p0 $0xFFFFF086;
	s6 =	sadd.s32 @!p0 s3, s7;
	s7 =	simm.s32 @!p0 $0x108  }
0x21: {  	s3 =	sadd.s32 s3, s9;
	s6 =	sadd.s32 @!p0 $0x88, s6;
	s7 =	simm.s32 @p2 $0x1082  }
0x22: {  	[simem:s7], [sflag:s8] =	dma.local @!p0 [hbm:s6], $0xF7A  }
0x23: {  	s9 =	sor.u32 $0xD0000000, s2;
	s6 =	simm.s32 $0x108;
	_ =	swait.ge @!p0 [sflag:s8], $0x0  }
0x24: {  	s3 =	sadd.s32 $0x88, s3;
	s6 =	simm.s32 @!p1 $0x1082;
	[sflag:s4] =	ssyncset.s32 $0xFFFFF086  }
0x25: {  	[simem:s6], [sflag:s4] =	dma.local [hbm:s3], $0xF7A  }
0x26: {  	[smem:$0x3F9F] =	sst s1;
	(tag) =	ssettag s2;
	_ =	strace s9  }
0x27: {  	s1 =	sld [smem:$0x3FAF]  }
0x28: {  	s2 =	sld [smem:$0x3FB0]  }
0x29: {  	s4 =	sld [smem:$0x3FB2]  }
0x2a: {  	p0 =	seq.s32 s5, $0x0;
	s5 =	sld [smem:$0x3FB3]  }
0x2b: {  	s6 =	sld [smem:$0x3FB4]  }
0x2c: {  	s7 =	sld [smem:$0x3FB5]  }
0x2d: {  	s3 =	simm.s32 $0x108;
	s8 =	sld [smem:$0x3FB6]  }
0x2e: {  	s3 =	simm.s32 @!p0 $0x1082;
	s9 =	sld [smem:$0x3FB7]  }
0x2f: {  	lr =	sadd.s32 s0, s3;
	s0 =	sld [smem:$0x3FAE]  }
0x30: {  	s3 =	sld [smem:$0x3FB1]  }
0x31: {  	[smem:$0x3FBA] =	sst s10  }
0x32: {  	s10 =	sld [smem:$0x3FB8];
	_ =	sdelay $0x3  }
0x33: {  	p0 =	seq.s32 s10, $0x1;
	s10 =	sld [smem:$0x3FBA];
	_ =	sdelay $0x3  }
0x34: {  	[smem:$0x3FBA] =	sst s10  }
0x35: {  	s10 =	sld [smem:$0x3FB9];
	_ =	sdelay $0x3  }
0x36: {  	p1 =	seq.s32 s10, $0x1;
	s10 =	sld [smem:$0x3FBA];
	_ =	sdelay $0x3  }
0x37: {  	[smem:$0x3FBA] =	sst s10  }
0x38: {  	s10 =	sld [smem:$0x3FBB]  }
0x39: {  	_ = 	snop;
	(pc) =	sbr.ind lr, $3  }
0x3a: {  	_ = 	snop  }
0x3b: {  	_ = 	snop  }
0x3c: {  	p2 =	seq.s32 s10, $0x1;
	s10 =	sld [smem:$0x3FBA]  }
0x3d: {  	_ =	shalt  }
0x3e: {  	_ =	shalt  }
0x3f: {  	_ =	shalt  }
0x40: {  	_ =	shalt  }
0x41: {  	_ =	shalt  }
0x42: {  	_ =	shalt  }
0x43: {  	_ =	shalt  }
0x44: {  	_ =	shalt  }
0x45: {  	_ =	shalt  }
0x46: {  	_ =	shalt  }
0x47: {  	_ =	shalt  }
0x48: {  	_ =	shalt  }
0x49: {  	_ =	shalt  }
0x4a: {  	_ =	shalt  }
0x4b: {  	_ =	shalt  }
0x4c: {  	_ =	shalt  }
0x4d: {  	_ =	shalt  }
0x4e: {  	_ =	shalt  }
0x4f: {  	_ =	shalt  }
0x50: {  	_ =	shalt  }
0x51: {  	_ =	shalt  }
0x52: {  	_ =	shalt  }
0x53: {  	_ =	shalt  }
0x54: {  	_ =	shalt  }
0x55: {  	_ =	shalt  }
0x56: {  	_ =	shalt  }
0x57: {  	_ =	shalt  }
0x58: {  	_ =	shalt  }
0x59: {  	_ =	shalt  }
0x5a: {  	_ =	shalt  }
0x5b: {  	_ =	shalt  }
0x5c: {  	_ =	shalt  }
0x5d: {  	_ =	shalt  }
0x5e: {  	_ =	shalt  }
0x5f: {  	_ =	shalt  }
0x60: {  	_ =	shalt  }
0x61: {  	_ =	shalt  }
0x62: {  	_ =	shalt  }
0x63: {  	_ =	shalt  }
0x64: {  	_ =	shalt  }
0x65: {  	_ =	shalt  }
0x66: {  	_ =	shalt  }
0x67: {  	_ =	shalt  }
0x68: {  	_ =	shalt  }
0x69: {  	_ =	shalt  }
0x6a: {  	_ =	shalt  }
0x6b: {  	_ =	shalt  }
0x6c: {  	_ =	shalt  }
0x6d: {  	_ =	shalt  }
0x6e: {  	_ =	shalt  }
0x6f: {  	_ =	shalt  }
0x70: {  	_ =	shalt  }
0x71: {  	_ =	shalt  }
0x72: {  	_ =	shalt  }
0x73: {  	_ =	shalt  }
0x74: {  	_ =	shalt  }
0x75: {  	_ =	shalt  }
0x76: {  	_ =	shalt  }
0x77: {  	_ =	shalt  }
0x78: {  	_ =	shalt  }
0x79: {  	_ =	shalt  }
0x7a: {  	_ =	shalt  }
0x7b: {  	_ =	shalt  }
0x7c: {  	_ =	shalt  }
0x7d: {  	_ =	shalt  }
0x7e: {  	_ =	shalt  }
0x7f: {  	_ =	shalt  }
0x80: {  	_ =	shalt  }
0x81: {  	_ =	shalt  }
0x82: {  	_ =	shalt  }
0x83: {  	_ =	shalt  }
0x84: {  	_ =	shalt  }
0x85: {  	_ =	shalt  }
0x86: {  	_ =	shalt  }
0x87: {  	_ =	shalt  }
.Lfunc_end0:
.L_simem_size_0:
called_computation_lowered:
.L_overlay_start_0:
0x88: {  	s2 =	sld [smem:$0x3FD9]  }
0x89: {  	s3 =	sld [smem:$0x3FFE];
	_ =	sdelay $0x1  }
0x8a: {  	s1 =	srdreg.scid  }
0x8b: {  	s0 =	sand.u32 $0x1, s1  }
0x8c: {  	s16 =	sshll.u32 s0, $0xA;
	s2 =	sadd.s32 s3, s2  }
0x8d: {  	s2 =	sadd.s32 s2, s16  }
0x8e: {  	[smem:$0x3FC6] =	sst s2  }
0x8f: {  	_ = 	snop  }
0x90: {  	(tm) =	ssettm $0x1  }
0x91: {  	s17 =	sld [smem:$0x3FFB];
	_ =	sdelay $0x3  }
0x92: {  	_ =	strace s17  }
0x93: {  	s2 =	sld [smem:$0x3FFC];
	_ =	sdelay $0x3  }
0x94: {  	_ =	strace s2  }
0x95: {  	s2 =	sld [smem:$0x3FFD];
	_ =	sdelay $0x3  }
0x96: {  	_ =	strace s2  }
0x97: {  	_ =	strace $0x8FFFFFFF  }
0x98: {  	s18 =	sld [smem:$0x3FDB];
	_ =	sdelay $0x1  }
0x99: {  	s19 =	simm.s32 $_scs_section_size  }
0x9a: {  	s4 =	simm.s32 $_size__tile_overlayer_lowered;
	s5 =	simm.s32 $_tile_overlayer_lowered  }
0x9b: {  	s22 =	simm.s32 $0x1BFF;
	s21 =	sshll.u32 s5, $0x1;
	s2 =	sadd.s32 s19, s18  }
0x9c: {  	s6 =	simm.s32 $0x0;
	s20 =	sshll.u32 s4, $0x1;
	s4 =	sadd.s32 s21, s2  }
0x9d: {  	[timem:s6], [sflag:s22] =	dma.local [hbm:s4], s20  }
0x9e: {  	_ =	swait.ge [sflag:s22], s20  }
0x9f: {  	s3 =	ssub.s32 $0x0, s20;
	[sflag:s22] =	ssyncset.done $0x0  }
0xa0: {  	[sflag:s22] =	ssyncadd.s32 s3;
	_ =	sdelay $0x1  }
0xa1: {  	s23 =	simm.s32 $0x1B8B  }
0xa2: {  	_ =	swait.ge [sflag:s23], $0x1  }
0xa3: {  	[sflag:s23] =	ssyncset.done $0x0  }
0xa4: {  	s25 =	simm.s32 $0x1B8E;
	s24 =	sld [smem:$0x3FFE];
	[sflag:s23] =	ssyncadd.s32 $0xFFFFFFFF  }
0xa5: {  	s26 =	simm.s32 $execute0_lowered;
	[smem:$0x3FD2] =	sst s25  }
0xa6: {  	s4 =	sshll.u32 s26, $0x1;
	_ =	strace $0x80000046;
	[dreg:$0x1] =	wrdreg $0xFFFFFFFF  }
0xa7: {  	s28 =	simm.s32 $_size_execute0_lowered;
	s2 =	sadd.s32 s2, s4;
	[dreg:$0x0] =	wrdreg $0x0  }
0xa8: {  	s4 =	sshll.u32 s28, $0x1;
	[dreg:$0x2] =	wrdreg s2  }
0xa9: {  	[dreg:$0x3] =	wrdreg s4  }
0xaa: {  	[dreg:$0x4] =	wrdreg $0xC0  }
0xab: {  	_ =	task [dreg:s6], $0x5FFFF  }
0xac: {  	[dreg:$0x1] =	wrdreg $0xFFFFFFFF  }
0xad: {  	[dreg:$0x0] =	wrdreg $0x60  }
0xae: {  	[dreg:$0x2] =	wrdreg s24  }
0xaf: {  	[dreg:$0x3] =	wrdreg $0x9  }
0xb0: {  	_ =	task.clear_ibuf [dreg:s6], $0x4FFFF;
	_ =	strace $0x90000046  }
0xb1: {  	s29 =	simm.s32 $0x9;
	_ =	strace $0x80000048  }
0xb2: {  	_ =	swait.ge [sflag:s29], $0x1  }
0xb3: {  	[sflag:s29] =	ssyncadd.s32 $0xFFFFFFFF  }
0xb4: {  	_ =	strace $0x90000048  }
0xb5: {  	_ =	sfence  }
0xb6: {  	s30 =	sld [smem:$0x0];
	_ =	sdelay $0x2  }
0xb7: {  	s31 =	sshll.u32 s1, $0xD;
	s1 =	sshrl.u32 s1, $0x2  }
0xb8: {  	s3 =	sand.u32 $0x4000, s31;
	s1 =	sadd.s32 s1, s30  }
0xb9: {  	s0 =	sor.u32 s3, s0;
	s1 =	sshll.u32 s1, $0x11  }
0xba: {  	s0 =	sor.u32 s1, s0  }
0xbb: {  	s0 =	sadd.s32 $0x8F2B, s0  }
0xbc: {  	[sflag:s0] =	ssyncadd.remote.s32 $0x1  }
0xbd: {  	_ =	sfence.sel $0xFFFF  }
0xbe: {  	[dreg:$0x0] =	wrdreg $0xFFFFFFFF;
	(pc) =	sbr.abs _section_cstart, $3  }
0xbf: {  	[dreg:$0x1] =	wrdreg $0xFFFFFFFF  }
0xc0: {  	_ =	task.clear_ibuf [dreg:s6], $0x2FFFF;
	_ =	strace $0x9FFFFFFF  }
0xc1: {  	(tm) =	ssettm $0x7FFFFFFF  }
tec
execute0_lowered:
.L_overlay_start_1:
0x0: {  	(tag) =	ssettag $0x1  }
0x1: {  	s0 =	rddreg [dreg:$0x0];
	s1 =	simm.s32 $0x0  }
0x2: {  	s2 =	srdreg.scid;
	s7 =	stileid.u32;
	s12 =	simm.s32 $0x3  }
0x3: {  	s13 =	simm.s32 $0x5;
	s14 =	simm.s32 $0x100;
	s20 =	simm.s32 $0x3100  }
0x4: {  	s21 =	simm.s32 $0x3900;
	s22 =	simm.s32 $0x4100;
	s28 =	simm.s32 $0x6900  }
0x5: {  	s29 =	simm.s32 $0x7100;
	s30 =	simm.s32 $0x7900;
	s31 =	simm.s32 $0x2  }
0x6: {  	[smem:$0x7FF] =	sst s1;
	s3 =	sadd.s32 $0x3800, s0;
	s4 =	sadd.s32 $0x800, s0  }
0x7: {  	s2 =	sand.u32 $0x1, s2;
	s5 =	sadd.s32 $0x283A00, s0;
	s6 =	sshll.u32 s7, $0x1  }
0x8: {  	p0 =	slt.u32 s7, $0x4;
	s7 =	simm.s32 $0xC;
	_ =	strace $0x80000047  }
0x9: {  	s23 =	ssub.s32 $0x2, s2;
	s6 =	sor.u32 s2, s6;
	s7 =	simm.s32 @!p0 $0xB  }
0xa: {  	s2 =	simm.s32 $0x3;
	s24 =	sshrl.u32 s23, $0x1;
	s8 =	sshll.u32 s6, $0x4  }
0xb: {  	s26 =	sand.u32 $0x1, s7;
	s9 =	sshll.u32 s6, $0x7;
	s0 =	ssub.s32 s23, s24  }
.Ltmp0:
0xc: {  	s25 =	sadd.s32 s4, s8;
	p0 =	seq.s32 s26, $0x1;
	(pc) =	sbr.rel .LBB2_1-.Ltmp0, $4  }
0xd: {  	s23 =	simm.s32 $0x4900;
	s24 =	simm.s32 $0x5100;
	s26 =	simm.s32 $0x6100  }
0xe: {  	v2 =	vlaneseq.u32;
	s8 =	simm.s32 $0x0;
	[dreg:$0x2] =	wrdreg s25;
	s0 =	smax.u32 s0, $0x1  }
0xf: {  	vm0 =	vmmov $0xffff;
	v1 =	vshrl.u32 v2, $0x3;
	s2 =	simm.s32 @!p0 $0x4;
	s25 =	simm.s32 $0x5900;
	[dreg:$0x4] =	wrdreg s0  }
0x10: {  	v0 =	vand.u32 $0x7, v2;
	v2 =	vor.u32 $0x8, v2;
	v1 =	vmul.u32 $0x8, v1;
	[dreg:$0x3] =	wrdreg s2;
	s0 =	simm.s32 $0x8100;
	s2 =	simm.s32 $0x1  }
.LBB2_11:
0x11: {  	s10 =	rddreg [dreg:$0x3]  }
0x12: {  	_ =	swait.ge [sflag:s10], $0x8000  }
0x13: {  	s8 =	sadd.s32 $0x1, s8;
	s11 =	rddreg [dreg:$0x4]  }
0x14: {  	p0 =	sne.s32 s8, s11  }
.Ltmp1:
0x15: {  	_ = 	snop;
	(pc) =	sbr.rel @!p0 .LBB2_12-.Ltmp1, $3  }
0x16: {  	_ =	sdelay $0x1  }
0x17: {  	[sflag:s10] =	ssyncset.done $0x0  }
0x18: {  	[sflag:s10] =	ssyncadd.s32 $0xFFFF8000  }
.LBB2_1:
0x19: {  	s10 =	rddreg [dreg:$0x2]  }
0x1a: {  	[tilespmem:s1], [sflag:$0x5] =	stream.linear.gather [hbm4b:s10+s1], $0x80, $0x38;
	[tilespmem:$0x10100] =	vst v63  }
0x1b: {  	_ =	swait.ge [sflag:s13], $0x80  }
0x1c: {  	[sflag:s13] =	ssyncset.done $0x0  }
0x1d: {  	[sflag:s13] =	ssyncadd.s32 $0xFFFFFF80  }
0x1e: {  	v3 =	vld [tilespmem:$0x0];
	_ =	sdelay $0x4  }
0x1f: {  	v4 =	vshll.u32 v3, $0x1  }
0x20: {  	v3 =	vand.u32 $0x7, v3;
	v4 =	vand.u32 $0xFFFFFFF0, v4  }
0x21: {  	v3 =	vor.u32 v3, v4  }
0x22: {  	v4 =	vperm.xlane v3, v0;
	_ =	sdelay $0x1  }
0x23: {  	v3 =	vperm.xlane v3, v2;
	v4 =	vadd.s32 v1, v4;
	_ =	sdelay $0x1  }
0x24: {  	v3 =	vadd.s32 v1, v3;
	_ =	sdelay $0x2  }
0x25: {  	[tilespmem:s14], [sflag:$0x1] =	stream.indirect_vreg.gather [hbm4b:s3+s1], $0x80, v4, vm0, $0xb8;
	[tilespmem:$0x10100] =	vst v63  }
0x26: {  	s15 =	simm.s32 $0x900  }
0x27: {  	[tilespmem:s15], [sflag:$0x1] =	stream.indirect_vreg.gather [hbm4b:s3+s1], $0x80, v3, vm0, $0xb8;
	[tilespmem:$0x10100] =	vst v63  }
0x28: {  	v3 =	vld [tilespmem:$0x10];
	_ =	sdelay $0x4  }
0x29: {  	v57 =	vshll.u32 v3, $0x1  }
0x2a: {  	v3 =	vand.u32 $0x7, v3;
	v4 =	vand.u32 $0xFFFFFFF0, v57  }
0x2b: {  	v3 =	vor.u32 v3, v4  }
0x2c: {  	v4 =	vperm.xlane v3, v0;
	_ =	sdelay $0x1  }
0x2d: {  	v3 =	vperm.xlane v3, v2;
	v4 =	vadd.s32 v1, v4;
	_ =	sdelay $0x1  }
0x2e: {  	v3 =	vadd.s32 v1, v3;
	_ =	sdelay $0x1  }
0x2f: {  	s16 =	simm.s32 $0x1100  }
0x30: {  	[tilespmem:s16], [sflag:$0x1] =	stream.indirect_vreg.gather [hbm4b:s3+s1], $0x80, v4, vm0, $0xb8;
	[tilespmem:$0x10100] =	vst v63  }
0x31: {  	s17 =	simm.s32 $0x1900  }
0x32: {  	[tilespmem:s17], [sflag:$0x1] =	stream.indirect_vreg.gather [hbm4b:s3+s1], $0x80, v3, vm0, $0xb8;
	[tilespmem:$0x10100] =	vst v63  }
0x33: {  	v3 =	vld [tilespmem:$0x20];
	_ =	sdelay $0x4  }
0x34: {  	v58 =	vshll.u32 v3, $0x1  }
0x35: {  	v3 =	vand.u32 $0x7, v3;
	v4 =	vand.u32 $0xFFFFFFF0, v58  }
0x36: {  	v3 =	vor.u32 v3, v4  }
0x37: {  	v4 =	vperm.xlane v3, v0;
	_ =	sdelay $0x1  }
0x38: {  	v3 =	vperm.xlane v3, v2;
	v4 =	vadd.s32 v1, v4;
	_ =	sdelay $0x1  }
0x39: {  	v3 =	vadd.s32 v1, v3;
	_ =	sdelay $0x1  }
0x3a: {  	s18 =	simm.s32 $0x2100  }
0x3b: {  	[tilespmem:s18], [sflag:$0x1] =	stream.indirect_vreg.gather [hbm4b:s3+s1], $0x80, v4, vm0, $0xb8;
	[tilespmem:$0x10100] =	vst v63  }
0x3c: {  	s19 =	simm.s32 $0x2900  }
0x3d: {  	[tilespmem:s19], [sflag:$0x1] =	stream.indirect_vreg.gather [hbm4b:s3+s1], $0x80, v3, vm0, $0xb8;
	[tilespmem:$0x10100] =	vst v63  }
0x3e: {  	v3 =	vld [tilespmem:$0x30];
	_ =	sdelay $0x4  }
0x3f: {  	v59 =	vshll.u32 v3, $0x1  }
0x40: {  	v3 =	vand.u32 $0x7, v3;
	v4 =	vand.u32 $0xFFFFFFF0, v59  }
0x41: {  	v3 =	vor.u32 v3, v4  }
0x42: {  	v4 =	vperm.xlane v3, v0;
	_ =	sdelay $0x1  }
0x43: {  	v3 =	vperm.xlane v3, v2;
	v4 =	vadd.s32 v1, v4;
	_ =	sdelay $0x1  }
0x44: {  	v3 =	vadd.s32 v1, v3;
	_ =	sdelay $0x2  }
0x45: {  	[tilespmem:s20], [sflag:$0x1] =	stream.indirect_vreg.gather [hbm4b:s3+s1], $0x80, v4, vm0, $0xb8;
	[tilespmem:$0x10100] =	vst v63  }
0x46: {  	_ = 	snop  }
0x47: {  	[tilespmem:s21], [sflag:$0x1] =	stream.indirect_vreg.gather [hbm4b:s3+s1], $0x80, v3, vm0, $0xb8;
	[tilespmem:$0x10100] =	vst v63  }
0x48: {  	v3 =	vld [tilespmem:$0x40];
	_ =	sdelay $0x4  }
0x49: {  	v60 =	vshll.u32 v3, $0x1  }
0x4a: {  	v3 =	vand.u32 $0x7, v3;
	v4 =	vand.u32 $0xFFFFFFF0, v60  }
0x4b: {  	v3 =	vor.u32 v3, v4  }
0x4c: {  	v4 =	vperm.xlane v3, v0;
	_ =	sdelay $0x1  }
0x4d: {  	v3 =	vperm.xlane v3, v2;
	v4 =	vadd.s32 v1, v4;
	_ =	sdelay $0x1  }
0x4e: {  	v3 =	vadd.s32 v1, v3;
	_ =	sdelay $0x2  }
0x4f: {  	[tilespmem:s22], [sflag:$0x1] =	stream.indirect_vreg.gather [hbm4b:s3+s1], $0x80, v4, vm0, $0xb8;
	[tilespmem:$0x10100] =	vst v63  }
0x50: {  	_ = 	snop  }
0x51: {  	[tilespmem:s23], [sflag:$0x1] =	stream.indirect_vreg.gather [hbm4b:s3+s1], $0x80, v3, vm0, $0xb8;
	[tilespmem:$0x10100] =	vst v63  }
0x52: {  	v3 =	vld [tilespmem:$0x50];
	_ =	sdelay $0x4  }
0x53: {  	v61 =	vshll.u32 v3, $0x1  }
0x54: {  	v3 =	vand.u32 $0x7, v3;
	v4 =	vand.u32 $0xFFFFFFF0, v61  }
0x55: {  	v3 =	vor.u32 v3, v4  }
0x56: {  	v4 =	vperm.xlane v3, v0;
	_ =	sdelay $0x1  }
0x57: {  	v3 =	vperm.xlane v3, v2;
	v4 =	vadd.s32 v1, v4;
	_ =	sdelay $0x1  }
0x58: {  	v3 =	vadd.s32 v1, v3;
	_ =	sdelay $0x2  }
0x59: {  	[tilespmem:s24], [sflag:$0x1] =	stream.indirect_vreg.gather [hbm4b:s3+s1], $0x80, v4, vm0, $0xb8;
	[tilespmem:$0x10100] =	vst v63  }
0x5a: {  	_ = 	snop  }
0x5b: {  	[tilespmem:s25], [sflag:$0x1] =	stream.indirect_vreg.gather [hbm4b:s3+s1], $0x80, v3, vm0, $0xb8;
	[tilespmem:$0x10100] =	vst v63  }
0x5c: {  	v3 =	vld [tilespmem:$0x60];
	_ =	sdelay $0x4  }
0x5d: {  	v62 =	vshll.u32 v3, $0x1  }
0x5e: {  	v3 =	vand.u32 $0x7, v3;
	v4 =	vand.u32 $0xFFFFFFF0, v62  }
0x5f: {  	v3 =	vor.u32 v3, v4  }
0x60: {  	v4 =	vperm.xlane v3, v0;
	_ =	sdelay $0x1  }
0x61: {  	v3 =	vperm.xlane v3, v2;
	v4 =	vadd.s32 v1, v4;
	_ =	sdelay $0x1  }
0x62: {  	v3 =	vadd.s32 v1, v3;
	_ =	sdelay $0x2  }
0x63: {  	[tilespmem:s26], [sflag:$0x1] =	stream.indirect_vreg.gather [hbm4b:s3+s1], $0x80, v4, vm0, $0xb8;
	[tilespmem:$0x10100] =	vst v63  }
0x64: {  	_ = 	snop  }
0x65: {  	[tilespmem:s28], [sflag:$0x1] =	stream.indirect_vreg.gather [hbm4b:s3+s1], $0x80, v3, vm0, $0xb8;
	[tilespmem:$0x10100] =	vst v63  }
0x66: {  	v3 =	vld [tilespmem:$0x70];
	_ =	sdelay $0x4  }
0x67: {  	v63 =	vshll.u32 v3, $0x1  }
0x68: {  	v3 =	vand.u32 $0x7, v3;
	v4 =	vand.u32 $0xFFFFFFF0, v63  }
0x69: {  	v3 =	vor.u32 v3, v4  }
0x6a: {  	v4 =	vperm.xlane v3, v0;
	_ =	sdelay $0x1  }
0x6b: {  	v3 =	vperm.xlane v3, v2;
	v4 =	vadd.s32 v1, v4;
	_ =	sdelay $0x1  }
0x6c: {  	v3 =	vadd.s32 v1, v3  }
.Ltmp2:
0x6d: {  	_ = 	snop;
	(pc) =	sbr.rel .LBB2_2-.Ltmp2, $4  }
0x6e: {  	_ = 	snop  }
0x6f: {  	[tilespmem:s29], [sflag:$0x1] =	stream.indirect_vreg.gather [hbm4b:s3+s1], $0x80, v4, vm0, $0xb8;
	[tilespmem:$0x10100] =	vst v63  }
0x70: {  	s10 =	simm.s32 $0x0  }
0x71: {  	[tilespmem:s30], [sflag:$0x1] =	stream.indirect_vreg.gather [hbm4b:s3+s1], $0x80, v3, vm0, $0xb8;
	[tilespmem:$0x10100] =	vst v63  }
.LBB2_8:
0x72: {  	_ =	swait.ge [sflag:s12], $0x8000  }
0x73: {  	[sflag:s12] =	ssyncset.done $0x0  }
0x74: {  	[sflag:s12] =	ssyncadd.s32 $0xFFFF8000  }
0x75: {  	_ =	swait.ge [sflag:s31], $0x8000  }
0x76: {  	[sflag:s31] =	ssyncset.done $0x0  }
0x77: {  	[sflag:s31] =	ssyncadd.s32 $0xFFFF8000  }
.LBB2_9:
0x78: {  	s10 =	sshll.u32 s11, $0xC  }
0x79: {  	s10 =	sadd.s32 s5, s10  }
0x7a: {  	[hbm4b:s10+s1] =	stream.linear.scatter [tilespmem:s0], [sflag:$0x4], $0x8000, $0x38;
	[tilespmem:$0x10100] =	vst v63  }
.LBB2_10:
0x7b: {  	p0 =	sne.s32 s15, s7  }
.Ltmp3:
0x7c: {  	_ = 	snop;
	(pc) =	sbr.rel @!p0 .LBB2_11-.Ltmp3, $2  }
0x7d: {  	_ =	sdelay $0x2  }
0x7e: {  	s10 =	smov.u32 s15  }
.LBB2_2:
0x7f: {  	s16 =	sand.u32 $0x1, s10  }
0x80: {  	p0 =	seq.s32 s16, $0x1  }
.Ltmp4:
0x81: {  	_ = 	snop;
	(pc) =	sbr.rel @p0 .LBB2_6-.Ltmp4, $3  }
0x82: {  	_ =	sdelay $0x1  }
0x83: {  	s11 =	sshll.u32 s10, $0x5  }
0x84: {  	s11 =	sor.u32 s6, s11  }
0x85: {  	s15 =	sor.u32 $0x1, s10  }
0x86: {  	p0 =	sge.u32 s15, s7  }
0x87: {  	s17 =	sshll.u32 @!p0 s15, $0xC  }
0x88: {  	s17 =	sor.u32 @!p0 s9, s17  }
0x89: {  	s17 =	sshrl.u32 @!p0 s17, $0x3  }
0x8a: {  	s18 =	simm.s32 @!p0 $0x0;
	s19 =	simm.s32 @!p0 $0x80;
	s17 =	sadd.s32 @!p0 s4, s17  }
0x8b: {  	[tilespmem:s19], [sflag:$0x5] =	stream.linear.gather @!p0 [hbm4b:s17+s18], $0x80, $0x38;
	[tilespmem:$0x10100] =	vst v63  }
0x8c: {  	s17 =	simm.s32 @!p0 $0x5  }
0x8d: {  	_ =	swait.ge @!p0 [sflag:s17], $0x80  }
0x8e: {  	p1 =	seq.s32 s10, $0x0;
	[sflag:s17] =	ssyncset.done @!p0 $0x0  }
0x8f: {  	[sflag:s17] =	ssyncadd.s32 @!p0 $0xFFFFFF80;
	s17 =	simm.s32 @!p1 $0x4  }
0x90: {  	_ =	swait.ge @!p1 [sflag:s17], $0x8000  }
.Ltmp5:
0x91: {  	[sflag:s17] =	ssyncset.done @!p1 $0x0;
	(pc) =	sbr.rel @p0 .LBB2_5-.Ltmp5, $4  }
0x92: {  	[sflag:s17] =	ssyncadd.s32 @!p1 $0xFFFF8000  }
0x93: {  	_ =	swait.ge [sflag:s2], $0x8000  }
0x94: {  	[sflag:s2] =	ssyncset.done $0x0  }
0x95: {  	[sflag:s2] =	ssyncadd.s32 $0xFFFF8000  }
0x96: {  	v3 =	vld [tilespmem:$0x80];
	_ =	sdelay $0x4  }
0x97: {  	v4 =	vshll.u32 v3, $0x1  }
0x98: {  	v3 =	vand.u32 $0x7, v3;
	v4 =	vand.u32 $0xFFFFFFF0, v4  }
0x99: {  	v3 =	vor.u32 v3, v4  }
0x9a: {  	v4 =	vperm.xlane v3, v0;
	_ =	sdelay $0x1  }
0x9b: {  	v3 =	vperm.xlane v3, v2;
	v4 =	vadd.s32 v1, v4;
	_ =	sdelay $0x1  }
0x9c: {  	v3 =	vadd.s32 v1, v3;
	_ =	sdelay $0x2  }
0x9d: {  	[tilespmem:s0], [sflag:$0x2] =	stream.indirect_vreg.gather [hbm4b:s3+s1], $0x80, v4, vm0, $0xb8;
	[tilespmem:$0x10100] =	vst v63  }
0x9e: {  	s17 =	simm.s32 $0x8900  }
0x9f: {  	[tilespmem:s17], [sflag:$0x2] =	stream.indirect_vreg.gather [hbm4b:s3+s1], $0x80, v3, vm0, $0xb8;
	[tilespmem:$0x10100] =	vst v63  }
0xa0: {  	v3 =	vld [tilespmem:$0x90];
	_ =	sdelay $0x4  }
0xa1: {  	v57 =	vshll.u32 v3, $0x1  }
0xa2: {  	v3 =	vand.u32 $0x7, v3;
	v4 =	vand.u32 $0xFFFFFFF0, v57  }
0xa3: {  	v3 =	vor.u32 v3, v4  }
0xa4: {  	v4 =	vperm.xlane v3, v0;
	_ =	sdelay $0x1  }
0xa5: {  	v3 =	vperm.xlane v3, v2;
	v4 =	vadd.s32 v1, v4;
	_ =	sdelay $0x1  }
0xa6: {  	v3 =	vadd.s32 v1, v3;
	_ =	sdelay $0x1  }
0xa7: {  	s18 =	simm.s32 $0x9100  }
0xa8: {  	[tilespmem:s18], [sflag:$0x2] =	stream.indirect_vreg.gather [hbm4b:s3+s1], $0x80, v4, vm0, $0xb8;
	[tilespmem:$0x10100] =	vst v63  }
0xa9: {  	s19 =	simm.s32 $0x9900  }
0xaa: {  	[tilespmem:s19], [sflag:$0x2] =	stream.indirect_vreg.gather [hbm4b:s3+s1], $0x80, v3, vm0, $0xb8;
	[tilespmem:$0x10100] =	vst v63  }
0xab: {  	v3 =	vld [tilespmem:$0xA0];
	_ =	sdelay $0x4  }
0xac: {  	v58 =	vshll.u32 v3, $0x1  }
0xad: {  	v3 =	vand.u32 $0x7, v3;
	v4 =	vand.u32 $0xFFFFFFF0, v58  }
0xae: {  	v3 =	vor.u32 v3, v4  }
0xaf: {  	v4 =	vperm.xlane v3, v0;
	_ =	sdelay $0x1  }
0xb0: {  	v3 =	vperm.xlane v3, v2;
	v4 =	vadd.s32 v1, v4;
	_ =	sdelay $0x1  }
0xb1: {  	v3 =	vadd.s32 v1, v3;
	_ =	sdelay $0x1  }
0xb2: {  	s18 =	simm.s32 $0xA100  }
0xb3: {  	[tilespmem:s18], [sflag:$0x2] =	stream.indirect_vreg.gather [hbm4b:s3+s1], $0x80, v4, vm0, $0xb8;
	[tilespmem:$0x10100] =	vst v63  }
0xb4: {  	s19 =	simm.s32 $0xA900  }
0xb5: {  	[tilespmem:s19], [sflag:$0x2] =	stream.indirect_vreg.gather [hbm4b:s3+s1], $0x80, v3, vm0, $0xb8;
	[tilespmem:$0x10100] =	vst v63  }
0xb6: {  	v3 =	vld [tilespmem:$0xB0];
	_ =	sdelay $0x4  }
0xb7: {  	v59 =	vshll.u32 v3, $0x1  }
0xb8: {  	v3 =	vand.u32 $0x7, v3;
	v4 =	vand.u32 $0xFFFFFFF0, v59  }
0xb9: {  	v3 =	vor.u32 v3, v4  }
0xba: {  	v4 =	vperm.xlane v3, v0;
	_ =	sdelay $0x1  }
0xbb: {  	v3 =	vperm.xlane v3, v2;
	v4 =	vadd.s32 v1, v4;
	_ =	sdelay $0x1  }
0xbc: {  	v3 =	vadd.s32 v1, v3;
	_ =	sdelay $0x1  }
0xbd: {  	s18 =	simm.s32 $0xB100  }
0xbe: {  	[tilespmem:s18], [sflag:$0x2] =	stream.indirect_vreg.gather [hbm4b:s3+s1], $0x80, v4, vm0, $0xb8;
	[tilespmem:$0x10100] =	vst v63  }
0xbf: {  	s19 =	simm.s32 $0xB900  }
0xc0: {  	[tilespmem:s19], [sflag:$0x2] =	stream.indirect_vreg.gather [hbm4b:s3+s1], $0x80, v3, vm0, $0xb8;
	[tilespmem:$0x10100] =	vst v63  }
0xc1: {  	v3 =	vld [tilespmem:$0xC0];
	_ =	sdelay $0x4  }
0xc2: {  	v60 =	vshll.u32 v3, $0x1  }
0xc3: {  	v3 =	vand.u32 $0x7, v3;
	v4 =	vand.u32 $0xFFFFFFF0, v60  }
0xc4: {  	v3 =	vor.u32 v3, v4  }
0xc5: {  	v4 =	vperm.xlane v3, v0;
	_ =	sdelay $0x1  }
0xc6: {  	v3 =	vperm.xlane v3, v2;
	v4 =	vadd.s32 v1, v4;
	_ =	sdelay $0x1  }
0xc7: {  	v3 =	vadd.s32 v1, v3;
	_ =	sdelay $0x1  }
0xc8: {  	s18 =	simm.s32 $0xC100  }
0xc9: {  	[tilespmem:s18], [sflag:$0x2] =	stream.indirect_vreg.gather [hbm4b:s3+s1], $0x80, v4, vm0, $0xb8;
	[tilespmem:$0x10100] =	vst v63  }
0xca: {  	s19 =	simm.s32 $0xC900  }
0xcb: {  	[tilespmem:s19], [sflag:$0x2] =	stream.indirect_vreg.gather [hbm4b:s3+s1], $0x80, v3, vm0, $0xb8;
	[tilespmem:$0x10100] =	vst v63  }
0xcc: {  	v3 =	vld [tilespmem:$0xD0];
	_ =	sdelay $0x4  }
0xcd: {  	v61 =	vshll.u32 v3, $0x1  }
0xce: {  	v3 =	vand.u32 $0x7, v3;
	v4 =	vand.u32 $0xFFFFFFF0, v61  }
0xcf: {  	v3 =	vor.u32 v3, v4  }
0xd0: {  	v4 =	vperm.xlane v3, v0;
	_ =	sdelay $0x1  }
0xd1: {  	v3 =	vperm.xlane v3, v2;
	v4 =	vadd.s32 v1, v4;
	_ =	sdelay $0x1  }
0xd2: {  	v3 =	vadd.s32 v1, v3;
	_ =	sdelay $0x1  }
0xd3: {  	s18 =	simm.s32 $0xD100  }
0xd4: {  	[tilespmem:s18], [sflag:$0x2] =	stream.indirect_vreg.gather [hbm4b:s3+s1], $0x80, v4, vm0, $0xb8;
	[tilespmem:$0x10100] =	vst v63  }
0xd5: {  	s19 =	simm.s32 $0xD900  }
0xd6: {  	[tilespmem:s19], [sflag:$0x2] =	stream.indirect_vreg.gather [hbm4b:s3+s1], $0x80, v3, vm0, $0xb8;
	[tilespmem:$0x10100] =	vst v63  }
0xd7: {  	v3 =	vld [tilespmem:$0xE0];
	_ =	sdelay $0x4  }
0xd8: {  	v62 =	vshll.u32 v3, $0x1  }
0xd9: {  	v3 =	vand.u32 $0x7, v3;
	v4 =	vand.u32 $0xFFFFFFF0, v62  }
0xda: {  	v3 =	vor.u32 v3, v4  }
0xdb: {  	v4 =	vperm.xlane v3, v0;
	_ =	sdelay $0x1  }
0xdc: {  	v3 =	vperm.xlane v3, v2;
	v4 =	vadd.s32 v1, v4;
	_ =	sdelay $0x1  }
0xdd: {  	v3 =	vadd.s32 v1, v3;
	_ =	sdelay $0x1  }
0xde: {  	s18 =	simm.s32 $0xE100  }
0xdf: {  	[tilespmem:s18], [sflag:$0x2] =	stream.indirect_vreg.gather [hbm4b:s3+s1], $0x80, v4, vm0, $0xb8;
	[tilespmem:$0x10100] =	vst v63  }
0xe0: {  	s19 =	simm.s32 $0xE900  }
0xe1: {  	[tilespmem:s19], [sflag:$0x2] =	stream.indirect_vreg.gather [hbm4b:s3+s1], $0x80, v3, vm0, $0xb8;
	[tilespmem:$0x10100] =	vst v63  }
0xe2: {  	v3 =	vld [tilespmem:$0xF0];
	_ =	sdelay $0x4  }
0xe3: {  	v63 =	vshll.u32 v3, $0x1  }
0xe4: {  	v3 =	vand.u32 $0x7, v3;
	v4 =	vand.u32 $0xFFFFFFF0, v63  }
0xe5: {  	v3 =	vor.u32 v3, v4  }
0xe6: {  	v4 =	vperm.xlane v3, v0;
	_ =	sdelay $0x1  }
0xe7: {  	v3 =	vperm.xlane v3, v2;
	v4 =	vadd.s32 v1, v4;
	_ =	sdelay $0x1  }
0xe8: {  	v3 =	vadd.s32 v1, v3;
	_ =	sdelay $0x1  }
0xe9: {  	s18 =	simm.s32 $0xF100  }
0xea: {  	[tilespmem:s18], [sflag:$0x2] =	stream.indirect_vreg.gather [hbm4b:s3+s1], $0x80, v4, vm0, $0xb8;
	[tilespmem:$0x10100] =	vst v63  }
0xeb: {  	s19 =	simm.s32 $0xF900  }
0xec: {  	[tilespmem:s19], [sflag:$0x2] =	stream.indirect_vreg.gather [hbm4b:s3+s1], $0x80, v3, vm0, $0xb8;
	[tilespmem:$0x10100] =	vst v63  }
.LBB2_5:
0xed: {  	p0 =	seq.s32 s16, $0x0  }
.Ltmp6:
0xee: {  	_ = 	snop;
	(pc) =	sbr.rel @p0 .LBB2_10-.Ltmp6, $4  }
0xef: {  	s17 =	sshll.u32 s11, $0xC  }
0xf0: {  	s17 =	sand.u32 $0x1FFDF000, s17  }
0xf1: {  	s17 =	sadd.s32 s5, s17  }
0xf2: {  	[hbm4b:s17+s1] =	stream.linear.scatter [tilespmem:s14], [sflag:$0x3], $0x8000, $0x38;
	[tilespmem:$0x10100] =	vst v63  }
.LBB2_6:
0xf3: {  	s15 =	sadd.s32 $0x1, s10  }
0xf4: {  	p0 =	sge.u32 s15, s7  }
.Ltmp7:
0xf5: {  	_ = 	snop;
	(pc) =	sbr.rel @p0 .LBB2_8-.Ltmp7, $1  }
0xf6: {  	_ =	sdelay $0x3  }
0xf7: {  	s10 =	sshll.u32 s15, $0xC  }
0xf8: {  	s10 =	sor.u32 s9, s10  }
0xf9: {  	s10 =	sshrl.u32 s10, $0x3  }
0xfa: {  	s10 =	sadd.s32 s4, s10  }
0xfb: {  	[tilespmem:s1], [sflag:$0x5] =	stream.linear.gather [hbm4b:s10+s1], $0x80, $0x38;
	[tilespmem:$0x10100] =	vst v63  }
0xfc: {  	_ =	swait.ge [sflag:s13], $0x80  }
0xfd: {  	[sflag:s13] =	ssyncset.done $0x0  }
0xfe: {  	[sflag:s13] =	ssyncadd.s32 $0xFFFFFF80  }
0xff: {  	_ =	swait.ge [sflag:s12], $0x8000  }
0x100: {  	[sflag:s12] =	ssyncset.done $0x0  }
0x101: {  	[sflag:s12] =	ssyncadd.s32 $0xFFFF8000  }
0x102: {  	_ =	swait.ge [sflag:s31], $0x8000  }
0x103: {  	[sflag:s31] =	ssyncset.done $0x0  }
0x104: {  	[sflag:s31] =	ssyncadd.s32 $0xFFFF8000  }
0x105: {  	v3 =	vld [tilespmem:$0x0];
	_ =	sdelay $0x4  }
0x106: {  	v4 =	vshll.u32 v3, $0x1  }
0x107: {  	v3 =	vand.u32 $0x7, v3;
	v4 =	vand.u32 $0xFFFFFFF0, v4  }
0x108: {  	v3 =	vor.u32 v3, v4  }
0x109: {  	v4 =	vperm.xlane v3, v0;
	_ =	sdelay $0x1  }
0x10a: {  	v3 =	vperm.xlane v3, v2;
	v4 =	vadd.s32 v1, v4;
	_ =	sdelay $0x1  }
0x10b: {  	v3 =	vadd.s32 v1, v3;
	_ =	sdelay $0x2  }
0x10c: {  	[tilespmem:s14], [sflag:$0x1] =	stream.indirect_vreg.gather [hbm4b:s3+s1], $0x80, v4, vm0, $0xb8;
	[tilespmem:$0x10100] =	vst v63  }
0x10d: {  	s19 =	simm.s32 $0x900  }
0x10e: {  	[tilespmem:s19], [sflag:$0x1] =	stream.indirect_vreg.gather [hbm4b:s3+s1], $0x80, v3, vm0, $0xb8;
	[tilespmem:$0x10100] =	vst v63  }
0x10f: {  	v3 =	vld [tilespmem:$0x10];
	_ =	sdelay $0x4  }
0x110: {  	v57 =	vshll.u32 v3, $0x1  }
0x111: {  	v3 =	vand.u32 $0x7, v3;
	v4 =	vand.u32 $0xFFFFFFF0, v57  }
0x112: {  	v3 =	vor.u32 v3, v4  }
0x113: {  	v4 =	vperm.xlane v3, v0;
	_ =	sdelay $0x1  }
0x114: {  	v3 =	vperm.xlane v3, v2;
	v4 =	vadd.s32 v1, v4;
	_ =	sdelay $0x1  }
0x115: {  	v3 =	vadd.s32 v1, v3;
	_ =	sdelay $0x1  }
0x116: {  	s16 =	simm.s32 $0x1100  }
0x117: {  	[tilespmem:s16], [sflag:$0x1] =	stream.indirect_vreg.gather [hbm4b:s3+s1], $0x80, v4, vm0, $0xb8;
	[tilespmem:$0x10100] =	vst v63  }
0x118: {  	s17 =	simm.s32 $0x1900  }
0x119: {  	[tilespmem:s17], [sflag:$0x1] =	stream.indirect_vreg.gather [hbm4b:s3+s1], $0x80, v3, vm0, $0xb8;
	[tilespmem:$0x10100] =	vst v63  }
0x11a: {  	v3 =	vld [tilespmem:$0x20];
	_ =	sdelay $0x4  }
0x11b: {  	v58 =	vshll.u32 v3, $0x1  }
0x11c: {  	v3 =	vand.u32 $0x7, v3;
	v4 =	vand.u32 $0xFFFFFFF0, v58  }
0x11d: {  	v3 =	vor.u32 v3, v4  }
0x11e: {  	v4 =	vperm.xlane v3, v0;
	_ =	sdelay $0x1  }
0x11f: {  	v3 =	vperm.xlane v3, v2;
	v4 =	vadd.s32 v1, v4;
	_ =	sdelay $0x1  }
0x120: {  	v3 =	vadd.s32 v1, v3;
	_ =	sdelay $0x1  }
0x121: {  	s18 =	simm.s32 $0x2100  }
0x122: {  	[tilespmem:s18], [sflag:$0x1] =	stream.indirect_vreg.gather [hbm4b:s3+s1], $0x80, v4, vm0, $0xb8;
	[tilespmem:$0x10100] =	vst v63  }
0x123: {  	s19 =	simm.s32 $0x2900  }
0x124: {  	[tilespmem:s19], [sflag:$0x1] =	stream.indirect_vreg.gather [hbm4b:s3+s1], $0x80, v3, vm0, $0xb8;
	[tilespmem:$0x10100] =	vst v63  }
0x125: {  	v3 =	vld [tilespmem:$0x30];
	_ =	sdelay $0x4  }
0x126: {  	v59 =	vshll.u32 v3, $0x1  }
0x127: {  	v3 =	vand.u32 $0x7, v3;
	v4 =	vand.u32 $0xFFFFFFF0, v59  }
0x128: {  	v3 =	vor.u32 v3, v4  }
0x129: {  	v4 =	vperm.xlane v3, v0;
	_ =	sdelay $0x1  }
0x12a: {  	v3 =	vperm.xlane v3, v2;
	v4 =	vadd.s32 v1, v4;
	_ =	sdelay $0x1  }
0x12b: {  	v3 =	vadd.s32 v1, v3;
	_ =	sdelay $0x2  }
0x12c: {  	[tilespmem:s20], [sflag:$0x1] =	stream.indirect_vreg.gather [hbm4b:s3+s1], $0x80, v4, vm0, $0xb8;
	[tilespmem:$0x10100] =	vst v63  }
0x12d: {  	_ = 	snop  }
0x12e: {  	[tilespmem:s21], [sflag:$0x1] =	stream.indirect_vreg.gather [hbm4b:s3+s1], $0x80, v3, vm0, $0xb8;
	[tilespmem:$0x10100] =	vst v63  }
0x12f: {  	v3 =	vld [tilespmem:$0x40];
	_ =	sdelay $0x4  }
0x130: {  	v60 =	vshll.u32 v3, $0x1  }
0x131: {  	v3 =	vand.u32 $0x7, v3;
	v4 =	vand.u32 $0xFFFFFFF0, v60  }
0x132: {  	v3 =	vor.u32 v3, v4  }
0x133: {  	v4 =	vperm.xlane v3, v0;
	_ =	sdelay $0x1  }
0x134: {  	v3 =	vperm.xlane v3, v2;
	v4 =	vadd.s32 v1, v4;
	_ =	sdelay $0x1  }
0x135: {  	v3 =	vadd.s32 v1, v3;
	_ =	sdelay $0x2  }
0x136: {  	[tilespmem:s22], [sflag:$0x1] =	stream.indirect_vreg.gather [hbm4b:s3+s1], $0x80, v4, vm0, $0xb8;
	[tilespmem:$0x10100] =	vst v63  }
0x137: {  	_ = 	snop  }
0x138: {  	[tilespmem:s23], [sflag:$0x1] =	stream.indirect_vreg.gather [hbm4b:s3+s1], $0x80, v3, vm0, $0xb8;
	[tilespmem:$0x10100] =	vst v63  }
0x139: {  	v3 =	vld [tilespmem:$0x50];
	_ =	sdelay $0x4  }
0x13a: {  	v61 =	vshll.u32 v3, $0x1  }
0x13b: {  	v3 =	vand.u32 $0x7, v3;
	v4 =	vand.u32 $0xFFFFFFF0, v61  }
0x13c: {  	v3 =	vor.u32 v3, v4  }
0x13d: {  	v4 =	vperm.xlane v3, v0;
	_ =	sdelay $0x1  }
0x13e: {  	v3 =	vperm.xlane v3, v2;
	v4 =	vadd.s32 v1, v4;
	_ =	sdelay $0x1  }
0x13f: {  	v3 =	vadd.s32 v1, v3;
	_ =	sdelay $0x2  }
0x140: {  	[tilespmem:s24], [sflag:$0x1] =	stream.indirect_vreg.gather [hbm4b:s3+s1], $0x80, v4, vm0, $0xb8;
	[tilespmem:$0x10100] =	vst v63  }
0x141: {  	_ = 	snop  }
0x142: {  	[tilespmem:s25], [sflag:$0x1] =	stream.indirect_vreg.gather [hbm4b:s3+s1], $0x80, v3, vm0, $0xb8;
	[tilespmem:$0x10100] =	vst v63  }
0x143: {  	v3 =	vld [tilespmem:$0x60];
	_ =	sdelay $0x4  }
0x144: {  	v62 =	vshll.u32 v3, $0x1  }
0x145: {  	v3 =	vand.u32 $0x7, v3;
	v4 =	vand.u32 $0xFFFFFFF0, v62  }
0x146: {  	v3 =	vor.u32 v3, v4  }
0x147: {  	v4 =	vperm.xlane v3, v0;
	_ =	sdelay $0x1  }
0x148: {  	v3 =	vperm.xlane v3, v2;
	v4 =	vadd.s32 v1, v4;
	_ =	sdelay $0x1  }
0x149: {  	v3 =	vadd.s32 v1, v3;
	_ =	sdelay $0x2  }
0x14a: {  	[tilespmem:s26], [sflag:$0x1] =	stream.indirect_vreg.gather [hbm4b:s3+s1], $0x80, v4, vm0, $0xb8;
	[tilespmem:$0x10100] =	vst v63  }
0x14b: {  	_ = 	snop  }
0x14c: {  	[tilespmem:s28], [sflag:$0x1] =	stream.indirect_vreg.gather [hbm4b:s3+s1], $0x80, v3, vm0, $0xb8;
	[tilespmem:$0x10100] =	vst v63  }
0x14d: {  	v3 =	vld [tilespmem:$0x70];
	_ =	sdelay $0x4  }
0x14e: {  	v63 =	vshll.u32 v3, $0x1  }
0x14f: {  	v3 =	vand.u32 $0x7, v3;
	v4 =	vand.u32 $0xFFFFFFF0, v63  }
0x150: {  	v3 =	vor.u32 v3, v4  }
0x151: {  	v4 =	vperm.xlane v3, v0;
	_ =	sdelay $0x1  }
0x152: {  	v3 =	vperm.xlane v3, v2;
	v4 =	vadd.s32 v1, v4;
	_ =	sdelay $0x1  }
0x153: {  	v3 =	vadd.s32 v1, v3  }
.Ltmp8:
0x154: {  	_ = 	snop;
	(pc) =	sbr.rel .LBB2_9-.Ltmp8, $4  }
0x155: {  	_ = 	snop  }
0x156: {  	[tilespmem:s29], [sflag:$0x1] =	stream.indirect_vreg.gather [hbm4b:s3+s1], $0x80, v4, vm0, $0xb8;
	[tilespmem:$0x10100] =	vst v63  }
0x157: {  	_ = 	snop  }
0x158: {  	[tilespmem:s30], [sflag:$0x1] =	stream.indirect_vreg.gather [hbm4b:s3+s1], $0x80, v3, vm0, $0xb8;
	[tilespmem:$0x10100] =	vst v63  }
.LBB2_12:
0x159: {  	_ =	sfence.sel $0x180000  }
0x15a: {  	[bflag:$0x0] =	sbarrier.arrive $0xFFFF  }
0x15b: {  	_ =	strace $0x90000047  }
0x15c: {  	s0 =	stileid.u32;
	[bflag:$0x2] =	sbarrier.arrive $0xFFFF  }
0x15d: {  	p0 =	sne.s32 s0, $0x0;
	s0 =	rddreg [dreg:$0x1]  }
0x15e: {  	s0 =	sadd.s32 @!p0 $0x100000, s0  }
0x15f: {  	[sflag:s0] =	ssyncadd.tile.s32 @!p0 $0x1;
	_ =	shalt  }
.Lfunc_end2:
_tile_overlayer_lowered:
.L_overlay_start_2:
0x160: {  	(tag) =	ssettag $0x2  }
0x161: {  	s0 =	rddreg [dreg:$0x0];
	s2 =	stileid.u32  }
0x162: {  	s1 =	rddreg [dreg:$0x1];
	p0 =	sne.s32 s2, $0x0  }
0x163: {  	s3 =	rddreg [dreg:$0x2];
	[bflag:$0x3] =	sbarrier.arrive $0xFFFF;
	s2 =	simm.s32 @!p0 $0x1C05  }
0x164: {  	[timem:s3], [sflag:s2] =	dma.local @!p0 [hbm:s0], s1  }
0x165: {  	s0 =	simm.s32 @!p0 $0x5  }
0x166: {  	_ =	swait.ge @!p0 [sflag:s0], s1  }
0x167: {  	s1 =	ssub.s32 @!p0 $0x0, s1;
	[sflag:s0] =	ssyncset.done @!p0 $0x0  }
0x168: {  	[sflag:s0] =	ssyncadd.s32 @!p0 s1  }
0x169: {  	[bflag:$0x3] =	sbarrier.arrive $0xFFFF  }
0x16a: {  	_ =	shalt  }

</sc_bundles>
